<compile_context>
chip_gen: v7x
topology: tpu7x:2x2x1
jax: 0.10.2.dev20260603
libtpu: 0.0.44.dev20260713+nightly
codegen_flags: <defaults>
</compile_context>

<pallas_src>
import functools

import jax
import jax.numpy as jnp
from jax import lax
from jax.experimental import pallas as pl
from jax.experimental.pallas import tpu as pltpu
from jax.experimental.pallas import tpu_sc as plsc

_B = 4096
_L = 200
_V = 100000
_H = 32
_NL = 6
_D = 16
_NW = 32
_SPW = _B // _NW
_CPOS = 25
_NCH = _L // _CPOS
_IW = 128

_PK = 128 // _D
_SL = 12800
_VP = _SL * _PK
_TC_OUT = 3200
_TC_GRID = _SL // _TC_OUT


def _tc_table_body(*refs):
    wp = jnp.pad(refs[_PK][...], ((0, 0), (0, _D - _NL))) * (1.0 / _L)
    wbig = jnp.concatenate(
        [
            jnp.pad(wp, ((0, 0), (k * _D, 128 - _D - k * _D)))
            for k in range(_PK)
        ],
        axis=0,
    )
    out_ref = refs[_PK + 1]
    e_cat = jnp.concatenate([refs[k][...] for k in range(_PK)], axis=0)
    dn = (((0,), (0,)), ((), ()))
    out_ref[...] = lax.dot_general(
        e_cat, wbig, dn, preferred_element_type=jnp.float32
    )


def _make_table(emb_t, w_pad):
    in_specs = [
        pl.BlockSpec((_H, _TC_OUT), lambda i, k=k: (0, k * _TC_GRID + i))
        for k in range(_PK)
    ]
    in_specs.append(pl.BlockSpec((_H, _NL), lambda i: (0, 0)))
    return pl.pallas_call(
        _tc_table_body,
        grid=(_TC_GRID,),
        in_specs=in_specs,
        out_specs=pl.BlockSpec((_TC_OUT, 128), lambda i: (i, 0)),
        out_shape=jax.ShapeDtypeStruct((_SL, 128), jnp.float32),
        compiler_params=pltpu.CompilerParams(fuse_transposed_lhs_in_matmul=True),
    )(*([emb_t] * _PK), w_pad)


def _sc_pool(ids4, embw, b_raw):
    mesh = plsc.VectorSubcoreMesh(core_axis_name="c", subcore_axis_name="s")

    @functools.partial(
        pl.kernel,
        out_type=jax.ShapeDtypeStruct((_B, _D), jnp.float32),
        mesh=mesh,
        scratch_types=[
            pltpu.VMEM((_L // 8, 8, _SPW), jnp.int32),
            pltpu.VMEM((2, _CPOS * _IW, _D), jnp.float32),
            pltpu.VMEM((_SPW, _D), jnp.float32),
            pltpu.VMEM((_D,), jnp.float32),
            pltpu.SemaphoreType.DMA,
            pltpu.SemaphoreType.DMA,
        ],
        compiler_params=pltpu.CompilerParams(use_tc_tiling_on_sc=False),
    )
    def k(ids_hbm, embw_hbm, b_hbm, out_hbm, idx_v, rows_v, pool_v,
          b_v, sem0, sem1):
        cid = lax.axis_index("c")
        sid = lax.axis_index("s")
        wid = cid * 16 + sid
        seq0 = pl.multiple_of(wid * _SPW, _SPW)

        b_v[...] = jnp.zeros((_D,), jnp.float32)
        pltpu.sync_copy(b_hbm, b_v.at[pl.ds(0, _NL)])

        def remap(p, carry):
            row = idx_v.at[p // 8, p % 8]
            for u in range(_SPW // 16):
                v = row[pl.ds(u * 16, 16)]
                q = ((v.astype(jnp.float32) + 0.5) * (1.0 / _SL)).astype(
                    jnp.int32
                )
                row[pl.ds(u * 16, 16)] = ((v - q * _SL) << 3) | q
            return carry

        def gather(c, j, buf, sem):
            p = c * _CPOS + j
            return pltpu.make_async_copy(
                embw_hbm.at[idx_v.at[p // 8, p % 8]],
                rows_v.at[buf, pl.ds(j * _IW, _IW), :],
                sem,
            )

        def start(c, buf, sem):
            lax.fori_loop(c * _CPOS, (c + 1) * _CPOS, remap, 0)

            def fire(j, carry):
                gather(c, j, buf, sem).start()
                return carry

            lax.fori_loop(0, _CPOS, fire, 0)

        def finish_and_reduce(c, buf, sem):
            def drain(j, carry):
                gather(c, j, buf, sem).wait()
                return carry

            lax.fori_loop(0, _CPOS, drain, 0)

            def seq_body(s, carry):
                accs = [jnp.zeros((_D,), jnp.float32)] * 5
                for j in range(_CPOS):
                    accs[j % 5] = accs[j % 5] + rows_v[buf, j * _IW + s, :]
                acc = ((accs[0] + accs[1]) + (accs[2] + accs[3])) + accs[4]
                pool_v[s, :] = pool_v[s, :] + acc
                return carry

            lax.fori_loop(0, _SPW, seq_body, 0)

        pltpu.sync_copy(ids_hbm.at[pl.ds(0, 4), wid, :, :],
                        idx_v.at[pl.ds(0, 4)])
        start(0, 0, sem0)
        pltpu.sync_copy(ids_hbm.at[pl.ds(4, _L // 8 - 4), wid, :, :],
                        idx_v.at[pl.ds(4, _L // 8 - 4)])
        bias = b_v[...]

        def pool_init(s, carry):
            pool_v[s, :] = bias
            return carry

        lax.fori_loop(0, _SPW, pool_init, 0)

        def pair(cc, carry):
            c = cc * 2
            start(c + 1, 1, sem1)
            finish_and_reduce(c, 0, sem0)

            @pl.when(cc < _NCH // 2 - 1)
            def _():
                start(c + 2, 0, sem0)

            finish_and_reduce(c + 1, 1, sem1)
            return carry

        lax.fori_loop(0, _NCH // 2, pair, 0)

        pltpu.sync_copy(pool_v, out_hbm.at[pl.ds(seq0, _SPW), :])

    return k(ids4, embw, b_raw)


def kernel(input_ids, attention_mask, emb, W, b):
    del attention_mask
    ids4 = (
        input_ids.T.astype(jnp.int32)
        .reshape(_L // 8, 8, _NW, _IW)
        .transpose(0, 2, 1, 3)
    )
    embw = _make_table(emb.T, W).reshape(_VP, _D)
    out = _sc_pool(ids4, embw, b)
    return out[:, :_NL]

# --- scband reference (transcript-rebuilt; emitter-appended) ---
"""Pipeline reference for scband-dummy-sequence-classifier-47296179863697 (READ-ONLY COPY).

The authoritative reference and input builder live on the scoring server;
editing this copy changes nothing except your own understanding.
"""

import jax, jax.numpy as jnp
import numpy as np

VOCAB = 100000
HIDDEN = 32
NUM_LABELS = 6
B = 4096
L = 200

def setup_inputs(seed: int = 0) -> dict:
    key = jax.random.key(seed)
    k1, k2, k3 = jax.random.split(key, 3)
    input_ids = jax.random.randint(k1, (B, L), 0, VOCAB, dtype=jnp.int64 if jax.config.jax_enable_x64 else jnp.int32)
    attention_mask = jnp.ones((B, L), dtype=input_ids.dtype)
    emb = jax.random.normal(k2, (VOCAB, HIDDEN), dtype=jnp.float32) * 0.02
    W = jax.random.normal(k3, (HIDDEN, NUM_LABELS), dtype=jnp.float32) * (1.0 / np.sqrt(HIDDEN))
    b = jnp.zeros((NUM_LABELS,), dtype=jnp.float32)
    return {"input_ids": input_ids, "attention_mask": attention_mask, "emb": emb, "W": W, "b": b}

def reference(input_ids, attention_mask, emb, W, b):
    # attention_mask is deleted in the original forward
    del attention_mask
    # embedding lookup: gather rows of the table -> [B, L, HIDDEN]
    gathered = jnp.take(emb, input_ids, axis=0)
    # mean-pool over sequence dim
    pooled = gathered.mean(axis=1)
    # linear head
    logits = pooled @ W + b
    # labels=None in this configuration, so loss is None; return logits only
    return logits

if __name__ == "__main__":
    import jax
    _d = setup_inputs()
    print(jax.jit(kernel)(*tuple(_d.values())))

</pallas_src>

<mosaic_0001>
#map = affine_map<(d0, d1) -> (0, 0, 0, 0)>
#map1 = affine_map<(d0, d1) -> (0, 0)>
#map2 = affine_map<(d0, d1) -> (0)>
module attributes {stable_mosaic.version = 14 : i64} {
  func.func @k(%arg0: i32, %arg1: i32, %arg2: memref<25x32x8x128xi32, #tpu.memory_space<hbm>>, %arg3: memref<102400x16xf32, #tpu.memory_space<hbm>>, %arg4: memref<6xf32, #tpu.memory_space<hbm>>, %arg5: memref<4096x16xf32, #tpu.memory_space<hbm>>, %arg6: memref<25x8x128xi32, #tpu.memory_space<vmem>>, %arg7: memref<2x3200x16xf32, #tpu.memory_space<vmem>>, %arg8: memref<128x16xf32, #tpu.memory_space<vmem>>, %arg9: memref<16xf32, #tpu.memory_space<vmem>>, %arg10: memref<!tpu.dma_semaphore, #tpu.memory_space<semaphore_mem>>, %arg11: memref<!tpu.dma_semaphore, #tpu.memory_space<semaphore_mem>>) attributes {dimension_semantics = [#tpu.dimension_semantics<core_parallel>, #tpu.dimension_semantics<subcore_parallel>], iteration_bounds = array<i64: 2, 16>, scalar_prefetch = 0 : i64, scratch_operands = 6 : i64, tpu.core_type = #tpu.core_type<sc_vector_subcore>, window_params = [{transform_indices = #map}, {transform_indices = #map1}, {transform_indices = #map2}, {transform_indices = #map1}]} {
    %mul3A = arith.constant 16 : i32
    %mul3A_0 = arith.muli %arg0, %mul3A : i32
    %add3A = arith.addi %mul3A_0, %arg1 : i32
    %mul3A_1 = arith.constant 128 : i32
    %mul3A_2 = arith.muli %add3A, %mul3A_1 : i32
    %multiple_of3A = tpu.assume_multiple %mul3A_2, 128 : i32
    %broadcast_in_dim3A = arith.constant 0.000000e+00 : f32
    %broadcast_in_dim3A_3 = vector.broadcast %broadcast_in_dim3A : f32 to vector<16xf32>
    %swap3A = arith.constant 0 : index
    %swap3A_4 = tpu.vector_load %arg9[%swap3A] {strides = array<i32>} : memref<16xf32, #tpu.memory_space<vmem>>, vector<16xf32>,
    %swap3A_5 = vector.shape_cast %swap3A_4 : vector<16xf32> to vector<16xf32>
    %swap3A_6 = vector.shape_cast %broadcast_in_dim3A_3 : vector<16xf32> to vector<16xf32>
    tpu.vector_store %arg9[%swap3A], %swap3A_6 {strides = array<i32>} : memref<16xf32, #tpu.memory_space<vmem>>, vector<16xf32>,
    "tpu.region"() ({
      %run_scoped3A = tpu.sem_alloc : memref<!tpu.dma_semaphore, #tpu.memory_space<semaphore_mem>>
      %dma_start3A = arith.constant 0 : i32
      %dma_start3A_32 = tpu.memref_slice %arg9[%dma_start3A] : memref<16xf32, #tpu.memory_space<vmem>> -> memref<6xf32, #tpu.memory_space<vmem>>
      %dma_start3A_33 = arith.constant 0 : i32
      %dma_start3A_34 = tpu.memref_slice %arg9[%dma_start3A_33] : memref<16xf32, #tpu.memory_space<vmem>> -> memref<6xf32, #tpu.memory_space<vmem>>
      tpu.enqueue_dma source(%arg4 : memref<6xf32, #tpu.memory_space<hbm>>) target(%dma_start3A_34 : memref<6xf32, #tpu.memory_space<vmem>>) target_semaphore(%run_scoped3A : memref<!tpu.dma_semaphore, #tpu.memory_space<semaphore_mem>>)
      %dma_wait3A = arith.constant 0 : i32
      %dma_wait3A_35 = tpu.memref_slice %arg9[%dma_wait3A] : memref<16xf32, #tpu.memory_space<vmem>> -> memref<6xf32, #tpu.memory_space<vmem>>
      %dma_wait3A_36 = arith.constant 0 : i32
      %dma_wait3A_37 = tpu.memref_slice %arg9[%dma_wait3A_36] : memref<16xf32, #tpu.memory_space<vmem>> -> memref<6xf32, #tpu.memory_space<vmem>>
      tpu.wait_dma2 semaphore(%run_scoped3A : memref<!tpu.dma_semaphore, #tpu.memory_space<semaphore_mem>>) src(%arg4 : memref<6xf32, #tpu.memory_space<hbm>>) dst(%dma_wait3A_37 : memref<6xf32, #tpu.memory_space<vmem>>)
      tpu.yield
    }) : () -> ()
    "tpu.region"() ({
      %run_scoped3A = tpu.sem_alloc : memref<!tpu.dma_semaphore, #tpu.memory_space<semaphore_mem>>
      %dma_start3A = arith.constant 0 : i32
      %dma_start3A_32 = arith.constant 0 : i32
      %dma_start3A_33 = arith.constant 0 : i32
      %dma_start3A_34 = tpu.memref_slice %arg6[%dma_start3A, %dma_start3A_32, %dma_start3A_33] : memref<25x8x128xi32, #tpu.memory_space<vmem>> -> memref<4x8x128xi32, #tpu.memory_space<vmem>>
      %dma_start3A_35 = arith.constant 0 : i32
      %dma_start3A_36 = arith.constant 0 : i32
      %dma_start3A_37 = arith.constant 0 : i32
      %dma_start3A_38 = tpu.memref_slice %arg2[%dma_start3A_35, %add3A, %dma_start3A_36, %dma_start3A_37] : memref<25x32x8x128xi32, #tpu.memory_space<hbm>> -> memref<4x1x8x128xi32, #tpu.memory_space<hbm>>
      %dma_start3A_39 = tpu.memref_squeeze %dma_start3A_38 : memref<4x1x8x128xi32, #tpu.memory_space<hbm>> -> memref<4x8x128xi32, #tpu.memory_space<hbm>>
      %dma_start3A_40 = arith.constant 0 : i32
      %dma_start3A_41 = arith.constant 0 : i32
      %dma_start3A_42 = arith.constant 0 : i32
      %dma_start3A_43 = tpu.memref_slice %arg6[%dma_start3A_40, %dma_start3A_41, %dma_start3A_42] : memref<25x8x128xi32, #tpu.memory_space<vmem>> -> memref<4x8x128xi32, #tpu.memory_space<vmem>>
      %dma_start3A_44 = arith.constant 0 : i32
      %dma_start3A_45 = arith.constant 0 : i32
      %dma_start3A_46 = arith.constant 0 : i32
      %dma_start3A_47 = tpu.memref_slice %arg2[%dma_start3A_44, %add3A, %dma_start3A_45, %dma_start3A_46] : memref<25x32x8x128xi32, #tpu.memory_space<hbm>> -> memref<4x1x8x128xi32, #tpu.memory_space<hbm>>
      %dma_start3A_48 = tpu.memref_squeeze %dma_start3A_47 : memref<4x1x8x128xi32, #tpu.memory_space<hbm>> -> memref<4x8x128xi32, #tpu.memory_space<hbm>>
      tpu.enqueue_dma source(%dma_start3A_48 : memref<4x8x128xi32, #tpu.memory_space<hbm>>) target(%dma_start3A_43 : memref<4x8x128xi32, #tpu.memory_space<vmem>>) target_semaphore(%run_scoped3A : memref<!tpu.dma_semaphore, #tpu.memory_space<semaphore_mem>>)
      %dma_wait3A = arith.constant 0 : i32
      %dma_wait3A_49 = arith.constant 0 : i32
      %dma_wait3A_50 = arith.constant 0 : i32
      %dma_wait3A_51 = tpu.memref_slice %arg6[%dma_wait3A, %dma_wait3A_49, %dma_wait3A_50] : memref<25x8x128xi32, #tpu.memory_space<vmem>> -> memref<4x8x128xi32, #tpu.memory_space<vmem>>
      %dma_wait3A_52 = arith.constant 0 : i32
      %dma_wait3A_53 = arith.constant 0 : i32
      %dma_wait3A_54 = arith.constant 0 : i32
      %dma_wait3A_55 = tpu.memref_slice %arg2[%dma_wait3A_52, %add3A, %dma_wait3A_53, %dma_wait3A_54] : memref<25x32x8x128xi32, #tpu.memory_space<hbm>> -> memref<4x1x8x128xi32, #tpu.memory_space<hbm>>
      %dma_wait3A_56 = tpu.memref_squeeze %dma_wait3A_55 : memref<4x1x8x128xi32, #tpu.memory_space<hbm>> -> memref<4x8x128xi32, #tpu.memory_space<hbm>>
      %dma_wait3A_57 = arith.constant 0 : i32
      %dma_wait3A_58 = arith.constant 0 : i32
      %dma_wait3A_59 = arith.constant 0 : i32
      %dma_wait3A_60 = tpu.memref_slice %arg6[%dma_wait3A_57, %dma_wait3A_58, %dma_wait3A_59] : memref<25x8x128xi32, #tpu.memory_space<vmem>> -> memref<4x8x128xi32, #tpu.memory_space<vmem>>
      %dma_wait3A_61 = arith.constant 0 : i32
      %dma_wait3A_62 = arith.constant 0 : i32
      %dma_wait3A_63 = arith.constant 0 : i32
      %dma_wait3A_64 = tpu.memref_slice %arg2[%dma_wait3A_61, %add3A, %dma_wait3A_62, %dma_wait3A_63] : memref<25x32x8x128xi32, #tpu.memory_space<hbm>> -> memref<4x1x8x128xi32, #tpu.memory_space<hbm>>
      %dma_wait3A_65 = tpu.memref_squeeze %dma_wait3A_64 : memref<4x1x8x128xi32, #tpu.memory_space<hbm>> -> memref<4x8x128xi32, #tpu.memory_space<hbm>>
      tpu.wait_dma2 semaphore(%run_scoped3A : memref<!tpu.dma_semaphore, #tpu.memory_space<semaphore_mem>>) src(%dma_wait3A_65 : memref<4x8x128xi32, #tpu.memory_space<hbm>>) dst(%dma_wait3A_60 : memref<4x8x128xi32, #tpu.memory_space<vmem>>)
      tpu.yield
    }) : () -> ()
    %scan3A = arith.constant 0 : i32
    %scan3A_7 = arith.constant 0 : i32
    %scan3A_8 = arith.constant 25 : i32
    %scan3A_9 = arith.addi %scan3A_7, %scan3A_8 : i32
    %scan3A_10 = arith.constant 1 : i32
    scf.for %scan3A_32 = %scan3A_7 to %scan3A_9 step %scan3A_10  : i32 {
      %jit3A = arith.constant 8 : i32
      %div3A = arith.divsi %scan3A_32, %jit3A : i32
      %sign3A = arith.constant 0 : i32
      %sign3A_33 = arith.cmpi sgt, %scan3A_32, %sign3A : i32
      %sign3A_34 = arith.extui %sign3A_33 : i1 to i32
      %sign3A_35 = arith.constant 0 : i32
      %sign3A_36 = arith.cmpi slt, %scan3A_32, %sign3A_35 : i32
      %sign3A_37 = arith.extui %sign3A_36 : i1 to i32
      %sign3A_38 = arith.subi %sign3A_34, %sign3A_37 : i32
      %sign3A_39 = arith.constant 0 : i32
      %sign3A_40 = arith.cmpi sgt, %jit3A, %sign3A_39 : i32
      %sign3A_41 = arith.extui %sign3A_40 : i1 to i32
      %sign3A_42 = arith.constant 0 : i32
      %sign3A_43 = arith.cmpi slt, %jit3A, %sign3A_42 : i32
      %sign3A_44 = arith.extui %sign3A_43 : i1 to i32
      %sign3A_45 = arith.subi %sign3A_41, %sign3A_44 : i32
      %ne3A = arith.cmpi ne, %sign3A_38, %sign3A_45 : i32
      %rem3A = arith.remsi %scan3A_32, %jit3A : i32
      %ne3A_46 = arith.constant 0 : i32
      %ne3A_47 = arith.cmpi ne, %rem3A, %ne3A_46 : i32
      %and3A = arith.andi %ne3A, %ne3A_47 : i1
      %sub3A = arith.constant 1 : i32
      %sub3A_48 = arith.subi %div3A, %sub3A : i32
      %select_n3A = arith.select %and3A, %sub3A_48, %div3A : i32
      %jit3A_49 = arith.constant 8 : i32
      %eq3A = arith.constant 0 : i32
      %eq3A_50 = arith.cmpi eq, %jit3A_49, %eq3A : i32
      %jit3A_51 = arith.constant 1 : i32
      %select_n3A_52 = arith.select %eq3A_50, %jit3A_51, %jit3A_49 : i32
      %rem3A_53 = arith.remsi %scan3A_32, %select_n3A_52 : i32
      %ne3A_54 = arith.constant 0 : i32
      %ne3A_55 = arith.cmpi ne, %rem3A_53, %ne3A_54 : i32
      %lt3A = arith.constant 0 : i32
      %lt3A_56 = arith.cmpi slt, %rem3A_53, %lt3A : i32
      %lt3A_57 = arith.constant 0 : i32
      %lt3A_58 = arith.cmpi slt, %select_n3A_52, %lt3A_57 : i32
      %ne3A_59 = arith.xori %lt3A_56, %lt3A_58 : i1
      %and3A_60 = arith.andi %ne3A_59, %ne3A_55 : i1
      %add3A_61 = arith.addi %rem3A_53, %select_n3A_52 : i32
      %select_n3A_62 = arith.select %and3A_60, %add3A_61, %rem3A_53 : i32
      %get3A_63 = arith.constant 0 : i32
      %get3A_64 = tpu.memref_slice %arg6[%select_n3A, %select_n3A_62, %get3A_63] : memref<25x8x128xi32, #tpu.memory_space<vmem>> -> memref<1x1x128xi32, #tpu.memory_space<vmem>>
      %get3A_65 = tpu.memref_squeeze %get3A_64 : memref<1x1x128xi32, #tpu.memory_space<vmem>> -> memref<128xi32, #tpu.memory_space<vmem>>
      %get3A_66 = arith.constant 0 : index
      %get3A_67 = tpu.vector_load %get3A_65[%get3A_66] {strides = array<i32>} : memref<128xi32, #tpu.memory_space<vmem>>, vector<16xi32>,
      %get3A_68 = vector.shape_cast %get3A_67 : vector<16xi32> to vector<16xi32>
      %convert_element_type3A = arith.sitofp %get3A_68 : vector<16xi32> to vector<16xf32>
      %add3A_69 = arith.constant 5.000000e-01 : f32
      %add3A_70 = vector.broadcast %add3A_69 : f32 to vector<16xf32>
      %add3A_71 = arith.addf %convert_element_type3A, %add3A_70 : vector<16xf32>
      %mul3A_72 = arith.constant 7.812500e-05 : f32
      %mul3A_73 = vector.broadcast %mul3A_72 : f32 to vector<16xf32>
      %mul3A_74 = arith.mulf %add3A_71, %mul3A_73 : vector<16xf32>
      %convert_element_type3A_75 = arith.fptosi %mul3A_74 : vector<16xf32> to vector<16xi32>
      %mul3A_76 = arith.constant 12800 : i32
      %mul3A_77 = vector.broadcast %mul3A_76 : i32 to vector<16xi32>
      %mul3A_78 = arith.muli %convert_element_type3A_75, %mul3A_77 : vector<16xi32>
      %sub3A_79 = arith.subi %get3A_68, %mul3A_78 : vector<16xi32>
      %shift_left3A = arith.constant 3 : i32
      %shift_left3A_80 = vector.broadcast %shift_left3A : i32 to vector<16xi32>
      %shift_left3A_81 = arith.shli %sub3A_79, %shift_left3A_80 : vector<16xi32>
      %or3A = arith.ori %shift_left3A_81, %convert_element_type3A_75 : vector<16xi32>
      %swap3A_82 = arith.constant 0 : i32
      %swap3A_83 = tpu.memref_slice %arg6[%select_n3A, %select_n3A_62, %swap3A_82] : memref<25x8x128xi32, #tpu.memory_space<vmem>> -> memref<1x1x128xi32, #tpu.memory_space<vmem>>
      %swap3A_84 = tpu.memref_squeeze %swap3A_83 : memref<1x1x128xi32, #tpu.memory_space<vmem>> -> memref<128xi32, #tpu.memory_space<vmem>>
      %swap3A_85 = arith.constant 0 : index
      %swap3A_86 = tpu.vector_load %swap3A_84[%swap3A_85] {strides = array<i32>} : memref<128xi32, #tpu.memory_space<vmem>>, vector<16xi32>,
      %swap3A_87 = vector.shape_cast %swap3A_86 : vector<16xi32> to vector<16xi32>
      %swap3A_88 = vector.shape_cast %or3A : vector<16xi32> to vector<16xi32>
      tpu.vector_store %swap3A_84[%swap3A_85], %swap3A_88 {strides = array<i32>} : memref<128xi32, #tpu.memory_space<vmem>>, vector<16xi32>,
      %get3A_89 = arith.constant 0 : i32
      %get3A_90 = tpu.memref_slice %arg6[%select_n3A, %select_n3A_62, %get3A_89] : memref<25x8x128xi32, #tpu.memory_space<vmem>> -> memref<1x1x128xi32, #tpu.memory_space<vmem>>
      %get3A_91 = tpu.memref_squeeze %get3A_90 : memref<1x1x128xi32, #tpu.memory_space<vmem>> -> memref<128xi32, #tpu.memory_space<vmem>>
      %get3A_92 = arith.constant 16 : index
      %get3A_93 = tpu.vector_load %get3A_91[%get3A_92] {strides = array<i32>} : memref<128xi32, #tpu.memory_space<vmem>>, vector<16xi32>,
      %get3A_94 = vector.shape_cast %get3A_93 : vector<16xi32> to vector<16xi32>
      %convert_element_type3A_95 = arith.sitofp %get3A_94 : vector<16xi32> to vector<16xf32>
      %add3A_96 = arith.constant 5.000000e-01 : f32
      %add3A_97 = vector.broadcast %add3A_96 : f32 to vector<16xf32>
      %add3A_98 = arith.addf %convert_element_type3A_95, %add3A_97 : vector<16xf32>
      %mul3A_99 = arith.constant 7.812500e-05 : f32
      %mul3A_100 = vector.broadcast %mul3A_99 : f32 to vector<16xf32>
      %mul3A_101 = arith.mulf %add3A_98, %mul3A_100 : vector<16xf32>
      %convert_element_type3A_102 = arith.fptosi %mul3A_101 : vector<16xf32> to vector<16xi32>
      %mul3A_103 = arith.constant 12800 : i32
      %mul3A_104 = vector.broadcast %mul3A_103 : i32 to vector<16xi32>
      %mul3A_105 = arith.muli %convert_element_type3A_102, %mul3A_104 : vector<16xi32>
      %sub3A_106 = arith.subi %get3A_94, %mul3A_105 : vector<16xi32>
      %shift_left3A_107 = arith.constant 3 : i32
      %shift_left3A_108 = vector.broadcast %shift_left3A_107 : i32 to vector<16xi32>
      %shift_left3A_109 = arith.shli %sub3A_106, %shift_left3A_108 : vector<16xi32>
      %or3A_110 = arith.ori %shift_left3A_109, %convert_element_type3A_102 : vector<16xi32>
      %swap3A_111 = arith.constant 0 : i32
      %swap3A_112 = tpu.memref_slice %arg6[%select_n3A, %select_n3A_62, %swap3A_111] : memref<25x8x128xi32, #tpu.memory_space<vmem>> -> memref<1x1x128xi32, #tpu.memory_space<vmem>>
      %swap3A_113 = tpu.memref_squeeze %swap3A_112 : memref<1x1x128xi32, #tpu.memory_space<vmem>> -> memref<128xi32, #tpu.memory_space<vmem>>
      %swap3A_114 = arith.constant 16 : index
      %swap3A_115 = tpu.vector_load %swap3A_113[%swap3A_114] {strides = array<i32>} : memref<128xi32, #tpu.memory_space<vmem>>, vector<16xi32>,
      %swap3A_116 = vector.shape_cast %swap3A_115 : vector<16xi32> to vector<16xi32>
      %swap3A_117 = vector.shape_cast %or3A_110 : vector<16xi32> to vector<16xi32>
      tpu.vector_store %swap3A_113[%swap3A_114], %swap3A_117 {strides = array<i32>} : memref<128xi32, #tpu.memory_space<vmem>>, vector<16xi32>,
      %get3A_118 = arith.constant 0 : i32
      %get3A_119 = tpu.memref_slice %arg6[%select_n3A, %select_n3A_62, %get3A_118] : memref<25x8x128xi32, #tpu.memory_space<vmem>> -> memref<1x1x128xi32, #tpu.memory_space<vmem>>
      %get3A_120 = tpu.memref_squeeze %get3A_119 : memref<1x1x128xi32, #tpu.memory_space<vmem>> -> memref<128xi32, #tpu.memory_space<vmem>>
      %get3A_121 = arith.constant 32 : index
      %get3A_122 = tpu.vector_load %get3A_120[%get3A_121] {strides = array<i32>} : memref<128xi32, #tpu.memory_space<vmem>>, vector<16xi32>,
      %get3A_123 = vector.shape_cast %get3A_122 : vector<16xi32> to vector<16xi32>
      %convert_element_type3A_124 = arith.sitofp %get3A_123 : vector<16xi32> to vector<16xf32>
      %add3A_125 = arith.constant 5.000000e-01 : f32
      %add3A_126 = vector.broadcast %add3A_125 : f32 to vector<16xf32>
      %add3A_127 = arith.addf %convert_element_type3A_124, %add3A_126 : vector<16xf32>
      %mul3A_128 = arith.constant 7.812500e-05 : f32
      %mul3A_129 = vector.broadcast %mul3A_128 : f32 to vector<16xf32>
      %mul3A_130 = arith.mulf %add3A_127, %mul3A_129 : vector<16xf32>
      %convert_element_type3A_131 = arith.fptosi %mul3A_130 : vector<16xf32> to vector<16xi32>
      %mul3A_132 = arith.constant 12800 : i32
      %mul3A_133 = vector.broadcast %mul3A_132 : i32 to vector<16xi32>
      %mul3A_134 = arith.muli %convert_element_type3A_131, %mul3A_133 : vector<16xi32>
      %sub3A_135 = arith.subi %get3A_123, %mul3A_134 : vector<16xi32>
      %shift_left3A_136 = arith.constant 3 : i32
      %shift_left3A_137 = vector.broadcast %shift_left3A_136 : i32 to vector<16xi32>
      %shift_left3A_138 = arith.shli %sub3A_135, %shift_left3A_137 : vector<16xi32>
      %or3A_139 = arith.ori %shift_left3A_138, %convert_element_type3A_131 : vector<16xi32>
      %swap3A_140 = arith.constant 0 : i32
      %swap3A_141 = tpu.memref_slice %arg6[%select_n3A, %select_n3A_62, %swap3A_140] : memref<25x8x128xi32, #tpu.memory_space<vmem>> -> memref<1x1x128xi32, #tpu.memory_space<vmem>>
      %swap3A_142 = tpu.memref_squeeze %swap3A_141 : memref<1x1x128xi32, #tpu.memory_space<vmem>> -> memref<128xi32, #tpu.memory_space<vmem>>
      %swap3A_143 = arith.constant 32 : index
      %swap3A_144 = tpu.vector_load %swap3A_142[%swap3A_143] {strides = array<i32>} : memref<128xi32, #tpu.memory_space<vmem>>, vector<16xi32>,
      %swap3A_145 = vector.shape_cast %swap3A_144 : vector<16xi32> to vector<16xi32>
      %swap3A_146 = vector.shape_cast %or3A_139 : vector<16xi32> to vector<16xi32>
      tpu.vector_store %swap3A_142[%swap3A_143], %swap3A_146 {strides = array<i32>} : memref<128xi32, #tpu.memory_space<vmem>>, vector<16xi32>,
      %get3A_147 = arith.constant 0 : i32
      %get3A_148 = tpu.memref_slice %arg6[%select_n3A, %select_n3A_62, %get3A_147] : memref<25x8x128xi32, #tpu.memory_space<vmem>> -> memref<1x1x128xi32, #tpu.memory_space<vmem>>
      %get3A_149 = tpu.memref_squeeze %get3A_148 : memref<1x1x128xi32, #tpu.memory_space<vmem>> -> memref<128xi32, #tpu.memory_space<vmem>>
      %get3A_150 = arith.constant 48 : index
      %get3A_151 = tpu.vector_load %get3A_149[%get3A_150] {strides = array<i32>} : memref<128xi32, #tpu.memory_space<vmem>>, vector<16xi32>,
      %get3A_152 = vector.shape_cast %get3A_151 : vector<16xi32> to vector<16xi32>
      %convert_element_type3A_153 = arith.sitofp %get3A_152 : vector<16xi32> to vector<16xf32>
      %add3A_154 = arith.constant 5.000000e-01 : f32
      %add3A_155 = vector.broadcast %add3A_154 : f32 to vector<16xf32>
      %add3A_156 = arith.addf %convert_element_type3A_153, %add3A_155 : vector<16xf32>
      %mul3A_157 = arith.constant 7.812500e-05 : f32
      %mul3A_158 = vector.broadcast %mul3A_157 : f32 to vector<16xf32>
      %mul3A_159 = arith.mulf %add3A_156, %mul3A_158 : vector<16xf32>
      %convert_element_type3A_160 = arith.fptosi %mul3A_159 : vector<16xf32> to vector<16xi32>
      %mul3A_161 = arith.constant 12800 : i32
      %mul3A_162 = vector.broadcast %mul3A_161 : i32 to vector<16xi32>
      %mul3A_163 = arith.muli %convert_element_type3A_160, %mul3A_162 : vector<16xi32>
      %sub3A_164 = arith.subi %get3A_152, %mul3A_163 : vector<16xi32>
      %shift_left3A_165 = arith.constant 3 : i32
      %shift_left3A_166 = vector.broadcast %shift_left3A_165 : i32 to vector<16xi32>
      %shift_left3A_167 = arith.shli %sub3A_164, %shift_left3A_166 : vector<16xi32>
      %or3A_168 = arith.ori %shift_left3A_167, %convert_element_type3A_160 : vector<16xi32>
      %swap3A_169 = arith.constant 0 : i32
      %swap3A_170 = tpu.memref_slice %arg6[%select_n3A, %select_n3A_62, %swap3A_169] : memref<25x8x128xi32, #tpu.memory_space<vmem>> -> memref<1x1x128xi32, #tpu.memory_space<vmem>>
      %swap3A_171 = tpu.memref_squeeze %swap3A_170 : memref<1x1x128xi32, #tpu.memory_space<vmem>> -> memref<128xi32, #tpu.memory_space<vmem>>
      %swap3A_172 = arith.constant 48 : index
      %swap3A_173 = tpu.vector_load %swap3A_171[%swap3A_172] {strides = array<i32>} : memref<128xi32, #tpu.memory_space<vmem>>, vector<16xi32>,
      %swap3A_174 = vector.shape_cast %swap3A_173 : vector<16xi32> to vector<16xi32>
      %swap3A_175 = vector.shape_cast %or3A_168 : vector<16xi32> to vector<16xi32>
      tpu.vector_store %swap3A_171[%swap3A_172], %swap3A_175 {strides = array<i32>} : memref<128xi32, #tpu.memory_space<vmem>>, vector<16xi32>,
      %get3A_176 = arith.constant 0 : i32
      %get3A_177 = tpu.memref_slice %arg6[%select_n3A, %select_n3A_62, %get3A_176] : memref<25x8x128xi32, #tpu.memory_space<vmem>> -> memref<1x1x128xi32, #tpu.memory_space<vmem>>
      %get3A_178 = tpu.memref_squeeze %get3A_177 : memref<1x1x128xi32, #tpu.memory_space<vmem>> -> memref<128xi32, #tpu.memory_space<vmem>>
      %get3A_179 = arith.constant 64 : index
      %get3A_180 = tpu.vector_load %get3A_178[%get3A_179] {strides = array<i32>} : memref<128xi32, #tpu.memory_space<vmem>>, vector<16xi32>,
      %get3A_181 = vector.shape_cast %get3A_180 : vector<16xi32> to vector<16xi32>
      %convert_element_type3A_182 = arith.sitofp %get3A_181 : vector<16xi32> to vector<16xf32>
      %add3A_183 = arith.constant 5.000000e-01 : f32
      %add3A_184 = vector.broadcast %add3A_183 : f32 to vector<16xf32>
      %add3A_185 = arith.addf %convert_element_type3A_182, %add3A_184 : vector<16xf32>
      %mul3A_186 = arith.constant 7.812500e-05 : f32
      %mul3A_187 = vector.broadcast %mul3A_186 : f32 to vector<16xf32>
      %mul3A_188 = arith.mulf %add3A_185, %mul3A_187 : vector<16xf32>
      %convert_element_type3A_189 = arith.fptosi %mul3A_188 : vector<16xf32> to vector<16xi32>
      %mul3A_190 = arith.constant 12800 : i32
      %mul3A_191 = vector.broadcast %mul3A_190 : i32 to vector<16xi32>
      %mul3A_192 = arith.muli %convert_element_type3A_189, %mul3A_191 : vector<16xi32>
      %sub3A_193 = arith.subi %get3A_181, %mul3A_192 : vector<16xi32>
      %shift_left3A_194 = arith.constant 3 : i32
      %shift_left3A_195 = vector.broadcast %shift_left3A_194 : i32 to vector<16xi32>
      %shift_left3A_196 = arith.shli %sub3A_193, %shift_left3A_195 : vector<16xi32>
      %or3A_197 = arith.ori %shift_left3A_196, %convert_element_type3A_189 : vector<16xi32>
      %swap3A_198 = arith.constant 0 : i32
      %swap3A_199 = tpu.memref_slice %arg6[%select_n3A, %select_n3A_62, %swap3A_198] : memref<25x8x128xi32, #tpu.memory_space<vmem>> -> memref<1x1x128xi32, #tpu.memory_space<vmem>>
      %swap3A_200 = tpu.memref_squeeze %swap3A_199 : memref<1x1x128xi32, #tpu.memory_space<vmem>> -> memref<128xi32, #tpu.memory_space<vmem>>
      %swap3A_201 = arith.constant 64 : index
      %swap3A_202 = tpu.vector_load %swap3A_200[%swap3A_201] {strides = array<i32>} : memref<128xi32, #tpu.memory_space<vmem>>, vector<16xi32>,
      %swap3A_203 = vector.shape_cast %swap3A_202 : vector<16xi32> to vector<16xi32>
      %swap3A_204 = vector.shape_cast %or3A_197 : vector<16xi32> to vector<16xi32>
      tpu.vector_store %swap3A_200[%swap3A_201], %swap3A_204 {strides = array<i32>} : memref<128xi32, #tpu.memory_space<vmem>>, vector<16xi32>,
      %get3A_205 = arith.constant 0 : i32
      %get3A_206 = tpu.memref_slice %arg6[%select_n3A, %select_n3A_62, %get3A_205] : memref<25x8x128xi32, #tpu.memory_space<vmem>> -> memref<1x1x128xi32, #tpu.memory_space<vmem>>
      %get3A_207 = tpu.memref_squeeze %get3A_206 : memref<1x1x128xi32, #tpu.memory_space<vmem>> -> memref<128xi32, #tpu.memory_space<vmem>>
      %get3A_208 = arith.constant 80 : index
      %get3A_209 = tpu.vector_load %get3A_207[%get3A_208] {strides = array<i32>} : memref<128xi32, #tpu.memory_space<vmem>>, vector<16xi32>,
      %get3A_210 = vector.shape_cast %get3A_209 : vector<16xi32> to vector<16xi32>
      %convert_element_type3A_211 = arith.sitofp %get3A_210 : vector<16xi32> to vector<16xf32>
      %add3A_212 = arith.constant 5.000000e-01 : f32
      %add3A_213 = vector.broadcast %add3A_212 : f32 to vector<16xf32>
      %add3A_214 = arith.addf %convert_element_type3A_211, %add3A_213 : vector<16xf32>
      %mul3A_215 = arith.constant 7.812500e-05 : f32
      %mul3A_216 = vector.broadcast %mul3A_215 : f32 to vector<16xf32>
      %mul3A_217 = arith.mulf %add3A_214, %mul3A_216 : vector<16xf32>
      %convert_element_type3A_218 = arith.fptosi %mul3A_217 : vector<16xf32> to vector<16xi32>
      %mul3A_219 = arith.constant 12800 : i32
      %mul3A_220 = vector.broadcast %mul3A_219 : i32 to vector<16xi32>
      %mul3A_221 = arith.muli %convert_element_type3A_218, %mul3A_220 : vector<16xi32>
      %sub3A_222 = arith.subi %get3A_210, %mul3A_221 : vector<16xi32>
      %shift_left3A_223 = arith.constant 3 : i32
      %shift_left3A_224 = vector.broadcast %shift_left3A_223 : i32 to vector<16xi32>
      %shift_left3A_225 = arith.shli %sub3A_222, %shift_left3A_224 : vector<16xi32>
      %or3A_226 = arith.ori %shift_left3A_225, %convert_element_type3A_218 : vector<16xi32>
      %swap3A_227 = arith.constant 0 : i32
      %swap3A_228 = tpu.memref_slice %arg6[%select_n3A, %select_n3A_62, %swap3A_227] : memref<25x8x128xi32, #tpu.memory_space<vmem>> -> memref<1x1x128xi32, #tpu.memory_space<vmem>>
      %swap3A_229 = tpu.memref_squeeze %swap3A_228 : memref<1x1x128xi32, #tpu.memory_space<vmem>> -> memref<128xi32, #tpu.memory_space<vmem>>
      %swap3A_230 = arith.constant 80 : index
      %swap3A_231 = tpu.vector_load %swap3A_229[%swap3A_230] {strides = array<i32>} : memref<128xi32, #tpu.memory_space<vmem>>, vector<16xi32>,
      %swap3A_232 = vector.shape_cast %swap3A_231 : vector<16xi32> to vector<16xi32>
      %swap3A_233 = vector.shape_cast %or3A_226 : vector<16xi32> to vector<16xi32>
      tpu.vector_store %swap3A_229[%swap3A_230], %swap3A_233 {strides = array<i32>} : memref<128xi32, #tpu.memory_space<vmem>>, vector<16xi32>,
      %get3A_234 = arith.constant 0 : i32
      %get3A_235 = tpu.memref_slice %arg6[%select_n3A, %select_n3A_62, %get3A_234] : memref<25x8x128xi32, #tpu.memory_space<vmem>> -> memref<1x1x128xi32, #tpu.memory_space<vmem>>
      %get3A_236 = tpu.memref_squeeze %get3A_235 : memref<1x1x128xi32, #tpu.memory_space<vmem>> -> memref<128xi32, #tpu.memory_space<vmem>>
      %get3A_237 = arith.constant 96 : index
      %get3A_238 = tpu.vector_load %get3A_236[%get3A_237] {strides = array<i32>} : memref<128xi32, #tpu.memory_space<vmem>>, vector<16xi32>,
      %get3A_239 = vector.shape_cast %get3A_238 : vector<16xi32> to vector<16xi32>
      %convert_element_type3A_240 = arith.sitofp %get3A_239 : vector<16xi32> to vector<16xf32>
      %add3A_241 = arith.constant 5.000000e-01 : f32
      %add3A_242 = vector.broadcast %add3A_241 : f32 to vector<16xf32>
      %add3A_243 = arith.addf %convert_element_type3A_240, %add3A_242 : vector<16xf32>
      %mul3A_244 = arith.constant 7.812500e-05 : f32
      %mul3A_245 = vector.broadcast %mul3A_244 : f32 to vector<16xf32>
      %mul3A_246 = arith.mulf %add3A_243, %mul3A_245 : vector<16xf32>
      %convert_element_type3A_247 = arith.fptosi %mul3A_246 : vector<16xf32> to vector<16xi32>
      %mul3A_248 = arith.constant 12800 : i32
      %mul3A_249 = vector.broadcast %mul3A_248 : i32 to vector<16xi32>
      %mul3A_250 = arith.muli %convert_element_type3A_247, %mul3A_249 : vector<16xi32>
      %sub3A_251 = arith.subi %get3A_239, %mul3A_250 : vector<16xi32>
      %shift_left3A_252 = arith.constant 3 : i32
      %shift_left3A_253 = vector.broadcast %shift_left3A_252 : i32 to vector<16xi32>
      %shift_left3A_254 = arith.shli %sub3A_251, %shift_left3A_253 : vector<16xi32>
      %or3A_255 = arith.ori %shift_left3A_254, %convert_element_type3A_247 : vector<16xi32>
      %swap3A_256 = arith.constant 0 : i32
      %swap3A_257 = tpu.memref_slice %arg6[%select_n3A, %select_n3A_62, %swap3A_256] : memref<25x8x128xi32, #tpu.memory_space<vmem>> -> memref<1x1x128xi32, #tpu.memory_space<vmem>>
      %swap3A_258 = tpu.memref_squeeze %swap3A_257 : memref<1x1x128xi32, #tpu.memory_space<vmem>> -> memref<128xi32, #tpu.memory_space<vmem>>
      %swap3A_259 = arith.constant 96 : index
      %swap3A_260 = tpu.vector_load %swap3A_258[%swap3A_259] {strides = array<i32>} : memref<128xi32, #tpu.memory_space<vmem>>, vector<16xi32>,
      %swap3A_261 = vector.shape_cast %swap3A_260 : vector<16xi32> to vector<16xi32>
      %swap3A_262 = vector.shape_cast %or3A_255 : vector<16xi32> to vector<16xi32>
      tpu.vector_store %swap3A_258[%swap3A_259], %swap3A_262 {strides = array<i32>} : memref<128xi32, #tpu.memory_space<vmem>>, vector<16xi32>,
      %get3A_263 = arith.constant 0 : i32
      %get3A_264 = tpu.memref_slice %arg6[%select_n3A, %select_n3A_62, %get3A_263] : memref<25x8x128xi32, #tpu.memory_space<vmem>> -> memref<1x1x128xi32, #tpu.memory_space<vmem>>
      %get3A_265 = tpu.memref_squeeze %get3A_264 : memref<1x1x128xi32, #tpu.memory_space<vmem>> -> memref<128xi32, #tpu.memory_space<vmem>>
      %get3A_266 = arith.constant 112 : index
      %get3A_267 = tpu.vector_load %get3A_265[%get3A_266] {strides = array<i32>} : memref<128xi32, #tpu.memory_space<vmem>>, vector<16xi32>,
      %get3A_268 = vector.shape_cast %get3A_267 : vector<16xi32> to vector<16xi32>
      %convert_element_type3A_269 = arith.sitofp %get3A_268 : vector<16xi32> to vector<16xf32>
      %add3A_270 = arith.constant 5.000000e-01 : f32
      %add3A_271 = vector.broadcast %add3A_270 : f32 to vector<16xf32>
      %add3A_272 = arith.addf %convert_element_type3A_269, %add3A_271 : vector<16xf32>
      %mul3A_273 = arith.constant 7.812500e-05 : f32
      %mul3A_274 = vector.broadcast %mul3A_273 : f32 to vector<16xf32>
      %mul3A_275 = arith.mulf %add3A_272, %mul3A_274 : vector<16xf32>
      %convert_element_type3A_276 = arith.fptosi %mul3A_275 : vector<16xf32> to vector<16xi32>
      %mul3A_277 = arith.constant 12800 : i32
      %mul3A_278 = vector.broadcast %mul3A_277 : i32 to vector<16xi32>
      %mul3A_279 = arith.muli %convert_element_type3A_276, %mul3A_278 : vector<16xi32>
      %sub3A_280 = arith.subi %get3A_268, %mul3A_279 : vector<16xi32>
      %shift_left3A_281 = arith.constant 3 : i32
      %shift_left3A_282 = vector.broadcast %shift_left3A_281 : i32 to vector<16xi32>
      %shift_left3A_283 = arith.shli %sub3A_280, %shift_left3A_282 : vector<16xi32>
      %or3A_284 = arith.ori %shift_left3A_283, %convert_element_type3A_276 : vector<16xi32>
      %swap3A_285 = arith.constant 0 : i32
      %swap3A_286 = tpu.memref_slice %arg6[%select_n3A, %select_n3A_62, %swap3A_285] : memref<25x8x128xi32, #tpu.memory_space<vmem>> -> memref<1x1x128xi32, #tpu.memory_space<vmem>>
      %swap3A_287 = tpu.memref_squeeze %swap3A_286 : memref<1x1x128xi32, #tpu.memory_space<vmem>> -> memref<128xi32, #tpu.memory_space<vmem>>
      %swap3A_288 = arith.constant 112 : index
      %swap3A_289 = tpu.vector_load %swap3A_287[%swap3A_288] {strides = array<i32>} : memref<128xi32, #tpu.memory_space<vmem>>, vector<16xi32>,
      %swap3A_290 = vector.shape_cast %swap3A_289 : vector<16xi32> to vector<16xi32>
      %swap3A_291 = vector.shape_cast %or3A_284 : vector<16xi32> to vector<16xi32>
      tpu.vector_store %swap3A_287[%swap3A_288], %swap3A_291 {strides = array<i32>} : memref<128xi32, #tpu.memory_space<vmem>>, vector<16xi32>,
    }
    %scan3A_11 = arith.constant 25 : i32
    %scan3A_12 = arith.constant 0 : i32
    %scan3A_13 = arith.constant 0 : i32
    %scan3A_14 = arith.constant 25 : i32
    %scan3A_15 = arith.addi %scan3A_13, %scan3A_14 : i32
    %scan3A_16 = arith.constant 1 : i32
    scf.for %scan3A_32 = %scan3A_13 to %scan3A_15 step %scan3A_16  : i32 {
      %add3A_33 = arith.constant 0 : i32
      %add3A_34 = arith.addi %add3A_33, %scan3A_32 : i32
      %jit3A = arith.constant 8 : i32
      %div3A = arith.divsi %add3A_34, %jit3A : i32
      %sign3A = arith.constant 0 : i32
      %sign3A_35 = arith.cmpi sgt, %add3A_34, %sign3A : i32
      %sign3A_36 = arith.extui %sign3A_35 : i1 to i32
      %sign3A_37 = arith.constant 0 : i32
      %sign3A_38 = arith.cmpi slt, %add3A_34, %sign3A_37 : i32
      %sign3A_39 = arith.extui %sign3A_38 : i1 to i32
      %sign3A_40 = arith.subi %sign3A_36, %sign3A_39 : i32
      %sign3A_41 = arith.constant 0 : i32
      %sign3A_42 = arith.cmpi sgt, %jit3A, %sign3A_41 : i32
      %sign3A_43 = arith.extui %sign3A_42 : i1 to i32
      %sign3A_44 = arith.constant 0 : i32
      %sign3A_45 = arith.cmpi slt, %jit3A, %sign3A_44 : i32
      %sign3A_46 = arith.extui %sign3A_45 : i1 to i32
      %sign3A_47 = arith.subi %sign3A_43, %sign3A_46 : i32
      %ne3A = arith.cmpi ne, %sign3A_40, %sign3A_47 : i32
      %rem3A = arith.remsi %add3A_34, %jit3A : i32
      %ne3A_48 = arith.constant 0 : i32
      %ne3A_49 = arith.cmpi ne, %rem3A, %ne3A_48 : i32
      %and3A = arith.andi %ne3A, %ne3A_49 : i1
      %sub3A = arith.constant 1 : i32
      %sub3A_50 = arith.subi %div3A, %sub3A : i32
      %select_n3A = arith.select %and3A, %sub3A_50, %div3A : i32
      %jit3A_51 = arith.constant 8 : i32
      %eq3A = arith.constant 0 : i32
      %eq3A_52 = arith.cmpi eq, %jit3A_51, %eq3A : i32
      %jit3A_53 = arith.constant 1 : i32
      %select_n3A_54 = arith.select %eq3A_52, %jit3A_53, %jit3A_51 : i32
      %rem3A_55 = arith.remsi %add3A_34, %select_n3A_54 : i32
      %ne3A_56 = arith.constant 0 : i32
      %ne3A_57 = arith.cmpi ne, %rem3A_55, %ne3A_56 : i32
      %lt3A = arith.constant 0 : i32
      %lt3A_58 = arith.cmpi slt, %rem3A_55, %lt3A : i32
      %lt3A_59 = arith.constant 0 : i32
      %lt3A_60 = arith.cmpi slt, %select_n3A_54, %lt3A_59 : i32
      %ne3A_61 = arith.xori %lt3A_58, %lt3A_60 : i1
      %and3A_62 = arith.andi %ne3A_61, %ne3A_57 : i1
      %add3A_63 = arith.addi %rem3A_55, %select_n3A_54 : i32
      %select_n3A_64 = arith.select %and3A_62, %add3A_63, %rem3A_55 : i32
      %mul3A_65 = arith.constant 128 : i32
      %mul3A_66 = arith.muli %scan3A_32, %mul3A_65 : i32
      %dma_start3A = arith.constant 0 : i32
      %dma_start3A_67 = arith.constant 0 : i32
      %dma_start3A_68 = tpu.memref_slice %arg7[%dma_start3A, %mul3A_66, %dma_start3A_67] : memref<2x3200x16xf32, #tpu.memory_space<vmem>> -> memref<1x128x16xf32, #tpu.memory_space<vmem>>
      %dma_start3A_69 = tpu.memref_squeeze %dma_start3A_68 : memref<1x128x16xf32, #tpu.memory_space<vmem>> -> memref<128x16xf32, #tpu.memory_space<vmem>>
      %dma_start3A_70 = arith.constant 0 : i32
      %dma_start3A_71 = tpu.memref_slice %arg6[%select_n3A, %select_n3A_64, %dma_start3A_70] : memref<25x8x128xi32, #tpu.memory_space<vmem>> -> memref<1x1x128xi32, #tpu.memory_space<vmem>>
      %dma_start3A_72 = tpu.memref_squeeze %dma_start3A_71 : memref<1x1x128xi32, #tpu.memory_space<vmem>> -> memref<128xi32, #tpu.memory_space<vmem>>
      %dma_start3A_73 = arith.constant 0 : i32
      %dma_start3A_74 = arith.constant 0 : i32
      %dma_start3A_75 = tpu.memref_slice %arg3[%dma_start3A_73, %dma_start3A_74] : memref<102400x16xf32, #tpu.memory_space<hbm>> -> memref<102400x16xf32, #tpu.memory_space<hbm>>
      tpu.enqueue_indirect_dma source(%dma_start3A_75 : memref<102400x16xf32, #tpu.memory_space<hbm>>) target(%dma_start3A_69 : memref<128x16xf32, #tpu.memory_space<vmem>>) offsets(%dma_start3A_72 : memref<128xi32, #tpu.memory_space<vmem>>) semaphore(%arg10 : memref<!tpu.dma_semaphore, #tpu.memory_space<semaphore_mem>>)
    }
    %scan3A_17 = arith.constant 25 : i32
    "tpu.region"() ({
      %run_scoped3A = tpu.sem_alloc : memref<!tpu.dma_semaphore, #tpu.memory_space<semaphore_mem>>
      %dma_start3A = arith.constant 4 : i32
      %dma_start3A_32 = arith.constant 0 : i32
      %dma_start3A_33 = arith.constant 0 : i32
      %dma_start3A_34 = tpu.memref_slice %arg6[%dma_start3A, %dma_start3A_32, %dma_start3A_33] : memref<25x8x128xi32, #tpu.memory_space<vmem>> -> memref<21x8x128xi32, #tpu.memory_space<vmem>>
      %dma_start3A_35 = arith.constant 4 : i32
      %dma_start3A_36 = arith.constant 0 : i32
      %dma_start3A_37 = arith.constant 0 : i32
      %dma_start3A_38 = tpu.memref_slice %arg2[%dma_start3A_35, %add3A, %dma_start3A_36, %dma_start3A_37] : memref<25x32x8x128xi32, #tpu.memory_space<hbm>> -> memref<21x1x8x128xi32, #tpu.memory_space<hbm>>
      %dma_start3A_39 = tpu.memref_squeeze %dma_start3A_38 : memref<21x1x8x128xi32, #tpu.memory_space<hbm>> -> memref<21x8x128xi32, #tpu.memory_space<hbm>>
      %dma_start3A_40 = arith.constant 4 : i32
      %dma_start3A_41 = arith.constant 0 : i32
      %dma_start3A_42 = arith.constant 0 : i32
      %dma_start3A_43 = tpu.memref_slice %arg6[%dma_start3A_40, %dma_start3A_41, %dma_start3A_42] : memref<25x8x128xi32, #tpu.memory_space<vmem>> -> memref<21x8x128xi32, #tpu.memory_space<vmem>>
      %dma_start3A_44 = arith.constant 4 : i32
      %dma_start3A_45 = arith.constant 0 : i32
      %dma_start3A_46 = arith.constant 0 : i32
      %dma_start3A_47 = tpu.memref_slice %arg2[%dma_start3A_44, %add3A, %dma_start3A_45, %dma_start3A_46] : memref<25x32x8x128xi32, #tpu.memory_space<hbm>> -> memref<21x1x8x128xi32, #tpu.memory_space<hbm>>
      %dma_start3A_48 = tpu.memref_squeeze %dma_start3A_47 : memref<21x1x8x128xi32, #tpu.memory_space<hbm>> -> memref<21x8x128xi32, #tpu.memory_space<hbm>>
      tpu.enqueue_dma source(%dma_start3A_48 : memref<21x8x128xi32, #tpu.memory_space<hbm>>) target(%dma_start3A_43 : memref<21x8x128xi32, #tpu.memory_space<vmem>>) target_semaphore(%run_scoped3A : memref<!tpu.dma_semaphore, #tpu.memory_space<semaphore_mem>>)
      %dma_wait3A = arith.constant 4 : i32
      %dma_wait3A_49 = arith.constant 0 : i32
      %dma_wait3A_50 = arith.constant 0 : i32
      %dma_wait3A_51 = tpu.memref_slice %arg6[%dma_wait3A, %dma_wait3A_49, %dma_wait3A_50] : memref<25x8x128xi32, #tpu.memory_space<vmem>> -> memref<21x8x128xi32, #tpu.memory_space<vmem>>
      %dma_wait3A_52 = arith.constant 4 : i32
      %dma_wait3A_53 = arith.constant 0 : i32
      %dma_wait3A_54 = arith.constant 0 : i32
      %dma_wait3A_55 = tpu.memref_slice %arg2[%dma_wait3A_52, %add3A, %dma_wait3A_53, %dma_wait3A_54] : memref<25x32x8x128xi32, #tpu.memory_space<hbm>> -> memref<21x1x8x128xi32, #tpu.memory_space<hbm>>
      %dma_wait3A_56 = tpu.memref_squeeze %dma_wait3A_55 : memref<21x1x8x128xi32, #tpu.memory_space<hbm>> -> memref<21x8x128xi32, #tpu.memory_space<hbm>>
      %dma_wait3A_57 = arith.constant 4 : i32
      %dma_wait3A_58 = arith.constant 0 : i32
      %dma_wait3A_59 = arith.constant 0 : i32
      %dma_wait3A_60 = tpu.memref_slice %arg6[%dma_wait3A_57, %dma_wait3A_58, %dma_wait3A_59] : memref<25x8x128xi32, #tpu.memory_space<vmem>> -> memref<21x8x128xi32, #tpu.memory_space<vmem>>
      %dma_wait3A_61 = arith.constant 4 : i32
      %dma_wait3A_62 = arith.constant 0 : i32
      %dma_wait3A_63 = arith.constant 0 : i32
      %dma_wait3A_64 = tpu.memref_slice %arg2[%dma_wait3A_61, %add3A, %dma_wait3A_62, %dma_wait3A_63] : memref<25x32x8x128xi32, #tpu.memory_space<hbm>> -> memref<21x1x8x128xi32, #tpu.memory_space<hbm>>
      %dma_wait3A_65 = tpu.memref_squeeze %dma_wait3A_64 : memref<21x1x8x128xi32, #tpu.memory_space<hbm>> -> memref<21x8x128xi32, #tpu.memory_space<hbm>>
      tpu.wait_dma2 semaphore(%run_scoped3A : memref<!tpu.dma_semaphore, #tpu.memory_space<semaphore_mem>>) src(%dma_wait3A_65 : memref<21x8x128xi32, #tpu.memory_space<hbm>>) dst(%dma_wait3A_60 : memref<21x8x128xi32, #tpu.memory_space<vmem>>)
      tpu.yield
    }) : () -> ()
    %get3A = arith.constant 0 : index
    %get3A_18 = tpu.vector_load %arg9[%get3A] {strides = array<i32>} : memref<16xf32, #tpu.memory_space<vmem>>, vector<16xf32>,
    %get3A_19 = vector.shape_cast %get3A_18 : vector<16xf32> to vector<16xf32>
    %scan3A_20 = arith.constant 0 : i32
    %scan3A_21 = arith.constant 0 : i32
    %scan3A_22 = arith.constant 128 : i32
    %scan3A_23 = arith.addi %scan3A_21, %scan3A_22 : i32
    %scan3A_24 = arith.constant 1 : i32
    scf.for %scan3A_32 = %scan3A_21 to %scan3A_23 step %scan3A_24  : i32 {
      %swap3A_33 = arith.index_cast %scan3A_32 : i32 to index
      %swap3A_34 = arith.constant 0 : index
      %swap3A_35 = tpu.vector_load %arg8[%swap3A_33, %swap3A_34] {strides = array<i32>} : memref<128x16xf32, #tpu.memory_space<vmem>>, vector<1x16xf32>,
      %swap3A_36 = vector.shape_cast %swap3A_35 : vector<1x16xf32> to vector<16xf32>
      %swap3A_37 = vector.shape_cast %get3A_19 : vector<16xf32> to vector<1x16xf32>
      tpu.vector_store %arg8[%swap3A_33, %swap3A_34], %swap3A_37 {strides = array<i32>} : memref<128x16xf32, #tpu.memory_space<vmem>>, vector<1x16xf32>,
    }
    %scan3A_25 = arith.constant 128 : i32
    %scan3A_26 = arith.constant 0 : i32
    %scan3A_27 = arith.constant 0 : i32
    %scan3A_28 = arith.constant 4 : i32
    %scan3A_29 = arith.addi %scan3A_27, %scan3A_28 : i32
    %scan3A_30 = arith.constant 1 : i32
    scf.for %scan3A_32 = %scan3A_27 to %scan3A_29 step %scan3A_30  : i32 {
      %mul3A_33 = arith.constant 2 : i32
      %mul3A_34 = arith.muli %scan3A_32, %mul3A_33 : i32
      %add3A_35 = arith.constant 1 : i32
      %add3A_36 = arith.addi %mul3A_34, %add3A_35 : i32
      %mul3A_37 = arith.constant 25 : i32
      %mul3A_38 = arith.muli %add3A_36, %mul3A_37 : i32
      %add3A_39 = arith.constant 1 : i32
      %add3A_40 = arith.addi %add3A_36, %add3A_39 : i32
      %mul3A_41 = arith.constant 25 : i32
      %mul3A_42 = arith.muli %add3A_40, %mul3A_41 : i32
      %while3A = arith.constant 0 : i32
      %while3A_43 = arith.subi %mul3A_42, %mul3A_38 : i32
      %while3A_44 = arith.addi %mul3A_38, %while3A_43 : i32
      %while3A_45 = arith.constant 1 : i32
      %while3A_46 = arith.divsi %while3A_43, %while3A_45 : i32
      %while3A_47 = arith.muli %while3A_46, %while3A_45 : i32
      %while3A_48 = arith.addi %mul3A_38, %while3A_47 : i32
      %while3A_49 = arith.constant 1 : i32
      scf.for %while3A_85 = %mul3A_38 to %while3A_48 step %while3A_49  : i32 {
        %jit3A = arith.constant 8 : i32
        %div3A = arith.divsi %while3A_85, %jit3A : i32
        %sign3A = arith.constant 0 : i32
        %sign3A_86 = arith.cmpi sgt, %while3A_85, %sign3A : i32
        %sign3A_87 = arith.extui %sign3A_86 : i1 to i32
        %sign3A_88 = arith.constant 0 : i32
        %sign3A_89 = arith.cmpi slt, %while3A_85, %sign3A_88 : i32
        %sign3A_90 = arith.extui %sign3A_89 : i1 to i32
        %sign3A_91 = arith.subi %sign3A_87, %sign3A_90 : i32
        %sign3A_92 = arith.constant 0 : i32
        %sign3A_93 = arith.cmpi sgt, %jit3A, %sign3A_92 : i32
        %sign3A_94 = arith.extui %sign3A_93 : i1 to i32
        %sign3A_95 = arith.constant 0 : i32
        %sign3A_96 = arith.cmpi slt, %jit3A, %sign3A_95 : i32
        %sign3A_97 = arith.extui %sign3A_96 : i1 to i32
        %sign3A_98 = arith.subi %sign3A_94, %sign3A_97 : i32
        %ne3A = arith.cmpi ne, %sign3A_91, %sign3A_98 : i32
        %rem3A = arith.remsi %while3A_85, %jit3A : i32
        %ne3A_99 = arith.constant 0 : i32
        %ne3A_100 = arith.cmpi ne, %rem3A, %ne3A_99 : i32
        %and3A = arith.andi %ne3A, %ne3A_100 : i1
        %sub3A = arith.constant 1 : i32
        %sub3A_101 = arith.subi %div3A, %sub3A : i32
        %select_n3A = arith.select %and3A, %sub3A_101, %div3A : i32
        %jit3A_102 = arith.constant 8 : i32
        %eq3A = arith.constant 0 : i32
        %eq3A_103 = arith.cmpi eq, %jit3A_102, %eq3A : i32
        %jit3A_104 = arith.constant 1 : i32
        %select_n3A_105 = arith.select %eq3A_103, %jit3A_104, %jit3A_102 : i32
        %rem3A_106 = arith.remsi %while3A_85, %select_n3A_105 : i32
        %ne3A_107 = arith.constant 0 : i32
        %ne3A_108 = arith.cmpi ne, %rem3A_106, %ne3A_107 : i32
        %lt3A_109 = arith.constant 0 : i32
        %lt3A_110 = arith.cmpi slt, %rem3A_106, %lt3A_109 : i32
        %lt3A_111 = arith.constant 0 : i32
        %lt3A_112 = arith.cmpi slt, %select_n3A_105, %lt3A_111 : i32
        %ne3A_113 = arith.xori %lt3A_110, %lt3A_112 : i1
        %and3A_114 = arith.andi %ne3A_113, %ne3A_108 : i1
        %add3A_115 = arith.addi %rem3A_106, %select_n3A_105 : i32
        %select_n3A_116 = arith.select %and3A_114, %add3A_115, %rem3A_106 : i32
        %get3A_117 = arith.constant 0 : i32
        %get3A_118 = tpu.memref_slice %arg6[%select_n3A, %select_n3A_116, %get3A_117] : memref<25x8x128xi32, #tpu.memory_space<vmem>> -> memref<1x1x128xi32, #tpu.memory_space<vmem>>
        %get3A_119 = tpu.memref_squeeze %get3A_118 : memref<1x1x128xi32, #tpu.memory_space<vmem>> -> memref<128xi32, #tpu.memory_space<vmem>>
        %get3A_120 = arith.constant 0 : index
        %get3A_121 = tpu.vector_load %get3A_119[%get3A_120] {strides = array<i32>} : memref<128xi32, #tpu.memory_space<vmem>>, vector<16xi32>,
        %get3A_122 = vector.shape_cast %get3A_121 : vector<16xi32> to vector<16xi32>
        %convert_element_type3A_123 = arith.sitofp %get3A_122 : vector<16xi32> to vector<16xf32>
        %add3A_124 = arith.constant 5.000000e-01 : f32
        %add3A_125 = vector.broadcast %add3A_124 : f32 to vector<16xf32>
        %add3A_126 = arith.addf %convert_element_type3A_123, %add3A_125 : vector<16xf32>
        %mul3A_127 = arith.constant 7.812500e-05 : f32
        %mul3A_128 = vector.broadcast %mul3A_127 : f32 to vector<16xf32>
        %mul3A_129 = arith.mulf %add3A_126, %mul3A_128 : vector<16xf32>
        %convert_element_type3A_130 = arith.fptosi %mul3A_129 : vector<16xf32> to vector<16xi32>
        %mul3A_131 = arith.constant 12800 : i32
        %mul3A_132 = vector.broadcast %mul3A_131 : i32 to vector<16xi32>
        %mul3A_133 = arith.muli %convert_element_type3A_130, %mul3A_132 : vector<16xi32>
        %sub3A_134 = arith.subi %get3A_122, %mul3A_133 : vector<16xi32>
        %shift_left3A = arith.constant 3 : i32
        %shift_left3A_135 = vector.broadcast %shift_left3A : i32 to vector<16xi32>
        %shift_left3A_136 = arith.shli %sub3A_134, %shift_left3A_135 : vector<16xi32>
        %or3A = arith.ori %shift_left3A_136, %convert_element_type3A_130 : vector<16xi32>
        %swap3A_137 = arith.constant 0 : i32
        %swap3A_138 = tpu.memref_slice %arg6[%select_n3A, %select_n3A_116, %swap3A_137] : memref<25x8x128xi32, #tpu.memory_space<vmem>> -> memref<1x1x128xi32, #tpu.memory_space<vmem>>
        %swap3A_139 = tpu.memref_squeeze %swap3A_138 : memref<1x1x128xi32, #tpu.memory_space<vmem>> -> memref<128xi32, #tpu.memory_space<vmem>>
        %swap3A_140 = arith.constant 0 : index
        %swap3A_141 = tpu.vector_load %swap3A_139[%swap3A_140] {strides = array<i32>} : memref<128xi32, #tpu.memory_space<vmem>>, vector<16xi32>,
        %swap3A_142 = vector.shape_cast %swap3A_141 : vector<16xi32> to vector<16xi32>
        %swap3A_143 = vector.shape_cast %or3A : vector<16xi32> to vector<16xi32>
        tpu.vector_store %swap3A_139[%swap3A_140], %swap3A_143 {strides = array<i32>} : memref<128xi32, #tpu.memory_space<vmem>>, vector<16xi32>,
        %get3A_144 = arith.constant 0 : i32
        %get3A_145 = tpu.memref_slice %arg6[%select_n3A, %select_n3A_116, %get3A_144] : memref<25x8x128xi32, #tpu.memory_space<vmem>> -> memref<1x1x128xi32, #tpu.memory_space<vmem>>
        %get3A_146 = tpu.memref_squeeze %get3A_145 : memref<1x1x128xi32, #tpu.memory_space<vmem>> -> memref<128xi32, #tpu.memory_space<vmem>>
        %get3A_147 = arith.constant 16 : index
        %get3A_148 = tpu.vector_load %get3A_146[%get3A_147] {strides = array<i32>} : memref<128xi32, #tpu.memory_space<vmem>>, vector<16xi32>,
        %get3A_149 = vector.shape_cast %get3A_148 : vector<16xi32> to vector<16xi32>
        %convert_element_type3A_150 = arith.sitofp %get3A_149 : vector<16xi32> to vector<16xf32>
        %add3A_151 = arith.constant 5.000000e-01 : f32
        %add3A_152 = vector.broadcast %add3A_151 : f32 to vector<16xf32>
        %add3A_153 = arith.addf %convert_element_type3A_150, %add3A_152 : vector<16xf32>
        %mul3A_154 = arith.constant 7.812500e-05 : f32
        %mul3A_155 = vector.broadcast %mul3A_154 : f32 to vector<16xf32>
        %mul3A_156 = arith.mulf %add3A_153, %mul3A_155 : vector<16xf32>
        %convert_element_type3A_157 = arith.fptosi %mul3A_156 : vector<16xf32> to vector<16xi32>
        %mul3A_158 = arith.constant 12800 : i32
        %mul3A_159 = vector.broadcast %mul3A_158 : i32 to vector<16xi32>
        %mul3A_160 = arith.muli %convert_element_type3A_157, %mul3A_159 : vector<16xi32>
        %sub3A_161 = arith.subi %get3A_149, %mul3A_160 : vector<16xi32>
        %shift_left3A_162 = arith.constant 3 : i32
        %shift_left3A_163 = vector.broadcast %shift_left3A_162 : i32 to vector<16xi32>
        %shift_left3A_164 = arith.shli %sub3A_161, %shift_left3A_163 : vector<16xi32>
        %or3A_165 = arith.ori %shift_left3A_164, %convert_element_type3A_157 : vector<16xi32>
        %swap3A_166 = arith.constant 0 : i32
        %swap3A_167 = tpu.memref_slice %arg6[%select_n3A, %select_n3A_116, %swap3A_166] : memref<25x8x128xi32, #tpu.memory_space<vmem>> -> memref<1x1x128xi32, #tpu.memory_space<vmem>>
        %swap3A_168 = tpu.memref_squeeze %swap3A_167 : memref<1x1x128xi32, #tpu.memory_space<vmem>> -> memref<128xi32, #tpu.memory_space<vmem>>
        %swap3A_169 = arith.constant 16 : index
        %swap3A_170 = tpu.vector_load %swap3A_168[%swap3A_169] {strides = array<i32>} : memref<128xi32, #tpu.memory_space<vmem>>, vector<16xi32>,
        %swap3A_171 = vector.shape_cast %swap3A_170 : vector<16xi32> to vector<16xi32>
        %swap3A_172 = vector.shape_cast %or3A_165 : vector<16xi32> to vector<16xi32>
        tpu.vector_store %swap3A_168[%swap3A_169], %swap3A_172 {strides = array<i32>} : memref<128xi32, #tpu.memory_space<vmem>>, vector<16xi32>,
        %get3A_173 = arith.constant 0 : i32
        %get3A_174 = tpu.memref_slice %arg6[%select_n3A, %select_n3A_116, %get3A_173] : memref<25x8x128xi32, #tpu.memory_space<vmem>> -> memref<1x1x128xi32, #tpu.memory_space<vmem>>
        %get3A_175 = tpu.memref_squeeze %get3A_174 : memref<1x1x128xi32, #tpu.memory_space<vmem>> -> memref<128xi32, #tpu.memory_space<vmem>>
        %get3A_176 = arith.constant 32 : index
        %get3A_177 = tpu.vector_load %get3A_175[%get3A_176] {strides = array<i32>} : memref<128xi32, #tpu.memory_space<vmem>>, vector<16xi32>,
        %get3A_178 = vector.shape_cast %get3A_177 : vector<16xi32> to vector<16xi32>
        %convert_element_type3A_179 = arith.sitofp %get3A_178 : vector<16xi32> to vector<16xf32>
        %add3A_180 = arith.constant 5.000000e-01 : f32
        %add3A_181 = vector.broadcast %add3A_180 : f32 to vector<16xf32>
        %add3A_182 = arith.addf %convert_element_type3A_179, %add3A_181 : vector<16xf32>
        %mul3A_183 = arith.constant 7.812500e-05 : f32
        %mul3A_184 = vector.broadcast %mul3A_183 : f32 to vector<16xf32>
        %mul3A_185 = arith.mulf %add3A_182, %mul3A_184 : vector<16xf32>
        %convert_element_type3A_186 = arith.fptosi %mul3A_185 : vector<16xf32> to vector<16xi32>
        %mul3A_187 = arith.constant 12800 : i32
        %mul3A_188 = vector.broadcast %mul3A_187 : i32 to vector<16xi32>
        %mul3A_189 = arith.muli %convert_element_type3A_186, %mul3A_188 : vector<16xi32>
        %sub3A_190 = arith.subi %get3A_178, %mul3A_189 : vector<16xi32>
        %shift_left3A_191 = arith.constant 3 : i32
        %shift_left3A_192 = vector.broadcast %shift_left3A_191 : i32 to vector<16xi32>
        %shift_left3A_193 = arith.shli %sub3A_190, %shift_left3A_192 : vector<16xi32>
        %or3A_194 = arith.ori %shift_left3A_193, %convert_element_type3A_186 : vector<16xi32>
        %swap3A_195 = arith.constant 0 : i32
        %swap3A_196 = tpu.memref_slice %arg6[%select_n3A, %select_n3A_116, %swap3A_195] : memref<25x8x128xi32, #tpu.memory_space<vmem>> -> memref<1x1x128xi32, #tpu.memory_space<vmem>>
        %swap3A_197 = tpu.memref_squeeze %swap3A_196 : memref<1x1x128xi32, #tpu.memory_space<vmem>> -> memref<128xi32, #tpu.memory_space<vmem>>
        %swap3A_198 = arith.constant 32 : index
        %swap3A_199 = tpu.vector_load %swap3A_197[%swap3A_198] {strides = array<i32>} : memref<128xi32, #tpu.memory_space<vmem>>, vector<16xi32>,
        %swap3A_200 = vector.shape_cast %swap3A_199 : vector<16xi32> to vector<16xi32>
        %swap3A_201 = vector.shape_cast %or3A_194 : vector<16xi32> to vector<16xi32>
        tpu.vector_store %swap3A_197[%swap3A_198], %swap3A_201 {strides = array<i32>} : memref<128xi32, #tpu.memory_space<vmem>>, vector<16xi32>,
        %get3A_202 = arith.constant 0 : i32
        %get3A_203 = tpu.memref_slice %arg6[%select_n3A, %select_n3A_116, %get3A_202] : memref<25x8x128xi32, #tpu.memory_space<vmem>> -> memref<1x1x128xi32, #tpu.memory_space<vmem>>
        %get3A_204 = tpu.memref_squeeze %get3A_203 : memref<1x1x128xi32, #tpu.memory_space<vmem>> -> memref<128xi32, #tpu.memory_space<vmem>>
        %get3A_205 = arith.constant 48 : index
        %get3A_206 = tpu.vector_load %get3A_204[%get3A_205] {strides = array<i32>} : memref<128xi32, #tpu.memory_space<vmem>>, vector<16xi32>,
        %get3A_207 = vector.shape_cast %get3A_206 : vector<16xi32> to vector<16xi32>
        %convert_element_type3A_208 = arith.sitofp %get3A_207 : vector<16xi32> to vector<16xf32>
        %add3A_209 = arith.constant 5.000000e-01 : f32
        %add3A_210 = vector.broadcast %add3A_209 : f32 to vector<16xf32>
        %add3A_211 = arith.addf %convert_element_type3A_208, %add3A_210 : vector<16xf32>
        %mul3A_212 = arith.constant 7.812500e-05 : f32
        %mul3A_213 = vector.broadcast %mul3A_212 : f32 to vector<16xf32>
        %mul3A_214 = arith.mulf %add3A_211, %mul3A_213 : vector<16xf32>
        %convert_element_type3A_215 = arith.fptosi %mul3A_214 : vector<16xf32> to vector<16xi32>
        %mul3A_216 = arith.constant 12800 : i32
        %mul3A_217 = vector.broadcast %mul3A_216 : i32 to vector<16xi32>
        %mul3A_218 = arith.muli %convert_element_type3A_215, %mul3A_217 : vector<16xi32>
        %sub3A_219 = arith.subi %get3A_207, %mul3A_218 : vector<16xi32>
        %shift_left3A_220 = arith.constant 3 : i32
        %shift_left3A_221 = vector.broadcast %shift_left3A_220 : i32 to vector<16xi32>
        %shift_left3A_222 = arith.shli %sub3A_219, %shift_left3A_221 : vector<16xi32>
        %or3A_223 = arith.ori %shift_left3A_222, %convert_element_type3A_215 : vector<16xi32>
        %swap3A_224 = arith.constant 0 : i32
        %swap3A_225 = tpu.memref_slice %arg6[%select_n3A, %select_n3A_116, %swap3A_224] : memref<25x8x128xi32, #tpu.memory_space<vmem>> -> memref<1x1x128xi32, #tpu.memory_space<vmem>>
        %swap3A_226 = tpu.memref_squeeze %swap3A_225 : memref<1x1x128xi32, #tpu.memory_space<vmem>> -> memref<128xi32, #tpu.memory_space<vmem>>
        %swap3A_227 = arith.constant 48 : index
        %swap3A_228 = tpu.vector_load %swap3A_226[%swap3A_227] {strides = array<i32>} : memref<128xi32, #tpu.memory_space<vmem>>, vector<16xi32>,
        %swap3A_229 = vector.shape_cast %swap3A_228 : vector<16xi32> to vector<16xi32>
        %swap3A_230 = vector.shape_cast %or3A_223 : vector<16xi32> to vector<16xi32>
        tpu.vector_store %swap3A_226[%swap3A_227], %swap3A_230 {strides = array<i32>} : memref<128xi32, #tpu.memory_space<vmem>>, vector<16xi32>,
        %get3A_231 = arith.constant 0 : i32
        %get3A_232 = tpu.memref_slice %arg6[%select_n3A, %select_n3A_116, %get3A_231] : memref<25x8x128xi32, #tpu.memory_space<vmem>> -> memref<1x1x128xi32, #tpu.memory_space<vmem>>
        %get3A_233 = tpu.memref_squeeze %get3A_232 : memref<1x1x128xi32, #tpu.memory_space<vmem>> -> memref<128xi32, #tpu.memory_space<vmem>>
        %get3A_234 = arith.constant 64 : index
        %get3A_235 = tpu.vector_load %get3A_233[%get3A_234] {strides = array<i32>} : memref<128xi32, #tpu.memory_space<vmem>>, vector<16xi32>,
        %get3A_236 = vector.shape_cast %get3A_235 : vector<16xi32> to vector<16xi32>
        %convert_element_type3A_237 = arith.sitofp %get3A_236 : vector<16xi32> to vector<16xf32>
        %add3A_238 = arith.constant 5.000000e-01 : f32
        %add3A_239 = vector.broadcast %add3A_238 : f32 to vector<16xf32>
        %add3A_240 = arith.addf %convert_element_type3A_237, %add3A_239 : vector<16xf32>
        %mul3A_241 = arith.constant 7.812500e-05 : f32
        %mul3A_242 = vector.broadcast %mul3A_241 : f32 to vector<16xf32>
        %mul3A_243 = arith.mulf %add3A_240, %mul3A_242 : vector<16xf32>
        %convert_element_type3A_244 = arith.fptosi %mul3A_243 : vector<16xf32> to vector<16xi32>
        %mul3A_245 = arith.constant 12800 : i32
        %mul3A_246 = vector.broadcast %mul3A_245 : i32 to vector<16xi32>
        %mul3A_247 = arith.muli %convert_element_type3A_244, %mul3A_246 : vector<16xi32>
        %sub3A_248 = arith.subi %get3A_236, %mul3A_247 : vector<16xi32>
        %shift_left3A_249 = arith.constant 3 : i32
        %shift_left3A_250 = vector.broadcast %shift_left3A_249 : i32 to vector<16xi32>
        %shift_left3A_251 = arith.shli %sub3A_248, %shift_left3A_250 : vector<16xi32>
        %or3A_252 = arith.ori %shift_left3A_251, %convert_element_type3A_244 : vector<16xi32>
        %swap3A_253 = arith.constant 0 : i32
        %swap3A_254 = tpu.memref_slice %arg6[%select_n3A, %select_n3A_116, %swap3A_253] : memref<25x8x128xi32, #tpu.memory_space<vmem>> -> memref<1x1x128xi32, #tpu.memory_space<vmem>>
        %swap3A_255 = tpu.memref_squeeze %swap3A_254 : memref<1x1x128xi32, #tpu.memory_space<vmem>> -> memref<128xi32, #tpu.memory_space<vmem>>
        %swap3A_256 = arith.constant 64 : index
        %swap3A_257 = tpu.vector_load %swap3A_255[%swap3A_256] {strides = array<i32>} : memref<128xi32, #tpu.memory_space<vmem>>, vector<16xi32>,
        %swap3A_258 = vector.shape_cast %swap3A_257 : vector<16xi32> to vector<16xi32>
        %swap3A_259 = vector.shape_cast %or3A_252 : vector<16xi32> to vector<16xi32>
        tpu.vector_store %swap3A_255[%swap3A_256], %swap3A_259 {strides = array<i32>} : memref<128xi32, #tpu.memory_space<vmem>>, vector<16xi32>,
        %get3A_260 = arith.constant 0 : i32
        %get3A_261 = tpu.memref_slice %arg6[%select_n3A, %select_n3A_116, %get3A_260] : memref<25x8x128xi32, #tpu.memory_space<vmem>> -> memref<1x1x128xi32, #tpu.memory_space<vmem>>
        %get3A_262 = tpu.memref_squeeze %get3A_261 : memref<1x1x128xi32, #tpu.memory_space<vmem>> -> memref<128xi32, #tpu.memory_space<vmem>>
        %get3A_263 = arith.constant 80 : index
        %get3A_264 = tpu.vector_load %get3A_262[%get3A_263] {strides = array<i32>} : memref<128xi32, #tpu.memory_space<vmem>>, vector<16xi32>,
        %get3A_265 = vector.shape_cast %get3A_264 : vector<16xi32> to vector<16xi32>
        %convert_element_type3A_266 = arith.sitofp %get3A_265 : vector<16xi32> to vector<16xf32>
        %add3A_267 = arith.constant 5.000000e-01 : f32
        %add3A_268 = vector.broadcast %add3A_267 : f32 to vector<16xf32>
        %add3A_269 = arith.addf %convert_element_type3A_266, %add3A_268 : vector<16xf32>
        %mul3A_270 = arith.constant 7.812500e-05 : f32
        %mul3A_271 = vector.broadcast %mul3A_270 : f32 to vector<16xf32>
        %mul3A_272 = arith.mulf %add3A_269, %mul3A_271 : vector<16xf32>
        %convert_element_type3A_273 = arith.fptosi %mul3A_272 : vector<16xf32> to vector<16xi32>
        %mul3A_274 = arith.constant 12800 : i32
        %mul3A_275 = vector.broadcast %mul3A_274 : i32 to vector<16xi32>
        %mul3A_276 = arith.muli %convert_element_type3A_273, %mul3A_275 : vector<16xi32>
        %sub3A_277 = arith.subi %get3A_265, %mul3A_276 : vector<16xi32>
        %shift_left3A_278 = arith.constant 3 : i32
        %shift_left3A_279 = vector.broadcast %shift_left3A_278 : i32 to vector<16xi32>
        %shift_left3A_280 = arith.shli %sub3A_277, %shift_left3A_279 : vector<16xi32>
        %or3A_281 = arith.ori %shift_left3A_280, %convert_element_type3A_273 : vector<16xi32>
        %swap3A_282 = arith.constant 0 : i32
        %swap3A_283 = tpu.memref_slice %arg6[%select_n3A, %select_n3A_116, %swap3A_282] : memref<25x8x128xi32, #tpu.memory_space<vmem>> -> memref<1x1x128xi32, #tpu.memory_space<vmem>>
        %swap3A_284 = tpu.memref_squeeze %swap3A_283 : memref<1x1x128xi32, #tpu.memory_space<vmem>> -> memref<128xi32, #tpu.memory_space<vmem>>
        %swap3A_285 = arith.constant 80 : index
        %swap3A_286 = tpu.vector_load %swap3A_284[%swap3A_285] {strides = array<i32>} : memref<128xi32, #tpu.memory_space<vmem>>, vector<16xi32>,
        %swap3A_287 = vector.shape_cast %swap3A_286 : vector<16xi32> to vector<16xi32>
        %swap3A_288 = vector.shape_cast %or3A_281 : vector<16xi32> to vector<16xi32>
        tpu.vector_store %swap3A_284[%swap3A_285], %swap3A_288 {strides = array<i32>} : memref<128xi32, #tpu.memory_space<vmem>>, vector<16xi32>,
        %get3A_289 = arith.constant 0 : i32
        %get3A_290 = tpu.memref_slice %arg6[%select_n3A, %select_n3A_116, %get3A_289] : memref<25x8x128xi32, #tpu.memory_space<vmem>> -> memref<1x1x128xi32, #tpu.memory_space<vmem>>
        %get3A_291 = tpu.memref_squeeze %get3A_290 : memref<1x1x128xi32, #tpu.memory_space<vmem>> -> memref<128xi32, #tpu.memory_space<vmem>>
        %get3A_292 = arith.constant 96 : index
        %get3A_293 = tpu.vector_load %get3A_291[%get3A_292] {strides = array<i32>} : memref<128xi32, #tpu.memory_space<vmem>>, vector<16xi32>,
        %get3A_294 = vector.shape_cast %get3A_293 : vector<16xi32> to vector<16xi32>
        %convert_element_type3A_295 = arith.sitofp %get3A_294 : vector<16xi32> to vector<16xf32>
        %add3A_296 = arith.constant 5.000000e-01 : f32
        %add3A_297 = vector.broadcast %add3A_296 : f32 to vector<16xf32>
        %add3A_298 = arith.addf %convert_element_type3A_295, %add3A_297 : vector<16xf32>
        %mul3A_299 = arith.constant 7.812500e-05 : f32
        %mul3A_300 = vector.broadcast %mul3A_299 : f32 to vector<16xf32>
        %mul3A_301 = arith.mulf %add3A_298, %mul3A_300 : vector<16xf32>
        %convert_element_type3A_302 = arith.fptosi %mul3A_301 : vector<16xf32> to vector<16xi32>
        %mul3A_303 = arith.constant 12800 : i32
        %mul3A_304 = vector.broadcast %mul3A_303 : i32 to vector<16xi32>
        %mul3A_305 = arith.muli %convert_element_type3A_302, %mul3A_304 : vector<16xi32>
        %sub3A_306 = arith.subi %get3A_294, %mul3A_305 : vector<16xi32>
        %shift_left3A_307 = arith.constant 3 : i32
        %shift_left3A_308 = vector.broadcast %shift_left3A_307 : i32 to vector<16xi32>
        %shift_left3A_309 = arith.shli %sub3A_306, %shift_left3A_308 : vector<16xi32>
        %or3A_310 = arith.ori %shift_left3A_309, %convert_element_type3A_302 : vector<16xi32>
        %swap3A_311 = arith.constant 0 : i32
        %swap3A_312 = tpu.memref_slice %arg6[%select_n3A, %select_n3A_116, %swap3A_311] : memref<25x8x128xi32, #tpu.memory_space<vmem>> -> memref<1x1x128xi32, #tpu.memory_space<vmem>>
        %swap3A_313 = tpu.memref_squeeze %swap3A_312 : memref<1x1x128xi32, #tpu.memory_space<vmem>> -> memref<128xi32, #tpu.memory_space<vmem>>
        %swap3A_314 = arith.constant 96 : index
        %swap3A_315 = tpu.vector_load %swap3A_313[%swap3A_314] {strides = array<i32>} : memref<128xi32, #tpu.memory_space<vmem>>, vector<16xi32>,
        %swap3A_316 = vector.shape_cast %swap3A_315 : vector<16xi32> to vector<16xi32>
        %swap3A_317 = vector.shape_cast %or3A_310 : vector<16xi32> to vector<16xi32>
        tpu.vector_store %swap3A_313[%swap3A_314], %swap3A_317 {strides = array<i32>} : memref<128xi32, #tpu.memory_space<vmem>>, vector<16xi32>,
        %get3A_318 = arith.constant 0 : i32
        %get3A_319 = tpu.memref_slice %arg6[%select_n3A, %select_n3A_116, %get3A_318] : memref<25x8x128xi32, #tpu.memory_space<vmem>> -> memref<1x1x128xi32, #tpu.memory_space<vmem>>
        %get3A_320 = tpu.memref_squeeze %get3A_319 : memref<1x1x128xi32, #tpu.memory_space<vmem>> -> memref<128xi32, #tpu.memory_space<vmem>>
        %get3A_321 = arith.constant 112 : index
        %get3A_322 = tpu.vector_load %get3A_320[%get3A_321] {strides = array<i32>} : memref<128xi32, #tpu.memory_space<vmem>>, vector<16xi32>,
        %get3A_323 = vector.shape_cast %get3A_322 : vector<16xi32> to vector<16xi32>
        %convert_element_type3A_324 = arith.sitofp %get3A_323 : vector<16xi32> to vector<16xf32>
        %add3A_325 = arith.constant 5.000000e-01 : f32
        %add3A_326 = vector.broadcast %add3A_325 : f32 to vector<16xf32>
        %add3A_327 = arith.addf %convert_element_type3A_324, %add3A_326 : vector<16xf32>
        %mul3A_328 = arith.constant 7.812500e-05 : f32
        %mul3A_329 = vector.broadcast %mul3A_328 : f32 to vector<16xf32>
        %mul3A_330 = arith.mulf %add3A_327, %mul3A_329 : vector<16xf32>
        %convert_element_type3A_331 = arith.fptosi %mul3A_330 : vector<16xf32> to vector<16xi32>
        %mul3A_332 = arith.constant 12800 : i32
        %mul3A_333 = vector.broadcast %mul3A_332 : i32 to vector<16xi32>
        %mul3A_334 = arith.muli %convert_element_type3A_331, %mul3A_333 : vector<16xi32>
        %sub3A_335 = arith.subi %get3A_323, %mul3A_334 : vector<16xi32>
        %shift_left3A_336 = arith.constant 3 : i32
        %shift_left3A_337 = vector.broadcast %shift_left3A_336 : i32 to vector<16xi32>
        %shift_left3A_338 = arith.shli %sub3A_335, %shift_left3A_337 : vector<16xi32>
        %or3A_339 = arith.ori %shift_left3A_338, %convert_element_type3A_331 : vector<16xi32>
        %swap3A_340 = arith.constant 0 : i32
        %swap3A_341 = tpu.memref_slice %arg6[%select_n3A, %select_n3A_116, %swap3A_340] : memref<25x8x128xi32, #tpu.memory_space<vmem>> -> memref<1x1x128xi32, #tpu.memory_space<vmem>>
        %swap3A_342 = tpu.memref_squeeze %swap3A_341 : memref<1x1x128xi32, #tpu.memory_space<vmem>> -> memref<128xi32, #tpu.memory_space<vmem>>
        %swap3A_343 = arith.constant 112 : index
        %swap3A_344 = tpu.vector_load %swap3A_342[%swap3A_343] {strides = array<i32>} : memref<128xi32, #tpu.memory_space<vmem>>, vector<16xi32>,
        %swap3A_345 = vector.shape_cast %swap3A_344 : vector<16xi32> to vector<16xi32>
        %swap3A_346 = vector.shape_cast %or3A_339 : vector<16xi32> to vector<16xi32>
        tpu.vector_store %swap3A_342[%swap3A_343], %swap3A_346 {strides = array<i32>} : memref<128xi32, #tpu.memory_space<vmem>>, vector<16xi32>,
      }
      %while3A_50 = arith.constant 1 : i32
      scf.for %while3A_85 = %while3A_48 to %while3A_44 step %while3A_50  : i32 {
        %jit3A = arith.constant 8 : i32
        %div3A = arith.divsi %while3A_85, %jit3A : i32
        %sign3A = arith.constant 0 : i32
        %sign3A_86 = arith.cmpi sgt, %while3A_85, %sign3A : i32
        %sign3A_87 = arith.extui %sign3A_86 : i1 to i32
        %sign3A_88 = arith.constant 0 : i32
        %sign3A_89 = arith.cmpi slt, %while3A_85, %sign3A_88 : i32
        %sign3A_90 = arith.extui %sign3A_89 : i1 to i32
        %sign3A_91 = arith.subi %sign3A_87, %sign3A_90 : i32
        %sign3A_92 = arith.constant 0 : i32
        %sign3A_93 = arith.cmpi sgt, %jit3A, %sign3A_92 : i32
        %sign3A_94 = arith.extui %sign3A_93 : i1 to i32
        %sign3A_95 = arith.constant 0 : i32
        %sign3A_96 = arith.cmpi slt, %jit3A, %sign3A_95 : i32
        %sign3A_97 = arith.extui %sign3A_96 : i1 to i32
        %sign3A_98 = arith.subi %sign3A_94, %sign3A_97 : i32
        %ne3A = arith.cmpi ne, %sign3A_91, %sign3A_98 : i32
        %rem3A = arith.remsi %while3A_85, %jit3A : i32
        %ne3A_99 = arith.constant 0 : i32
        %ne3A_100 = arith.cmpi ne, %rem3A, %ne3A_99 : i32
        %and3A = arith.andi %ne3A, %ne3A_100 : i1
        %sub3A = arith.constant 1 : i32
        %sub3A_101 = arith.subi %div3A, %sub3A : i32
        %select_n3A = arith.select %and3A, %sub3A_101, %div3A : i32
        %jit3A_102 = arith.constant 8 : i32
        %eq3A = arith.constant 0 : i32
        %eq3A_103 = arith.cmpi eq, %jit3A_102, %eq3A : i32
        %jit3A_104 = arith.constant 1 : i32
        %select_n3A_105 = arith.select %eq3A_103, %jit3A_104, %jit3A_102 : i32
        %rem3A_106 = arith.remsi %while3A_85, %select_n3A_105 : i32
        %ne3A_107 = arith.constant 0 : i32
        %ne3A_108 = arith.cmpi ne, %rem3A_106, %ne3A_107 : i32
        %lt3A_109 = arith.constant 0 : i32
        %lt3A_110 = arith.cmpi slt, %rem3A_106, %lt3A_109 : i32
        %lt3A_111 = arith.constant 0 : i32
        %lt3A_112 = arith.cmpi slt, %select_n3A_105, %lt3A_111 : i32
        %ne3A_113 = arith.xori %lt3A_110, %lt3A_112 : i1
        %and3A_114 = arith.andi %ne3A_113, %ne3A_108 : i1
        %add3A_115 = arith.addi %rem3A_106, %select_n3A_105 : i32
        %select_n3A_116 = arith.select %and3A_114, %add3A_115, %rem3A_106 : i32
        %get3A_117 = arith.constant 0 : i32
        %get3A_118 = tpu.memref_slice %arg6[%select_n3A, %select_n3A_116, %get3A_117] : memref<25x8x128xi32, #tpu.memory_space<vmem>> -> memref<1x1x128xi32, #tpu.memory_space<vmem>>
        %get3A_119 = tpu.memref_squeeze %get3A_118 : memref<1x1x128xi32, #tpu.memory_space<vmem>> -> memref<128xi32, #tpu.memory_space<vmem>>
        %get3A_120 = arith.constant 0 : index
        %get3A_121 = tpu.vector_load %get3A_119[%get3A_120] {strides = array<i32>} : memref<128xi32, #tpu.memory_space<vmem>>, vector<16xi32>,
        %get3A_122 = vector.shape_cast %get3A_121 : vector<16xi32> to vector<16xi32>
        %convert_element_type3A_123 = arith.sitofp %get3A_122 : vector<16xi32> to vector<16xf32>
        %add3A_124 = arith.constant 5.000000e-01 : f32
        %add3A_125 = vector.broadcast %add3A_124 : f32 to vector<16xf32>
        %add3A_126 = arith.addf %convert_element_type3A_123, %add3A_125 : vector<16xf32>
        %mul3A_127 = arith.constant 7.812500e-05 : f32
        %mul3A_128 = vector.broadcast %mul3A_127 : f32 to vector<16xf32>
        %mul3A_129 = arith.mulf %add3A_126, %mul3A_128 : vector<16xf32>
        %convert_element_type3A_130 = arith.fptosi %mul3A_129 : vector<16xf32> to vector<16xi32>
        %mul3A_131 = arith.constant 12800 : i32
        %mul3A_132 = vector.broadcast %mul3A_131 : i32 to vector<16xi32>
        %mul3A_133 = arith.muli %convert_element_type3A_130, %mul3A_132 : vector<16xi32>
        %sub3A_134 = arith.subi %get3A_122, %mul3A_133 : vector<16xi32>
        %shift_left3A = arith.constant 3 : i32
        %shift_left3A_135 = vector.broadcast %shift_left3A : i32 to vector<16xi32>
        %shift_left3A_136 = arith.shli %sub3A_134, %shift_left3A_135 : vector<16xi32>
        %or3A = arith.ori %shift_left3A_136, %convert_element_type3A_130 : vector<16xi32>
        %swap3A_137 = arith.constant 0 : i32
        %swap3A_138 = tpu.memref_slice %arg6[%select_n3A, %select_n3A_116, %swap3A_137] : memref<25x8x128xi32, #tpu.memory_space<vmem>> -> memref<1x1x128xi32, #tpu.memory_space<vmem>>
        %swap3A_139 = tpu.memref_squeeze %swap3A_138 : memref<1x1x128xi32, #tpu.memory_space<vmem>> -> memref<128xi32, #tpu.memory_space<vmem>>
        %swap3A_140 = arith.constant 0 : index
        %swap3A_141 = tpu.vector_load %swap3A_139[%swap3A_140] {strides = array<i32>} : memref<128xi32, #tpu.memory_space<vmem>>, vector<16xi32>,
        %swap3A_142 = vector.shape_cast %swap3A_141 : vector<16xi32> to vector<16xi32>
        %swap3A_143 = vector.shape_cast %or3A : vector<16xi32> to vector<16xi32>
        tpu.vector_store %swap3A_139[%swap3A_140], %swap3A_143 {strides = array<i32>} : memref<128xi32, #tpu.memory_space<vmem>>, vector<16xi32>,
        %get3A_144 = arith.constant 0 : i32
        %get3A_145 = tpu.memref_slice %arg6[%select_n3A, %select_n3A_116, %get3A_144] : memref<25x8x128xi32, #tpu.memory_space<vmem>> -> memref<1x1x128xi32, #tpu.memory_space<vmem>>
        %get3A_146 = tpu.memref_squeeze %get3A_145 : memref<1x1x128xi32, #tpu.memory_space<vmem>> -> memref<128xi32, #tpu.memory_space<vmem>>
        %get3A_147 = arith.constant 16 : index
        %get3A_148 = tpu.vector_load %get3A_146[%get3A_147] {strides = array<i32>} : memref<128xi32, #tpu.memory_space<vmem>>, vector<16xi32>,
        %get3A_149 = vector.shape_cast %get3A_148 : vector<16xi32> to vector<16xi32>
        %convert_element_type3A_150 = arith.sitofp %get3A_149 : vector<16xi32> to vector<16xf32>
        %add3A_151 = arith.constant 5.000000e-01 : f32
        %add3A_152 = vector.broadcast %add3A_151 : f32 to vector<16xf32>
        %add3A_153 = arith.addf %convert_element_type3A_150, %add3A_152 : vector<16xf32>
        %mul3A_154 = arith.constant 7.812500e-05 : f32
        %mul3A_155 = vector.broadcast %mul3A_154 : f32 to vector<16xf32>
        %mul3A_156 = arith.mulf %add3A_153, %mul3A_155 : vector<16xf32>
        %convert_element_type3A_157 = arith.fptosi %mul3A_156 : vector<16xf32> to vector<16xi32>
        %mul3A_158 = arith.constant 12800 : i32
        %mul3A_159 = vector.broadcast %mul3A_158 : i32 to vector<16xi32>
        %mul3A_160 = arith.muli %convert_element_type3A_157, %mul3A_159 : vector<16xi32>
        %sub3A_161 = arith.subi %get3A_149, %mul3A_160 : vector<16xi32>
        %shift_left3A_162 = arith.constant 3 : i32
        %shift_left3A_163 = vector.broadcast %shift_left3A_162 : i32 to vector<16xi32>
        %shift_left3A_164 = arith.shli %sub3A_161, %shift_left3A_163 : vector<16xi32>
        %or3A_165 = arith.ori %shift_left3A_164, %convert_element_type3A_157 : vector<16xi32>
        %swap3A_166 = arith.constant 0 : i32
        %swap3A_167 = tpu.memref_slice %arg6[%select_n3A, %select_n3A_116, %swap3A_166] : memref<25x8x128xi32, #tpu.memory_space<vmem>> -> memref<1x1x128xi32, #tpu.memory_space<vmem>>
        %swap3A_168 = tpu.memref_squeeze %swap3A_167 : memref<1x1x128xi32, #tpu.memory_space<vmem>> -> memref<128xi32, #tpu.memory_space<vmem>>
        %swap3A_169 = arith.constant 16 : index
        %swap3A_170 = tpu.vector_load %swap3A_168[%swap3A_169] {strides = array<i32>} : memref<128xi32, #tpu.memory_space<vmem>>, vector<16xi32>,
        %swap3A_171 = vector.shape_cast %swap3A_170 : vector<16xi32> to vector<16xi32>
        %swap3A_172 = vector.shape_cast %or3A_165 : vector<16xi32> to vector<16xi32>
        tpu.vector_store %swap3A_168[%swap3A_169], %swap3A_172 {strides = array<i32>} : memref<128xi32, #tpu.memory_space<vmem>>, vector<16xi32>,
        %get3A_173 = arith.constant 0 : i32
        %get3A_174 = tpu.memref_slice %arg6[%select_n3A, %select_n3A_116, %get3A_173] : memref<25x8x128xi32, #tpu.memory_space<vmem>> -> memref<1x1x128xi32, #tpu.memory_space<vmem>>
        %get3A_175 = tpu.memref_squeeze %get3A_174 : memref<1x1x128xi32, #tpu.memory_space<vmem>> -> memref<128xi32, #tpu.memory_space<vmem>>
        %get3A_176 = arith.constant 32 : index
        %get3A_177 = tpu.vector_load %get3A_175[%get3A_176] {strides = array<i32>} : memref<128xi32, #tpu.memory_space<vmem>>, vector<16xi32>,
        %get3A_178 = vector.shape_cast %get3A_177 : vector<16xi32> to vector<16xi32>
        %convert_element_type3A_179 = arith.sitofp %get3A_178 : vector<16xi32> to vector<16xf32>
        %add3A_180 = arith.constant 5.000000e-01 : f32
        %add3A_181 = vector.broadcast %add3A_180 : f32 to vector<16xf32>
        %add3A_182 = arith.addf %convert_element_type3A_179, %add3A_181 : vector<16xf32>
        %mul3A_183 = arith.constant 7.812500e-05 : f32
        %mul3A_184 = vector.broadcast %mul3A_183 : f32 to vector<16xf32>
        %mul3A_185 = arith.mulf %add3A_182, %mul3A_184 : vector<16xf32>
        %convert_element_type3A_186 = arith.fptosi %mul3A_185 : vector<16xf32> to vector<16xi32>
        %mul3A_187 = arith.constant 12800 : i32
        %mul3A_188 = vector.broadcast %mul3A_187 : i32 to vector<16xi32>
        %mul3A_189 = arith.muli %convert_element_type3A_186, %mul3A_188 : vector<16xi32>
        %sub3A_190 = arith.subi %get3A_178, %mul3A_189 : vector<16xi32>
        %shift_left3A_191 = arith.constant 3 : i32
        %shift_left3A_192 = vector.broadcast %shift_left3A_191 : i32 to vector<16xi32>
        %shift_left3A_193 = arith.shli %sub3A_190, %shift_left3A_192 : vector<16xi32>
        %or3A_194 = arith.ori %shift_left3A_193, %convert_element_type3A_186 : vector<16xi32>
        %swap3A_195 = arith.constant 0 : i32
        %swap3A_196 = tpu.memref_slice %arg6[%select_n3A, %select_n3A_116, %swap3A_195] : memref<25x8x128xi32, #tpu.memory_space<vmem>> -> memref<1x1x128xi32, #tpu.memory_space<vmem>>
        %swap3A_197 = tpu.memref_squeeze %swap3A_196 : memref<1x1x128xi32, #tpu.memory_space<vmem>> -> memref<128xi32, #tpu.memory_space<vmem>>
        %swap3A_198 = arith.constant 32 : index
        %swap3A_199 = tpu.vector_load %swap3A_197[%swap3A_198] {strides = array<i32>} : memref<128xi32, #tpu.memory_space<vmem>>, vector<16xi32>,
        %swap3A_200 = vector.shape_cast %swap3A_199 : vector<16xi32> to vector<16xi32>
        %swap3A_201 = vector.shape_cast %or3A_194 : vector<16xi32> to vector<16xi32>
        tpu.vector_store %swap3A_197[%swap3A_198], %swap3A_201 {strides = array<i32>} : memref<128xi32, #tpu.memory_space<vmem>>, vector<16xi32>,
        %get3A_202 = arith.constant 0 : i32
        %get3A_203 = tpu.memref_slice %arg6[%select_n3A, %select_n3A_116, %get3A_202] : memref<25x8x128xi32, #tpu.memory_space<vmem>> -> memref<1x1x128xi32, #tpu.memory_space<vmem>>
        %get3A_204 = tpu.memref_squeeze %get3A_203 : memref<1x1x128xi32, #tpu.memory_space<vmem>> -> memref<128xi32, #tpu.memory_space<vmem>>
        %get3A_205 = arith.constant 48 : index
        %get3A_206 = tpu.vector_load %get3A_204[%get3A_205] {strides = array<i32>} : memref<128xi32, #tpu.memory_space<vmem>>, vector<16xi32>,
        %get3A_207 = vector.shape_cast %get3A_206 : vector<16xi32> to vector<16xi32>
        %convert_element_type3A_208 = arith.sitofp %get3A_207 : vector<16xi32> to vector<16xf32>
        %add3A_209 = arith.constant 5.000000e-01 : f32
        %add3A_210 = vector.broadcast %add3A_209 : f32 to vector<16xf32>
        %add3A_211 = arith.addf %convert_element_type3A_208, %add3A_210 : vector<16xf32>
        %mul3A_212 = arith.constant 7.812500e-05 : f32
        %mul3A_213 = vector.broadcast %mul3A_212 : f32 to vector<16xf32>
        %mul3A_214 = arith.mulf %add3A_211, %mul3A_213 : vector<16xf32>
        %convert_element_type3A_215 = arith.fptosi %mul3A_214 : vector<16xf32> to vector<16xi32>
        %mul3A_216 = arith.constant 12800 : i32
        %mul3A_217 = vector.broadcast %mul3A_216 : i32 to vector<16xi32>
        %mul3A_218 = arith.muli %convert_element_type3A_215, %mul3A_217 : vector<16xi32>
        %sub3A_219 = arith.subi %get3A_207, %mul3A_218 : vector<16xi32>
        %shift_left3A_220 = arith.constant 3 : i32
        %shift_left3A_221 = vector.broadcast %shift_left3A_220 : i32 to vector<16xi32>
        %shift_left3A_222 = arith.shli %sub3A_219, %shift_left3A_221 : vector<16xi32>
        %or3A_223 = arith.ori %shift_left3A_222, %convert_element_type3A_215 : vector<16xi32>
        %swap3A_224 = arith.constant 0 : i32
        %swap3A_225 = tpu.memref_slice %arg6[%select_n3A, %select_n3A_116, %swap3A_224] : memref<25x8x128xi32, #tpu.memory_space<vmem>> -> memref<1x1x128xi32, #tpu.memory_space<vmem>>
        %swap3A_226 = tpu.memref_squeeze %swap3A_225 : memref<1x1x128xi32, #tpu.memory_space<vmem>> -> memref<128xi32, #tpu.memory_space<vmem>>
        %swap3A_227 = arith.constant 48 : index
        %swap3A_228 = tpu.vector_load %swap3A_226[%swap3A_227] {strides = array<i32>} : memref<128xi32, #tpu.memory_space<vmem>>, vector<16xi32>,
        %swap3A_229 = vector.shape_cast %swap3A_228 : vector<16xi32> to vector<16xi32>
        %swap3A_230 = vector.shape_cast %or3A_223 : vector<16xi32> to vector<16xi32>
        tpu.vector_store %swap3A_226[%swap3A_227], %swap3A_230 {strides = array<i32>} : memref<128xi32, #tpu.memory_space<vmem>>, vector<16xi32>,
        %get3A_231 = arith.constant 0 : i32
        %get3A_232 = tpu.memref_slice %arg6[%select_n3A, %select_n3A_116, %get3A_231] : memref<25x8x128xi32, #tpu.memory_space<vmem>> -> memref<1x1x128xi32, #tpu.memory_space<vmem>>
        %get3A_233 = tpu.memref_squeeze %get3A_232 : memref<1x1x128xi32, #tpu.memory_space<vmem>> -> memref<128xi32, #tpu.memory_space<vmem>>
        %get3A_234 = arith.constant 64 : index
        %get3A_235 = tpu.vector_load %get3A_233[%get3A_234] {strides = array<i32>} : memref<128xi32, #tpu.memory_space<vmem>>, vector<16xi32>,
        %get3A_236 = vector.shape_cast %get3A_235 : vector<16xi32> to vector<16xi32>
        %convert_element_type3A_237 = arith.sitofp %get3A_236 : vector<16xi32> to vector<16xf32>
        %add3A_238 = arith.constant 5.000000e-01 : f32
        %add3A_239 = vector.broadcast %add3A_238 : f32 to vector<16xf32>
        %add3A_240 = arith.addf %convert_element_type3A_237, %add3A_239 : vector<16xf32>
        %mul3A_241 = arith.constant 7.812500e-05 : f32
        %mul3A_242 = vector.broadcast %mul3A_241 : f32 to vector<16xf32>
        %mul3A_243 = arith.mulf %add3A_240, %mul3A_242 : vector<16xf32>
        %convert_element_type3A_244 = arith.fptosi %mul3A_243 : vector<16xf32> to vector<16xi32>
        %mul3A_245 = arith.constant 12800 : i32
        %mul3A_246 = vector.broadcast %mul3A_245 : i32 to vector<16xi32>
        %mul3A_247 = arith.muli %convert_element_type3A_244, %mul3A_246 : vector<16xi32>
        %sub3A_248 = arith.subi %get3A_236, %mul3A_247 : vector<16xi32>
        %shift_left3A_249 = arith.constant 3 : i32
        %shift_left3A_250 = vector.broadcast %shift_left3A_249 : i32 to vector<16xi32>
        %shift_left3A_251 = arith.shli %sub3A_248, %shift_left3A_250 : vector<16xi32>
        %or3A_252 = arith.ori %shift_left3A_251, %convert_element_type3A_244 : vector<16xi32>
        %swap3A_253 = arith.constant 0 : i32
        %swap3A_254 = tpu.memref_slice %arg6[%select_n3A, %select_n3A_116, %swap3A_253] : memref<25x8x128xi32, #tpu.memory_space<vmem>> -> memref<1x1x128xi32, #tpu.memory_space<vmem>>
        %swap3A_255 = tpu.memref_squeeze %swap3A_254 : memref<1x1x128xi32, #tpu.memory_space<vmem>> -> memref<128xi32, #tpu.memory_space<vmem>>
        %swap3A_256 = arith.constant 64 : index
        %swap3A_257 = tpu.vector_load %swap3A_255[%swap3A_256] {strides = array<i32>} : memref<128xi32, #tpu.memory_space<vmem>>, vector<16xi32>,
        %swap3A_258 = vector.shape_cast %swap3A_257 : vector<16xi32> to vector<16xi32>
        %swap3A_259 = vector.shape_cast %or3A_252 : vector<16xi32> to vector<16xi32>
        tpu.vector_store %swap3A_255[%swap3A_256], %swap3A_259 {strides = array<i32>} : memref<128xi32, #tpu.memory_space<vmem>>, vector<16xi32>,
        %get3A_260 = arith.constant 0 : i32
        %get3A_261 = tpu.memref_slice %arg6[%select_n3A, %select_n3A_116, %get3A_260] : memref<25x8x128xi32, #tpu.memory_space<vmem>> -> memref<1x1x128xi32, #tpu.memory_space<vmem>>
        %get3A_262 = tpu.memref_squeeze %get3A_261 : memref<1x1x128xi32, #tpu.memory_space<vmem>> -> memref<128xi32, #tpu.memory_space<vmem>>
        %get3A_263 = arith.constant 80 : index
        %get3A_264 = tpu.vector_load %get3A_262[%get3A_263] {strides = array<i32>} : memref<128xi32, #tpu.memory_space<vmem>>, vector<16xi32>,
        %get3A_265 = vector.shape_cast %get3A_264 : vector<16xi32> to vector<16xi32>
        %convert_element_type3A_266 = arith.sitofp %get3A_265 : vector<16xi32> to vector<16xf32>
        %add3A_267 = arith.constant 5.000000e-01 : f32
        %add3A_268 = vector.broadcast %add3A_267 : f32 to vector<16xf32>
        %add3A_269 = arith.addf %convert_element_type3A_266, %add3A_268 : vector<16xf32>
        %mul3A_270 = arith.constant 7.812500e-05 : f32
        %mul3A_271 = vector.broadcast %mul3A_270 : f32 to vector<16xf32>
        %mul3A_272 = arith.mulf %add3A_269, %mul3A_271 : vector<16xf32>
        %convert_element_type3A_273 = arith.fptosi %mul3A_272 : vector<16xf32> to vector<16xi32>
        %mul3A_274 = arith.constant 12800 : i32
        %mul3A_275 = vector.broadcast %mul3A_274 : i32 to vector<16xi32>
        %mul3A_276 = arith.muli %convert_element_type3A_273, %mul3A_275 : vector<16xi32>
        %sub3A_277 = arith.subi %get3A_265, %mul3A_276 : vector<16xi32>
        %shift_left3A_278 = arith.constant 3 : i32
        %shift_left3A_279 = vector.broadcast %shift_left3A_278 : i32 to vector<16xi32>
        %shift_left3A_280 = arith.shli %sub3A_277, %shift_left3A_279 : vector<16xi32>
        %or3A_281 = arith.ori %shift_left3A_280, %convert_element_type3A_273 : vector<16xi32>
        %swap3A_282 = arith.constant 0 : i32
        %swap3A_283 = tpu.memref_slice %arg6[%select_n3A, %select_n3A_116, %swap3A_282] : memref<25x8x128xi32, #tpu.memory_space<vmem>> -> memref<1x1x128xi32, #tpu.memory_space<vmem>>
        %swap3A_284 = tpu.memref_squeeze %swap3A_283 : memref<1x1x128xi32, #tpu.memory_space<vmem>> -> memref<128xi32, #tpu.memory_space<vmem>>
        %swap3A_285 = arith.constant 80 : index
        %swap3A_286 = tpu.vector_load %swap3A_284[%swap3A_285] {strides = array<i32>} : memref<128xi32, #tpu.memory_space<vmem>>, vector<16xi32>,
        %swap3A_287 = vector.shape_cast %swap3A_286 : vector<16xi32> to vector<16xi32>
        %swap3A_288 = vector.shape_cast %or3A_281 : vector<16xi32> to vector<16xi32>
        tpu.vector_store %swap3A_284[%swap3A_285], %swap3A_288 {strides = array<i32>} : memref<128xi32, #tpu.memory_space<vmem>>, vector<16xi32>,
        %get3A_289 = arith.constant 0 : i32
        %get3A_290 = tpu.memref_slice %arg6[%select_n3A, %select_n3A_116, %get3A_289] : memref<25x8x128xi32, #tpu.memory_space<vmem>> -> memref<1x1x128xi32, #tpu.memory_space<vmem>>
        %get3A_291 = tpu.memref_squeeze %get3A_290 : memref<1x1x128xi32, #tpu.memory_space<vmem>> -> memref<128xi32, #tpu.memory_space<vmem>>
        %get3A_292 = arith.constant 96 : index
        %get3A_293 = tpu.vector_load %get3A_291[%get3A_292] {strides = array<i32>} : memref<128xi32, #tpu.memory_space<vmem>>, vector<16xi32>,
        %get3A_294 = vector.shape_cast %get3A_293 : vector<16xi32> to vector<16xi32>
        %convert_element_type3A_295 = arith.sitofp %get3A_294 : vector<16xi32> to vector<16xf32>
        %add3A_296 = arith.constant 5.000000e-01 : f32
        %add3A_297 = vector.broadcast %add3A_296 : f32 to vector<16xf32>
        %add3A_298 = arith.addf %convert_element_type3A_295, %add3A_297 : vector<16xf32>
        %mul3A_299 = arith.constant 7.812500e-05 : f32
        %mul3A_300 = vector.broadcast %mul3A_299 : f32 to vector<16xf32>
        %mul3A_301 = arith.mulf %add3A_298, %mul3A_300 : vector<16xf32>
        %convert_element_type3A_302 = arith.fptosi %mul3A_301 : vector<16xf32> to vector<16xi32>
        %mul3A_303 = arith.constant 12800 : i32
        %mul3A_304 = vector.broadcast %mul3A_303 : i32 to vector<16xi32>
        %mul3A_305 = arith.muli %convert_element_type3A_302, %mul3A_304 : vector<16xi32>
        %sub3A_306 = arith.subi %get3A_294, %mul3A_305 : vector<16xi32>
        %shift_left3A_307 = arith.constant 3 : i32
        %shift_left3A_308 = vector.broadcast %shift_left3A_307 : i32 to vector<16xi32>
        %shift_left3A_309 = arith.shli %sub3A_306, %shift_left3A_308 : vector<16xi32>
        %or3A_310 = arith.ori %shift_left3A_309, %convert_element_type3A_302 : vector<16xi32>
        %swap3A_311 = arith.constant 0 : i32
        %swap3A_312 = tpu.memref_slice %arg6[%select_n3A, %select_n3A_116, %swap3A_311] : memref<25x8x128xi32, #tpu.memory_space<vmem>> -> memref<1x1x128xi32, #tpu.memory_space<vmem>>
        %swap3A_313 = tpu.memref_squeeze %swap3A_312 : memref<1x1x128xi32, #tpu.memory_space<vmem>> -> memref<128xi32, #tpu.memory_space<vmem>>
        %swap3A_314 = arith.constant 96 : index
        %swap3A_315 = tpu.vector_load %swap3A_313[%swap3A_314] {strides = array<i32>} : memref<128xi32, #tpu.memory_space<vmem>>, vector<16xi32>,
        %swap3A_316 = vector.shape_cast %swap3A_315 : vector<16xi32> to vector<16xi32>
        %swap3A_317 = vector.shape_cast %or3A_310 : vector<16xi32> to vector<16xi32>
        tpu.vector_store %swap3A_313[%swap3A_314], %swap3A_317 {strides = array<i32>} : memref<128xi32, #tpu.memory_space<vmem>>, vector<16xi32>,
        %get3A_318 = arith.constant 0 : i32
        %get3A_319 = tpu.memref_slice %arg6[%select_n3A, %select_n3A_116, %get3A_318] : memref<25x8x128xi32, #tpu.memory_space<vmem>> -> memref<1x1x128xi32, #tpu.memory_space<vmem>>
        %get3A_320 = tpu.memref_squeeze %get3A_319 : memref<1x1x128xi32, #tpu.memory_space<vmem>> -> memref<128xi32, #tpu.memory_space<vmem>>
        %get3A_321 = arith.constant 112 : index
        %get3A_322 = tpu.vector_load %get3A_320[%get3A_321] {strides = array<i32>} : memref<128xi32, #tpu.memory_space<vmem>>, vector<16xi32>,
        %get3A_323 = vector.shape_cast %get3A_322 : vector<16xi32> to vector<16xi32>
        %convert_element_type3A_324 = arith.sitofp %get3A_323 : vector<16xi32> to vector<16xf32>
        %add3A_325 = arith.constant 5.000000e-01 : f32
        %add3A_326 = vector.broadcast %add3A_325 : f32 to vector<16xf32>
        %add3A_327 = arith.addf %convert_element_type3A_324, %add3A_326 : vector<16xf32>
        %mul3A_328 = arith.constant 7.812500e-05 : f32
        %mul3A_329 = vector.broadcast %mul3A_328 : f32 to vector<16xf32>
        %mul3A_330 = arith.mulf %add3A_327, %mul3A_329 : vector<16xf32>
        %convert_element_type3A_331 = arith.fptosi %mul3A_330 : vector<16xf32> to vector<16xi32>
        %mul3A_332 = arith.constant 12800 : i32
        %mul3A_333 = vector.broadcast %mul3A_332 : i32 to vector<16xi32>
        %mul3A_334 = arith.muli %convert_element_type3A_331, %mul3A_333 : vector<16xi32>
        %sub3A_335 = arith.subi %get3A_323, %mul3A_334 : vector<16xi32>
        %shift_left3A_336 = arith.constant 3 : i32
        %shift_left3A_337 = vector.broadcast %shift_left3A_336 : i32 to vector<16xi32>
        %shift_left3A_338 = arith.shli %sub3A_335, %shift_left3A_337 : vector<16xi32>
        %or3A_339 = arith.ori %shift_left3A_338, %convert_element_type3A_331 : vector<16xi32>
        %swap3A_340 = arith.constant 0 : i32
        %swap3A_341 = tpu.memref_slice %arg6[%select_n3A, %select_n3A_116, %swap3A_340] : memref<25x8x128xi32, #tpu.memory_space<vmem>> -> memref<1x1x128xi32, #tpu.memory_space<vmem>>
        %swap3A_342 = tpu.memref_squeeze %swap3A_341 : memref<1x1x128xi32, #tpu.memory_space<vmem>> -> memref<128xi32, #tpu.memory_space<vmem>>
        %swap3A_343 = arith.constant 112 : index
        %swap3A_344 = tpu.vector_load %swap3A_342[%swap3A_343] {strides = array<i32>} : memref<128xi32, #tpu.memory_space<vmem>>, vector<16xi32>,
        %swap3A_345 = vector.shape_cast %swap3A_344 : vector<16xi32> to vector<16xi32>
        %swap3A_346 = vector.shape_cast %or3A_339 : vector<16xi32> to vector<16xi32>
        tpu.vector_store %swap3A_342[%swap3A_343], %swap3A_346 {strides = array<i32>} : memref<128xi32, #tpu.memory_space<vmem>>, vector<16xi32>,
      }
      %scan3A_51 = arith.constant 0 : i32
      %scan3A_52 = arith.constant 0 : i32
      %scan3A_53 = arith.constant 25 : i32
      %scan3A_54 = arith.addi %scan3A_52, %scan3A_53 : i32
      %scan3A_55 = arith.constant 1 : i32
      scf.for %scan3A_85 = %scan3A_52 to %scan3A_54 step %scan3A_55  : i32 {
        %mul3A_86 = arith.constant 25 : i32
        %mul3A_87 = arith.muli %add3A_36, %mul3A_86 : i32
        %add3A_88 = arith.addi %mul3A_87, %scan3A_85 : i32
        %jit3A = arith.constant 8 : i32
        %div3A = arith.divsi %add3A_88, %jit3A : i32
        %sign3A = arith.constant 0 : i32
        %sign3A_89 = arith.cmpi sgt, %add3A_88, %sign3A : i32
        %sign3A_90 = arith.extui %sign3A_89 : i1 to i32
        %sign3A_91 = arith.constant 0 : i32
        %sign3A_92 = arith.cmpi slt, %add3A_88, %sign3A_91 : i32
        %sign3A_93 = arith.extui %sign3A_92 : i1 to i32
        %sign3A_94 = arith.subi %sign3A_90, %sign3A_93 : i32
        %sign3A_95 = arith.constant 0 : i32
        %sign3A_96 = arith.cmpi sgt, %jit3A, %sign3A_95 : i32
        %sign3A_97 = arith.extui %sign3A_96 : i1 to i32
        %sign3A_98 = arith.constant 0 : i32
        %sign3A_99 = arith.cmpi slt, %jit3A, %sign3A_98 : i32
        %sign3A_100 = arith.extui %sign3A_99 : i1 to i32
        %sign3A_101 = arith.subi %sign3A_97, %sign3A_100 : i32
        %ne3A = arith.cmpi ne, %sign3A_94, %sign3A_101 : i32
        %rem3A = arith.remsi %add3A_88, %jit3A : i32
        %ne3A_102 = arith.constant 0 : i32
        %ne3A_103 = arith.cmpi ne, %rem3A, %ne3A_102 : i32
        %and3A = arith.andi %ne3A, %ne3A_103 : i1
        %sub3A = arith.constant 1 : i32
        %sub3A_104 = arith.subi %div3A, %sub3A : i32
        %select_n3A = arith.select %and3A, %sub3A_104, %div3A : i32
        %jit3A_105 = arith.constant 8 : i32
        %eq3A = arith.constant 0 : i32
        %eq3A_106 = arith.cmpi eq, %jit3A_105, %eq3A : i32
        %jit3A_107 = arith.constant 1 : i32
        %select_n3A_108 = arith.select %eq3A_106, %jit3A_107, %jit3A_105 : i32
        %rem3A_109 = arith.remsi %add3A_88, %select_n3A_108 : i32
        %ne3A_110 = arith.constant 0 : i32
        %ne3A_111 = arith.cmpi ne, %rem3A_109, %ne3A_110 : i32
        %lt3A_112 = arith.constant 0 : i32
        %lt3A_113 = arith.cmpi slt, %rem3A_109, %lt3A_112 : i32
        %lt3A_114 = arith.constant 0 : i32
        %lt3A_115 = arith.cmpi slt, %select_n3A_108, %lt3A_114 : i32
        %ne3A_116 = arith.xori %lt3A_113, %lt3A_115 : i1
        %and3A_117 = arith.andi %ne3A_116, %ne3A_111 : i1
        %add3A_118 = arith.addi %rem3A_109, %select_n3A_108 : i32
        %select_n3A_119 = arith.select %and3A_117, %add3A_118, %rem3A_109 : i32
        %mul3A_120 = arith.constant 128 : i32
        %mul3A_121 = arith.muli %scan3A_85, %mul3A_120 : i32
        %dma_start3A = arith.constant 1 : i32
        %dma_start3A_122 = arith.constant 0 : i32
        %dma_start3A_123 = tpu.memref_slice %arg7[%dma_start3A, %mul3A_121, %dma_start3A_122] : memref<2x3200x16xf32, #tpu.memory_space<vmem>> -> memref<1x128x16xf32, #tpu.memory_space<vmem>>
        %dma_start3A_124 = tpu.memref_squeeze %dma_start3A_123 : memref<1x128x16xf32, #tpu.memory_space<vmem>> -> memref<128x16xf32, #tpu.memory_space<vmem>>
        %dma_start3A_125 = arith.constant 0 : i32
        %dma_start3A_126 = tpu.memref_slice %arg6[%select_n3A, %select_n3A_119, %dma_start3A_125] : memref<25x8x128xi32, #tpu.memory_space<vmem>> -> memref<1x1x128xi32, #tpu.memory_space<vmem>>
        %dma_start3A_127 = tpu.memref_squeeze %dma_start3A_126 : memref<1x1x128xi32, #tpu.memory_space<vmem>> -> memref<128xi32, #tpu.memory_space<vmem>>
        %dma_start3A_128 = arith.constant 0 : i32
        %dma_start3A_129 = arith.constant 0 : i32
        %dma_start3A_130 = tpu.memref_slice %arg3[%dma_start3A_128, %dma_start3A_129] : memref<102400x16xf32, #tpu.memory_space<hbm>> -> memref<102400x16xf32, #tpu.memory_space<hbm>>
        tpu.enqueue_indirect_dma source(%dma_start3A_130 : memref<102400x16xf32, #tpu.memory_space<hbm>>) target(%dma_start3A_124 : memref<128x16xf32, #tpu.memory_space<vmem>>) offsets(%dma_start3A_127 : memref<128xi32, #tpu.memory_space<vmem>>) semaphore(%arg11 : memref<!tpu.dma_semaphore, #tpu.memory_space<semaphore_mem>>)
      }
      %scan3A_56 = arith.constant 25 : i32
      %scan3A_57 = arith.constant 0 : i32
      %scan3A_58 = arith.constant 0 : i32
      %scan3A_59 = arith.constant 25 : i32
      %scan3A_60 = arith.addi %scan3A_58, %scan3A_59 : i32
      %scan3A_61 = arith.constant 1 : i32
      scf.for %scan3A_85 = %scan3A_58 to %scan3A_60 step %scan3A_61  : i32 {
        %mul3A_86 = arith.constant 25 : i32
        %mul3A_87 = arith.muli %mul3A_34, %mul3A_86 : i32
        %add3A_88 = arith.addi %mul3A_87, %scan3A_85 : i32
        %jit3A = arith.constant 8 : i32
        %div3A = arith.divsi %add3A_88, %jit3A : i32
        %sign3A = arith.constant 0 : i32
        %sign3A_89 = arith.cmpi sgt, %add3A_88, %sign3A : i32
        %sign3A_90 = arith.extui %sign3A_89 : i1 to i32
        %sign3A_91 = arith.constant 0 : i32
        %sign3A_92 = arith.cmpi slt, %add3A_88, %sign3A_91 : i32
        %sign3A_93 = arith.extui %sign3A_92 : i1 to i32
        %sign3A_94 = arith.subi %sign3A_90, %sign3A_93 : i32
        %sign3A_95 = arith.constant 0 : i32
        %sign3A_96 = arith.cmpi sgt, %jit3A, %sign3A_95 : i32
        %sign3A_97 = arith.extui %sign3A_96 : i1 to i32
        %sign3A_98 = arith.constant 0 : i32
        %sign3A_99 = arith.cmpi slt, %jit3A, %sign3A_98 : i32
        %sign3A_100 = arith.extui %sign3A_99 : i1 to i32
        %sign3A_101 = arith.subi %sign3A_97, %sign3A_100 : i32
        %ne3A = arith.cmpi ne, %sign3A_94, %sign3A_101 : i32
        %rem3A = arith.remsi %add3A_88, %jit3A : i32
        %ne3A_102 = arith.constant 0 : i32
        %ne3A_103 = arith.cmpi ne, %rem3A, %ne3A_102 : i32
        %and3A = arith.andi %ne3A, %ne3A_103 : i1
        %sub3A = arith.constant 1 : i32
        %sub3A_104 = arith.subi %div3A, %sub3A : i32
        %select_n3A = arith.select %and3A, %sub3A_104, %div3A : i32
        %jit3A_105 = arith.constant 8 : i32
        %eq3A = arith.constant 0 : i32
        %eq3A_106 = arith.cmpi eq, %jit3A_105, %eq3A : i32
        %jit3A_107 = arith.constant 1 : i32
        %select_n3A_108 = arith.select %eq3A_106, %jit3A_107, %jit3A_105 : i32
        %rem3A_109 = arith.remsi %add3A_88, %select_n3A_108 : i32
        %ne3A_110 = arith.constant 0 : i32
        %ne3A_111 = arith.cmpi ne, %rem3A_109, %ne3A_110 : i32
        %lt3A_112 = arith.constant 0 : i32
        %lt3A_113 = arith.cmpi slt, %rem3A_109, %lt3A_112 : i32
        %lt3A_114 = arith.constant 0 : i32
        %lt3A_115 = arith.cmpi slt, %select_n3A_108, %lt3A_114 : i32
        %ne3A_116 = arith.xori %lt3A_113, %lt3A_115 : i1
        %and3A_117 = arith.andi %ne3A_116, %ne3A_111 : i1
        %add3A_118 = arith.addi %rem3A_109, %select_n3A_108 : i32
        %select_n3A_119 = arith.select %and3A_117, %add3A_118, %rem3A_109 : i32
        %mul3A_120 = arith.constant 128 : i32
        %mul3A_121 = arith.muli %scan3A_85, %mul3A_120 : i32
        %dma_wait3A = arith.constant 0 : i32
        %dma_wait3A_122 = arith.constant 0 : i32
        %dma_wait3A_123 = tpu.memref_slice %arg7[%dma_wait3A, %mul3A_121, %dma_wait3A_122] : memref<2x3200x16xf32, #tpu.memory_space<vmem>> -> memref<1x128x16xf32, #tpu.memory_space<vmem>>
        %dma_wait3A_124 = tpu.memref_squeeze %dma_wait3A_123 : memref<1x128x16xf32, #tpu.memory_space<vmem>> -> memref<128x16xf32, #tpu.memory_space<vmem>>
        %dma_wait3A_125 = arith.constant 0 : i32
        %dma_wait3A_126 = tpu.memref_slice %arg6[%select_n3A, %select_n3A_119, %dma_wait3A_125] : memref<25x8x128xi32, #tpu.memory_space<vmem>> -> memref<1x1x128xi32, #tpu.memory_space<vmem>>
        %dma_wait3A_127 = tpu.memref_squeeze %dma_wait3A_126 : memref<1x1x128xi32, #tpu.memory_space<vmem>> -> memref<128xi32, #tpu.memory_space<vmem>>
        %dma_wait3A_128 = arith.constant 0 : i32
        %dma_wait3A_129 = arith.constant 0 : i32
        %dma_wait3A_130 = tpu.memref_slice %arg3[%dma_wait3A_128, %dma_wait3A_129] : memref<102400x16xf32, #tpu.memory_space<hbm>> -> memref<102400x16xf32, #tpu.memory_space<hbm>>
        tpu.wait_indirect_dma semaphore(%arg10 : memref<!tpu.dma_semaphore, #tpu.memory_space<semaphore_mem>>) src(%dma_wait3A_130 : memref<102400x16xf32, #tpu.memory_space<hbm>>) dst(%dma_wait3A_124 : memref<128x16xf32, #tpu.memory_space<vmem>>)
      }
      %scan3A_62 = arith.constant 25 : i32
      %scan3A_63 = arith.constant 0 : i32
      %scan3A_64 = arith.constant 0 : i32
      %scan3A_65 = arith.constant 128 : i32
      %scan3A_66 = arith.addi %scan3A_64, %scan3A_65 : i32
      %scan3A_67 = arith.constant 1 : i32
      scf.for %scan3A_85 = %scan3A_64 to %scan3A_66 step %scan3A_67  : i32 {
        %broadcast_in_dim3A_86 = arith.constant 0.000000e+00 : f32
        %broadcast_in_dim3A_87 = vector.broadcast %broadcast_in_dim3A_86 : f32 to vector<16xf32>
        %add3A_88 = arith.constant 0 : i32
        %add3A_89 = arith.addi %add3A_88, %scan3A_85 : i32
        %get3A_90 = arith.constant 0 : i32
        %get3A_91 = arith.index_cast %get3A_90 : i32 to index
        %get3A_92 = arith.index_cast %add3A_89 : i32 to index
        %get3A_93 = arith.constant 0 : index
        %get3A_94 = tpu.vector_load %arg7[%get3A_91, %get3A_92, %get3A_93] {strides = array<i32>} : memref<2x3200x16xf32, #tpu.memory_space<vmem>>, vector<1x1x16xf32>,
        %get3A_95 = vector.shape_cast %get3A_94 : vector<1x1x16xf32> to vector<16xf32>
        %add3A_96 = arith.addf %broadcast_in_dim3A_87, %get3A_95 : vector<16xf32>
        %add3A_97 = arith.constant 128 : i32
        %add3A_98 = arith.addi %add3A_97, %scan3A_85 : i32
        %get3A_99 = arith.constant 0 : i32
        %get3A_100 = arith.index_cast %get3A_99 : i32 to index
        %get3A_101 = arith.index_cast %add3A_98 : i32 to index
        %get3A_102 = arith.constant 0 : index
        %get3A_103 = tpu.vector_load %arg7[%get3A_100, %get3A_101, %get3A_102] {strides = array<i32>} : memref<2x3200x16xf32, #tpu.memory_space<vmem>>, vector<1x1x16xf32>,
        %get3A_104 = vector.shape_cast %get3A_103 : vector<1x1x16xf32> to vector<16xf32>
        %add3A_105 = arith.addf %broadcast_in_dim3A_87, %get3A_104 : vector<16xf32>
        %add3A_106 = arith.constant 256 : i32
        %add3A_107 = arith.addi %add3A_106, %scan3A_85 : i32
        %get3A_108 = arith.constant 0 : i32
        %get3A_109 = arith.index_cast %get3A_108 : i32 to index
        %get3A_110 = arith.index_cast %add3A_107 : i32 to index
        %get3A_111 = arith.constant 0 : index
        %get3A_112 = tpu.vector_load %arg7[%get3A_109, %get3A_110, %get3A_111] {strides = array<i32>} : memref<2x3200x16xf32, #tpu.memory_space<vmem>>, vector<1x1x16xf32>,
        %get3A_113 = vector.shape_cast %get3A_112 : vector<1x1x16xf32> to vector<16xf32>
        %add3A_114 = arith.addf %broadcast_in_dim3A_87, %get3A_113 : vector<16xf32>
        %add3A_115 = arith.constant 384 : i32
        %add3A_116 = arith.addi %add3A_115, %scan3A_85 : i32
        %get3A_117 = arith.constant 0 : i32
        %get3A_118 = arith.index_cast %get3A_117 : i32 to index
        %get3A_119 = arith.index_cast %add3A_116 : i32 to index
        %get3A_120 = arith.constant 0 : index
        %get3A_121 = tpu.vector_load %arg7[%get3A_118, %get3A_119, %get3A_120] {strides = array<i32>} : memref<2x3200x16xf32, #tpu.memory_space<vmem>>, vector<1x1x16xf32>,
        %get3A_122 = vector.shape_cast %get3A_121 : vector<1x1x16xf32> to vector<16xf32>
        %add3A_123 = arith.addf %broadcast_in_dim3A_87, %get3A_122 : vector<16xf32>
        %add3A_124 = arith.constant 512 : i32
        %add3A_125 = arith.addi %add3A_124, %scan3A_85 : i32
        %get3A_126 = arith.constant 0 : i32
        %get3A_127 = arith.index_cast %get3A_126 : i32 to index
        %get3A_128 = arith.index_cast %add3A_125 : i32 to index
        %get3A_129 = arith.constant 0 : index
        %get3A_130 = tpu.vector_load %arg7[%get3A_127, %get3A_128, %get3A_129] {strides = array<i32>} : memref<2x3200x16xf32, #tpu.memory_space<vmem>>, vector<1x1x16xf32>,
        %get3A_131 = vector.shape_cast %get3A_130 : vector<1x1x16xf32> to vector<16xf32>
        %add3A_132 = arith.addf %broadcast_in_dim3A_87, %get3A_131 : vector<16xf32>
        %add3A_133 = arith.constant 640 : i32
        %add3A_134 = arith.addi %add3A_133, %scan3A_85 : i32
        %get3A_135 = arith.constant 0 : i32
        %get3A_136 = arith.index_cast %get3A_135 : i32 to index
        %get3A_137 = arith.index_cast %add3A_134 : i32 to index
        %get3A_138 = arith.constant 0 : index
        %get3A_139 = tpu.vector_load %arg7[%get3A_136, %get3A_137, %get3A_138] {strides = array<i32>} : memref<2x3200x16xf32, #tpu.memory_space<vmem>>, vector<1x1x16xf32>,
        %get3A_140 = vector.shape_cast %get3A_139 : vector<1x1x16xf32> to vector<16xf32>
        %add3A_141 = arith.addf %add3A_96, %get3A_140 : vector<16xf32>
        %add3A_142 = arith.constant 768 : i32
        %add3A_143 = arith.addi %add3A_142, %scan3A_85 : i32
        %get3A_144 = arith.constant 0 : i32
        %get3A_145 = arith.index_cast %get3A_144 : i32 to index
        %get3A_146 = arith.index_cast %add3A_143 : i32 to index
        %get3A_147 = arith.constant 0 : index
        %get3A_148 = tpu.vector_load %arg7[%get3A_145, %get3A_146, %get3A_147] {strides = array<i32>} : memref<2x3200x16xf32, #tpu.memory_space<vmem>>, vector<1x1x16xf32>,
        %get3A_149 = vector.shape_cast %get3A_148 : vector<1x1x16xf32> to vector<16xf32>
        %add3A_150 = arith.addf %add3A_105, %get3A_149 : vector<16xf32>
        %add3A_151 = arith.constant 896 : i32
        %add3A_152 = arith.addi %add3A_151, %scan3A_85 : i32
        %get3A_153 = arith.constant 0 : i32
        %get3A_154 = arith.index_cast %get3A_153 : i32 to index
        %get3A_155 = arith.index_cast %add3A_152 : i32 to index
        %get3A_156 = arith.constant 0 : index
        %get3A_157 = tpu.vector_load %arg7[%get3A_154, %get3A_155, %get3A_156] {strides = array<i32>} : memref<2x3200x16xf32, #tpu.memory_space<vmem>>, vector<1x1x16xf32>,
        %get3A_158 = vector.shape_cast %get3A_157 : vector<1x1x16xf32> to vector<16xf32>
        %add3A_159 = arith.addf %add3A_114, %get3A_158 : vector<16xf32>
        %add3A_160 = arith.constant 1024 : i32
        %add3A_161 = arith.addi %add3A_160, %scan3A_85 : i32
        %get3A_162 = arith.constant 0 : i32
        %get3A_163 = arith.index_cast %get3A_162 : i32 to index
        %get3A_164 = arith.index_cast %add3A_161 : i32 to index
        %get3A_165 = arith.constant 0 : index
        %get3A_166 = tpu.vector_load %arg7[%get3A_163, %get3A_164, %get3A_165] {strides = array<i32>} : memref<2x3200x16xf32, #tpu.memory_space<vmem>>, vector<1x1x16xf32>,
        %get3A_167 = vector.shape_cast %get3A_166 : vector<1x1x16xf32> to vector<16xf32>
        %add3A_168 = arith.addf %add3A_123, %get3A_167 : vector<16xf32>
        %add3A_169 = arith.constant 1152 : i32
        %add3A_170 = arith.addi %add3A_169, %scan3A_85 : i32
        %get3A_171 = arith.constant 0 : i32
        %get3A_172 = arith.index_cast %get3A_171 : i32 to index
        %get3A_173 = arith.index_cast %add3A_170 : i32 to index
        %get3A_174 = arith.constant 0 : index
        %get3A_175 = tpu.vector_load %arg7[%get3A_172, %get3A_173, %get3A_174] {strides = array<i32>} : memref<2x3200x16xf32, #tpu.memory_space<vmem>>, vector<1x1x16xf32>,
        %get3A_176 = vector.shape_cast %get3A_175 : vector<1x1x16xf32> to vector<16xf32>
        %add3A_177 = arith.addf %add3A_132, %get3A_176 : vector<16xf32>
        %add3A_178 = arith.constant 1280 : i32
        %add3A_179 = arith.addi %add3A_178, %scan3A_85 : i32
        %get3A_180 = arith.constant 0 : i32
        %get3A_181 = arith.index_cast %get3A_180 : i32 to index
        %get3A_182 = arith.index_cast %add3A_179 : i32 to index
        %get3A_183 = arith.constant 0 : index
        %get3A_184 = tpu.vector_load %arg7[%get3A_181, %get3A_182, %get3A_183] {strides = array<i32>} : memref<2x3200x16xf32, #tpu.memory_space<vmem>>, vector<1x1x16xf32>,
        %get3A_185 = vector.shape_cast %get3A_184 : vector<1x1x16xf32> to vector<16xf32>
        %add3A_186 = arith.addf %add3A_141, %get3A_185 : vector<16xf32>
        %add3A_187 = arith.constant 1408 : i32
        %add3A_188 = arith.addi %add3A_187, %scan3A_85 : i32
        %get3A_189 = arith.constant 0 : i32
        %get3A_190 = arith.index_cast %get3A_189 : i32 to index
        %get3A_191 = arith.index_cast %add3A_188 : i32 to index
        %get3A_192 = arith.constant 0 : index
        %get3A_193 = tpu.vector_load %arg7[%get3A_190, %get3A_191, %get3A_192] {strides = array<i32>} : memref<2x3200x16xf32, #tpu.memory_space<vmem>>, vector<1x1x16xf32>,
        %get3A_194 = vector.shape_cast %get3A_193 : vector<1x1x16xf32> to vector<16xf32>
        %add3A_195 = arith.addf %add3A_150, %get3A_194 : vector<16xf32>
        %add3A_196 = arith.constant 1536 : i32
        %add3A_197 = arith.addi %add3A_196, %scan3A_85 : i32
        %get3A_198 = arith.constant 0 : i32
        %get3A_199 = arith.index_cast %get3A_198 : i32 to index
        %get3A_200 = arith.index_cast %add3A_197 : i32 to index
        %get3A_201 = arith.constant 0 : index
        %get3A_202 = tpu.vector_load %arg7[%get3A_199, %get3A_200, %get3A_201] {strides = array<i32>} : memref<2x3200x16xf32, #tpu.memory_space<vmem>>, vector<1x1x16xf32>,
        %get3A_203 = vector.shape_cast %get3A_202 : vector<1x1x16xf32> to vector<16xf32>
        %add3A_204 = arith.addf %add3A_159, %get3A_203 : vector<16xf32>
        %add3A_205 = arith.constant 1664 : i32
        %add3A_206 = arith.addi %add3A_205, %scan3A_85 : i32
        %get3A_207 = arith.constant 0 : i32
        %get3A_208 = arith.index_cast %get3A_207 : i32 to index
        %get3A_209 = arith.index_cast %add3A_206 : i32 to index
        %get3A_210 = arith.constant 0 : index
        %get3A_211 = tpu.vector_load %arg7[%get3A_208, %get3A_209, %get3A_210] {strides = array<i32>} : memref<2x3200x16xf32, #tpu.memory_space<vmem>>, vector<1x1x16xf32>,
        %get3A_212 = vector.shape_cast %get3A_211 : vector<1x1x16xf32> to vector<16xf32>
        %add3A_213 = arith.addf %add3A_168, %get3A_212 : vector<16xf32>
        %add3A_214 = arith.constant 1792 : i32
        %add3A_215 = arith.addi %add3A_214, %scan3A_85 : i32
        %get3A_216 = arith.constant 0 : i32
        %get3A_217 = arith.index_cast %get3A_216 : i32 to index
        %get3A_218 = arith.index_cast %add3A_215 : i32 to index
        %get3A_219 = arith.constant 0 : index
        %get3A_220 = tpu.vector_load %arg7[%get3A_217, %get3A_218, %get3A_219] {strides = array<i32>} : memref<2x3200x16xf32, #tpu.memory_space<vmem>>, vector<1x1x16xf32>,
        %get3A_221 = vector.shape_cast %get3A_220 : vector<1x1x16xf32> to vector<16xf32>
        %add3A_222 = arith.addf %add3A_177, %get3A_221 : vector<16xf32>
        %add3A_223 = arith.constant 1920 : i32
        %add3A_224 = arith.addi %add3A_223, %scan3A_85 : i32
        %get3A_225 = arith.constant 0 : i32
        %get3A_226 = arith.index_cast %get3A_225 : i32 to index
        %get3A_227 = arith.index_cast %add3A_224 : i32 to index
        %get3A_228 = arith.constant 0 : index
        %get3A_229 = tpu.vector_load %arg7[%get3A_226, %get3A_227, %get3A_228] {strides = array<i32>} : memref<2x3200x16xf32, #tpu.memory_space<vmem>>, vector<1x1x16xf32>,
        %get3A_230 = vector.shape_cast %get3A_229 : vector<1x1x16xf32> to vector<16xf32>
        %add3A_231 = arith.addf %add3A_186, %get3A_230 : vector<16xf32>
        %add3A_232 = arith.constant 2048 : i32
        %add3A_233 = arith.addi %add3A_232, %scan3A_85 : i32
        %get3A_234 = arith.constant 0 : i32
        %get3A_235 = arith.index_cast %get3A_234 : i32 to index
        %get3A_236 = arith.index_cast %add3A_233 : i32 to index
        %get3A_237 = arith.constant 0 : index
        %get3A_238 = tpu.vector_load %arg7[%get3A_235, %get3A_236, %get3A_237] {strides = array<i32>} : memref<2x3200x16xf32, #tpu.memory_space<vmem>>, vector<1x1x16xf32>,
        %get3A_239 = vector.shape_cast %get3A_238 : vector<1x1x16xf32> to vector<16xf32>
        %add3A_240 = arith.addf %add3A_195, %get3A_239 : vector<16xf32>
        %add3A_241 = arith.constant 2176 : i32
        %add3A_242 = arith.addi %add3A_241, %scan3A_85 : i32
        %get3A_243 = arith.constant 0 : i32
        %get3A_244 = arith.index_cast %get3A_243 : i32 to index
        %get3A_245 = arith.index_cast %add3A_242 : i32 to index
        %get3A_246 = arith.constant 0 : index
        %get3A_247 = tpu.vector_load %arg7[%get3A_244, %get3A_245, %get3A_246] {strides = array<i32>} : memref<2x3200x16xf32, #tpu.memory_space<vmem>>, vector<1x1x16xf32>,
        %get3A_248 = vector.shape_cast %get3A_247 : vector<1x1x16xf32> to vector<16xf32>
        %add3A_249 = arith.addf %add3A_204, %get3A_248 : vector<16xf32>
        %add3A_250 = arith.constant 2304 : i32
        %add3A_251 = arith.addi %add3A_250, %scan3A_85 : i32
        %get3A_252 = arith.constant 0 : i32
        %get3A_253 = arith.index_cast %get3A_252 : i32 to index
        %get3A_254 = arith.index_cast %add3A_251 : i32 to index
        %get3A_255 = arith.constant 0 : index
        %get3A_256 = tpu.vector_load %arg7[%get3A_253, %get3A_254, %get3A_255] {strides = array<i32>} : memref<2x3200x16xf32, #tpu.memory_space<vmem>>, vector<1x1x16xf32>,
        %get3A_257 = vector.shape_cast %get3A_256 : vector<1x1x16xf32> to vector<16xf32>
        %add3A_258 = arith.addf %add3A_213, %get3A_257 : vector<16xf32>
        %add3A_259 = arith.constant 2432 : i32
        %add3A_260 = arith.addi %add3A_259, %scan3A_85 : i32
        %get3A_261 = arith.constant 0 : i32
        %get3A_262 = arith.index_cast %get3A_261 : i32 to index
        %get3A_263 = arith.index_cast %add3A_260 : i32 to index
        %get3A_264 = arith.constant 0 : index
        %get3A_265 = tpu.vector_load %arg7[%get3A_262, %get3A_263, %get3A_264] {strides = array<i32>} : memref<2x3200x16xf32, #tpu.memory_space<vmem>>, vector<1x1x16xf32>,
        %get3A_266 = vector.shape_cast %get3A_265 : vector<1x1x16xf32> to vector<16xf32>
        %add3A_267 = arith.addf %add3A_222, %get3A_266 : vector<16xf32>
        %add3A_268 = arith.constant 2560 : i32
        %add3A_269 = arith.addi %add3A_268, %scan3A_85 : i32
        %get3A_270 = arith.constant 0 : i32
        %get3A_271 = arith.index_cast %get3A_270 : i32 to index
        %get3A_272 = arith.index_cast %add3A_269 : i32 to index
        %get3A_273 = arith.constant 0 : index
        %get3A_274 = tpu.vector_load %arg7[%get3A_271, %get3A_272, %get3A_273] {strides = array<i32>} : memref<2x3200x16xf32, #tpu.memory_space<vmem>>, vector<1x1x16xf32>,
        %get3A_275 = vector.shape_cast %get3A_274 : vector<1x1x16xf32> to vector<16xf32>
        %add3A_276 = arith.addf %add3A_231, %get3A_275 : vector<16xf32>
        %add3A_277 = arith.constant 2688 : i32
        %add3A_278 = arith.addi %add3A_277, %scan3A_85 : i32
        %get3A_279 = arith.constant 0 : i32
        %get3A_280 = arith.index_cast %get3A_279 : i32 to index
        %get3A_281 = arith.index_cast %add3A_278 : i32 to index
        %get3A_282 = arith.constant 0 : index
        %get3A_283 = tpu.vector_load %arg7[%get3A_280, %get3A_281, %get3A_282] {strides = array<i32>} : memref<2x3200x16xf32, #tpu.memory_space<vmem>>, vector<1x1x16xf32>,
        %get3A_284 = vector.shape_cast %get3A_283 : vector<1x1x16xf32> to vector<16xf32>
        %add3A_285 = arith.addf %add3A_240, %get3A_284 : vector<16xf32>
        %add3A_286 = arith.constant 2816 : i32
        %add3A_287 = arith.addi %add3A_286, %scan3A_85 : i32
        %get3A_288 = arith.constant 0 : i32
        %get3A_289 = arith.index_cast %get3A_288 : i32 to index
        %get3A_290 = arith.index_cast %add3A_287 : i32 to index
        %get3A_291 = arith.constant 0 : index
        %get3A_292 = tpu.vector_load %arg7[%get3A_289, %get3A_290, %get3A_291] {strides = array<i32>} : memref<2x3200x16xf32, #tpu.memory_space<vmem>>, vector<1x1x16xf32>,
        %get3A_293 = vector.shape_cast %get3A_292 : vector<1x1x16xf32> to vector<16xf32>
        %add3A_294 = arith.addf %add3A_249, %get3A_293 : vector<16xf32>
        %add3A_295 = arith.constant 2944 : i32
        %add3A_296 = arith.addi %add3A_295, %scan3A_85 : i32
        %get3A_297 = arith.constant 0 : i32
        %get3A_298 = arith.index_cast %get3A_297 : i32 to index
        %get3A_299 = arith.index_cast %add3A_296 : i32 to index
        %get3A_300 = arith.constant 0 : index
        %get3A_301 = tpu.vector_load %arg7[%get3A_298, %get3A_299, %get3A_300] {strides = array<i32>} : memref<2x3200x16xf32, #tpu.memory_space<vmem>>, vector<1x1x16xf32>,
        %get3A_302 = vector.shape_cast %get3A_301 : vector<1x1x16xf32> to vector<16xf32>
        %add3A_303 = arith.addf %add3A_258, %get3A_302 : vector<16xf32>
        %add3A_304 = arith.constant 3072 : i32
        %add3A_305 = arith.addi %add3A_304, %scan3A_85 : i32
        %get3A_306 = arith.constant 0 : i32
        %get3A_307 = arith.index_cast %get3A_306 : i32 to index
        %get3A_308 = arith.index_cast %add3A_305 : i32 to index
        %get3A_309 = arith.constant 0 : index
        %get3A_310 = tpu.vector_load %arg7[%get3A_307, %get3A_308, %get3A_309] {strides = array<i32>} : memref<2x3200x16xf32, #tpu.memory_space<vmem>>, vector<1x1x16xf32>,
        %get3A_311 = vector.shape_cast %get3A_310 : vector<1x1x16xf32> to vector<16xf32>
        %add3A_312 = arith.addf %add3A_267, %get3A_311 : vector<16xf32>
        %add3A_313 = arith.addf %add3A_276, %add3A_285 : vector<16xf32>
        %add3A_314 = arith.addf %add3A_294, %add3A_303 : vector<16xf32>
        %add3A_315 = arith.addf %add3A_313, %add3A_314 : vector<16xf32>
        %add3A_316 = arith.addf %add3A_315, %add3A_312 : vector<16xf32>
        %get3A_317 = arith.index_cast %scan3A_85 : i32 to index
        %get3A_318 = arith.constant 0 : index
        %get3A_319 = tpu.vector_load %arg8[%get3A_317, %get3A_318] {strides = array<i32>} : memref<128x16xf32, #tpu.memory_space<vmem>>, vector<1x16xf32>,
        %get3A_320 = vector.shape_cast %get3A_319 : vector<1x16xf32> to vector<16xf32>
        %add3A_321 = arith.addf %get3A_320, %add3A_316 : vector<16xf32>
        %swap3A_322 = arith.index_cast %scan3A_85 : i32 to index
        %swap3A_323 = arith.constant 0 : index
        %swap3A_324 = tpu.vector_load %arg8[%swap3A_322, %swap3A_323] {strides = array<i32>} : memref<128x16xf32, #tpu.memory_space<vmem>>, vector<1x16xf32>,
        %swap3A_325 = vector.shape_cast %swap3A_324 : vector<1x16xf32> to vector<16xf32>
        %swap3A_326 = vector.shape_cast %add3A_321 : vector<16xf32> to vector<1x16xf32>
        tpu.vector_store %arg8[%swap3A_322, %swap3A_323], %swap3A_326 {strides = array<i32>} : memref<128x16xf32, #tpu.memory_space<vmem>>, vector<1x16xf32>,
      }
      %scan3A_68 = arith.constant 128 : i32
      %lt3A = arith.constant 3 : i32
      %lt3A_69 = arith.cmpi slt, %scan3A_32, %lt3A : i32
      %convert_element_type3A = arith.extui %lt3A_69 : i1 to i32
      %cond3A = arith.constant 0 : i32
      %cond3A_70 = arith.cmpi ne, %convert_element_type3A, %cond3A : i32
      scf.if %cond3A_70 {
        %add3A_85 = arith.constant 2 : i32
        %add3A_86 = arith.addi %mul3A_34, %add3A_85 : i32
        %mul3A_87 = arith.constant 25 : i32
        %mul3A_88 = arith.muli %add3A_86, %mul3A_87 : i32
        %add3A_89 = arith.constant 1 : i32
        %add3A_90 = arith.addi %add3A_86, %add3A_89 : i32
        %mul3A_91 = arith.constant 25 : i32
        %mul3A_92 = arith.muli %add3A_90, %mul3A_91 : i32
        %while3A_93 = arith.constant 0 : i32
        %while3A_94 = arith.subi %mul3A_92, %mul3A_88 : i32
        %while3A_95 = arith.addi %mul3A_88, %while3A_94 : i32
        %while3A_96 = arith.constant 1 : i32
        %while3A_97 = arith.divsi %while3A_94, %while3A_96 : i32
        %while3A_98 = arith.muli %while3A_97, %while3A_96 : i32
        %while3A_99 = arith.addi %mul3A_88, %while3A_98 : i32
        %while3A_100 = arith.constant 1 : i32
        scf.for %while3A_108 = %mul3A_88 to %while3A_99 step %while3A_100  : i32 {
          %jit3A = arith.constant 8 : i32
          %div3A = arith.divsi %while3A_108, %jit3A : i32
          %sign3A = arith.constant 0 : i32
          %sign3A_109 = arith.cmpi sgt, %while3A_108, %sign3A : i32
          %sign3A_110 = arith.extui %sign3A_109 : i1 to i32
          %sign3A_111 = arith.constant 0 : i32
          %sign3A_112 = arith.cmpi slt, %while3A_108, %sign3A_111 : i32
          %sign3A_113 = arith.extui %sign3A_112 : i1 to i32
          %sign3A_114 = arith.subi %sign3A_110, %sign3A_113 : i32
          %sign3A_115 = arith.constant 0 : i32
          %sign3A_116 = arith.cmpi sgt, %jit3A, %sign3A_115 : i32
          %sign3A_117 = arith.extui %sign3A_116 : i1 to i32
          %sign3A_118 = arith.constant 0 : i32
          %sign3A_119 = arith.cmpi slt, %jit3A, %sign3A_118 : i32
          %sign3A_120 = arith.extui %sign3A_119 : i1 to i32
          %sign3A_121 = arith.subi %sign3A_117, %sign3A_120 : i32
          %ne3A = arith.cmpi ne, %sign3A_114, %sign3A_121 : i32
          %rem3A = arith.remsi %while3A_108, %jit3A : i32
          %ne3A_122 = arith.constant 0 : i32
          %ne3A_123 = arith.cmpi ne, %rem3A, %ne3A_122 : i32
          %and3A = arith.andi %ne3A, %ne3A_123 : i1
          %sub3A = arith.constant 1 : i32
          %sub3A_124 = arith.subi %div3A, %sub3A : i32
          %select_n3A = arith.select %and3A, %sub3A_124, %div3A : i32
          %jit3A_125 = arith.constant 8 : i32
          %eq3A = arith.constant 0 : i32
          %eq3A_126 = arith.cmpi eq, %jit3A_125, %eq3A : i32
          %jit3A_127 = arith.constant 1 : i32
          %select_n3A_128 = arith.select %eq3A_126, %jit3A_127, %jit3A_125 : i32
          %rem3A_129 = arith.remsi %while3A_108, %select_n3A_128 : i32
          %ne3A_130 = arith.constant 0 : i32
          %ne3A_131 = arith.cmpi ne, %rem3A_129, %ne3A_130 : i32
          %lt3A_132 = arith.constant 0 : i32
          %lt3A_133 = arith.cmpi slt, %rem3A_129, %lt3A_132 : i32
          %lt3A_134 = arith.constant 0 : i32
          %lt3A_135 = arith.cmpi slt, %select_n3A_128, %lt3A_134 : i32
          %ne3A_136 = arith.xori %lt3A_133, %lt3A_135 : i1
          %and3A_137 = arith.andi %ne3A_136, %ne3A_131 : i1
          %add3A_138 = arith.addi %rem3A_129, %select_n3A_128 : i32
          %select_n3A_139 = arith.select %and3A_137, %add3A_138, %rem3A_129 : i32
          %get3A_140 = arith.constant 0 : i32
          %get3A_141 = tpu.memref_slice %arg6[%select_n3A, %select_n3A_139, %get3A_140] : memref<25x8x128xi32, #tpu.memory_space<vmem>> -> memref<1x1x128xi32, #tpu.memory_space<vmem>>
          %get3A_142 = tpu.memref_squeeze %get3A_141 : memref<1x1x128xi32, #tpu.memory_space<vmem>> -> memref<128xi32, #tpu.memory_space<vmem>>
          %get3A_143 = arith.constant 0 : index
          %get3A_144 = tpu.vector_load %get3A_142[%get3A_143] {strides = array<i32>} : memref<128xi32, #tpu.memory_space<vmem>>, vector<16xi32>,
          %get3A_145 = vector.shape_cast %get3A_144 : vector<16xi32> to vector<16xi32>
          %convert_element_type3A_146 = arith.sitofp %get3A_145 : vector<16xi32> to vector<16xf32>
          %add3A_147 = arith.constant 5.000000e-01 : f32
          %add3A_148 = vector.broadcast %add3A_147 : f32 to vector<16xf32>
          %add3A_149 = arith.addf %convert_element_type3A_146, %add3A_148 : vector<16xf32>
          %mul3A_150 = arith.constant 7.812500e-05 : f32
          %mul3A_151 = vector.broadcast %mul3A_150 : f32 to vector<16xf32>
          %mul3A_152 = arith.mulf %add3A_149, %mul3A_151 : vector<16xf32>
          %convert_element_type3A_153 = arith.fptosi %mul3A_152 : vector<16xf32> to vector<16xi32>
          %mul3A_154 = arith.constant 12800 : i32
          %mul3A_155 = vector.broadcast %mul3A_154 : i32 to vector<16xi32>
          %mul3A_156 = arith.muli %convert_element_type3A_153, %mul3A_155 : vector<16xi32>
          %sub3A_157 = arith.subi %get3A_145, %mul3A_156 : vector<16xi32>
          %shift_left3A = arith.constant 3 : i32
          %shift_left3A_158 = vector.broadcast %shift_left3A : i32 to vector<16xi32>
          %shift_left3A_159 = arith.shli %sub3A_157, %shift_left3A_158 : vector<16xi32>
          %or3A = arith.ori %shift_left3A_159, %convert_element_type3A_153 : vector<16xi32>
          %swap3A_160 = arith.constant 0 : i32
          %swap3A_161 = tpu.memref_slice %arg6[%select_n3A, %select_n3A_139, %swap3A_160] : memref<25x8x128xi32, #tpu.memory_space<vmem>> -> memref<1x1x128xi32, #tpu.memory_space<vmem>>
          %swap3A_162 = tpu.memref_squeeze %swap3A_161 : memref<1x1x128xi32, #tpu.memory_space<vmem>> -> memref<128xi32, #tpu.memory_space<vmem>>
          %swap3A_163 = arith.constant 0 : index
          %swap3A_164 = tpu.vector_load %swap3A_162[%swap3A_163] {strides = array<i32>} : memref<128xi32, #tpu.memory_space<vmem>>, vector<16xi32>,
          %swap3A_165 = vector.shape_cast %swap3A_164 : vector<16xi32> to vector<16xi32>
          %swap3A_166 = vector.shape_cast %or3A : vector<16xi32> to vector<16xi32>
          tpu.vector_store %swap3A_162[%swap3A_163], %swap3A_166 {strides = array<i32>} : memref<128xi32, #tpu.memory_space<vmem>>, vector<16xi32>,
          %get3A_167 = arith.constant 0 : i32
          %get3A_168 = tpu.memref_slice %arg6[%select_n3A, %select_n3A_139, %get3A_167] : memref<25x8x128xi32, #tpu.memory_space<vmem>> -> memref<1x1x128xi32, #tpu.memory_space<vmem>>
          %get3A_169 = tpu.memref_squeeze %get3A_168 : memref<1x1x128xi32, #tpu.memory_space<vmem>> -> memref<128xi32, #tpu.memory_space<vmem>>
          %get3A_170 = arith.constant 16 : index
          %get3A_171 = tpu.vector_load %get3A_169[%get3A_170] {strides = array<i32>} : memref<128xi32, #tpu.memory_space<vmem>>, vector<16xi32>,
          %get3A_172 = vector.shape_cast %get3A_171 : vector<16xi32> to vector<16xi32>
          %convert_element_type3A_173 = arith.sitofp %get3A_172 : vector<16xi32> to vector<16xf32>
          %add3A_174 = arith.constant 5.000000e-01 : f32
          %add3A_175 = vector.broadcast %add3A_174 : f32 to vector<16xf32>
          %add3A_176 = arith.addf %convert_element_type3A_173, %add3A_175 : vector<16xf32>
          %mul3A_177 = arith.constant 7.812500e-05 : f32
          %mul3A_178 = vector.broadcast %mul3A_177 : f32 to vector<16xf32>
          %mul3A_179 = arith.mulf %add3A_176, %mul3A_178 : vector<16xf32>
          %convert_element_type3A_180 = arith.fptosi %mul3A_179 : vector<16xf32> to vector<16xi32>
          %mul3A_181 = arith.constant 12800 : i32
          %mul3A_182 = vector.broadcast %mul3A_181 : i32 to vector<16xi32>
          %mul3A_183 = arith.muli %convert_element_type3A_180, %mul3A_182 : vector<16xi32>
          %sub3A_184 = arith.subi %get3A_172, %mul3A_183 : vector<16xi32>
          %shift_left3A_185 = arith.constant 3 : i32
          %shift_left3A_186 = vector.broadcast %shift_left3A_185 : i32 to vector<16xi32>
          %shift_left3A_187 = arith.shli %sub3A_184, %shift_left3A_186 : vector<16xi32>
          %or3A_188 = arith.ori %shift_left3A_187, %convert_element_type3A_180 : vector<16xi32>
          %swap3A_189 = arith.constant 0 : i32
          %swap3A_190 = tpu.memref_slice %arg6[%select_n3A, %select_n3A_139, %swap3A_189] : memref<25x8x128xi32, #tpu.memory_space<vmem>> -> memref<1x1x128xi32, #tpu.memory_space<vmem>>
          %swap3A_191 = tpu.memref_squeeze %swap3A_190 : memref<1x1x128xi32, #tpu.memory_space<vmem>> -> memref<128xi32, #tpu.memory_space<vmem>>
          %swap3A_192 = arith.constant 16 : index
          %swap3A_193 = tpu.vector_load %swap3A_191[%swap3A_192] {strides = array<i32>} : memref<128xi32, #tpu.memory_space<vmem>>, vector<16xi32>,
          %swap3A_194 = vector.shape_cast %swap3A_193 : vector<16xi32> to vector<16xi32>
          %swap3A_195 = vector.shape_cast %or3A_188 : vector<16xi32> to vector<16xi32>
          tpu.vector_store %swap3A_191[%swap3A_192], %swap3A_195 {strides = array<i32>} : memref<128xi32, #tpu.memory_space<vmem>>, vector<16xi32>,
          %get3A_196 = arith.constant 0 : i32
          %get3A_197 = tpu.memref_slice %arg6[%select_n3A, %select_n3A_139, %get3A_196] : memref<25x8x128xi32, #tpu.memory_space<vmem>> -> memref<1x1x128xi32, #tpu.memory_space<vmem>>
          %get3A_198 = tpu.memref_squeeze %get3A_197 : memref<1x1x128xi32, #tpu.memory_space<vmem>> -> memref<128xi32, #tpu.memory_space<vmem>>
          %get3A_199 = arith.constant 32 : index
          %get3A_200 = tpu.vector_load %get3A_198[%get3A_199] {strides = array<i32>} : memref<128xi32, #tpu.memory_space<vmem>>, vector<16xi32>,
          %get3A_201 = vector.shape_cast %get3A_200 : vector<16xi32> to vector<16xi32>
          %convert_element_type3A_202 = arith.sitofp %get3A_201 : vector<16xi32> to vector<16xf32>
          %add3A_203 = arith.constant 5.000000e-01 : f32
          %add3A_204 = vector.broadcast %add3A_203 : f32 to vector<16xf32>
          %add3A_205 = arith.addf %convert_element_type3A_202, %add3A_204 : vector<16xf32>
          %mul3A_206 = arith.constant 7.812500e-05 : f32
          %mul3A_207 = vector.broadcast %mul3A_206 : f32 to vector<16xf32>
          %mul3A_208 = arith.mulf %add3A_205, %mul3A_207 : vector<16xf32>
          %convert_element_type3A_209 = arith.fptosi %mul3A_208 : vector<16xf32> to vector<16xi32>
          %mul3A_210 = arith.constant 12800 : i32
          %mul3A_211 = vector.broadcast %mul3A_210 : i32 to vector<16xi32>
          %mul3A_212 = arith.muli %convert_element_type3A_209, %mul3A_211 : vector<16xi32>
          %sub3A_213 = arith.subi %get3A_201, %mul3A_212 : vector<16xi32>
          %shift_left3A_214 = arith.constant 3 : i32
          %shift_left3A_215 = vector.broadcast %shift_left3A_214 : i32 to vector<16xi32>
          %shift_left3A_216 = arith.shli %sub3A_213, %shift_left3A_215 : vector<16xi32>
          %or3A_217 = arith.ori %shift_left3A_216, %convert_element_type3A_209 : vector<16xi32>
          %swap3A_218 = arith.constant 0 : i32
          %swap3A_219 = tpu.memref_slice %arg6[%select_n3A, %select_n3A_139, %swap3A_218] : memref<25x8x128xi32, #tpu.memory_space<vmem>> -> memref<1x1x128xi32, #tpu.memory_space<vmem>>
          %swap3A_220 = tpu.memref_squeeze %swap3A_219 : memref<1x1x128xi32, #tpu.memory_space<vmem>> -> memref<128xi32, #tpu.memory_space<vmem>>
          %swap3A_221 = arith.constant 32 : index
          %swap3A_222 = tpu.vector_load %swap3A_220[%swap3A_221] {strides = array<i32>} : memref<128xi32, #tpu.memory_space<vmem>>, vector<16xi32>,
          %swap3A_223 = vector.shape_cast %swap3A_222 : vector<16xi32> to vector<16xi32>
          %swap3A_224 = vector.shape_cast %or3A_217 : vector<16xi32> to vector<16xi32>
          tpu.vector_store %swap3A_220[%swap3A_221], %swap3A_224 {strides = array<i32>} : memref<128xi32, #tpu.memory_space<vmem>>, vector<16xi32>,
          %get3A_225 = arith.constant 0 : i32
          %get3A_226 = tpu.memref_slice %arg6[%select_n3A, %select_n3A_139, %get3A_225] : memref<25x8x128xi32, #tpu.memory_space<vmem>> -> memref<1x1x128xi32, #tpu.memory_space<vmem>>
          %get3A_227 = tpu.memref_squeeze %get3A_226 : memref<1x1x128xi32, #tpu.memory_space<vmem>> -> memref<128xi32, #tpu.memory_space<vmem>>
          %get3A_228 = arith.constant 48 : index
          %get3A_229 = tpu.vector_load %get3A_227[%get3A_228] {strides = array<i32>} : memref<128xi32, #tpu.memory_space<vmem>>, vector<16xi32>,
          %get3A_230 = vector.shape_cast %get3A_229 : vector<16xi32> to vector<16xi32>
          %convert_element_type3A_231 = arith.sitofp %get3A_230 : vector<16xi32> to vector<16xf32>
          %add3A_232 = arith.constant 5.000000e-01 : f32
          %add3A_233 = vector.broadcast %add3A_232 : f32 to vector<16xf32>
          %add3A_234 = arith.addf %convert_element_type3A_231, %add3A_233 : vector<16xf32>
          %mul3A_235 = arith.constant 7.812500e-05 : f32
          %mul3A_236 = vector.broadcast %mul3A_235 : f32 to vector<16xf32>
          %mul3A_237 = arith.mulf %add3A_234, %mul3A_236 : vector<16xf32>
          %convert_element_type3A_238 = arith.fptosi %mul3A_237 : vector<16xf32> to vector<16xi32>
          %mul3A_239 = arith.constant 12800 : i32
          %mul3A_240 = vector.broadcast %mul3A_239 : i32 to vector<16xi32>
          %mul3A_241 = arith.muli %convert_element_type3A_238, %mul3A_240 : vector<16xi32>
          %sub3A_242 = arith.subi %get3A_230, %mul3A_241 : vector<16xi32>
          %shift_left3A_243 = arith.constant 3 : i32
          %shift_left3A_244 = vector.broadcast %shift_left3A_243 : i32 to vector<16xi32>
          %shift_left3A_245 = arith.shli %sub3A_242, %shift_left3A_244 : vector<16xi32>
          %or3A_246 = arith.ori %shift_left3A_245, %convert_element_type3A_238 : vector<16xi32>
          %swap3A_247 = arith.constant 0 : i32
          %swap3A_248 = tpu.memref_slice %arg6[%select_n3A, %select_n3A_139, %swap3A_247] : memref<25x8x128xi32, #tpu.memory_space<vmem>> -> memref<1x1x128xi32, #tpu.memory_space<vmem>>
          %swap3A_249 = tpu.memref_squeeze %swap3A_248 : memref<1x1x128xi32, #tpu.memory_space<vmem>> -> memref<128xi32, #tpu.memory_space<vmem>>
          %swap3A_250 = arith.constant 48 : index
          %swap3A_251 = tpu.vector_load %swap3A_249[%swap3A_250] {strides = array<i32>} : memref<128xi32, #tpu.memory_space<vmem>>, vector<16xi32>,
          %swap3A_252 = vector.shape_cast %swap3A_251 : vector<16xi32> to vector<16xi32>
          %swap3A_253 = vector.shape_cast %or3A_246 : vector<16xi32> to vector<16xi32>
          tpu.vector_store %swap3A_249[%swap3A_250], %swap3A_253 {strides = array<i32>} : memref<128xi32, #tpu.memory_space<vmem>>, vector<16xi32>,
          %get3A_254 = arith.constant 0 : i32
          %get3A_255 = tpu.memref_slice %arg6[%select_n3A, %select_n3A_139, %get3A_254] : memref<25x8x128xi32, #tpu.memory_space<vmem>> -> memref<1x1x128xi32, #tpu.memory_space<vmem>>
          %get3A_256 = tpu.memref_squeeze %get3A_255 : memref<1x1x128xi32, #tpu.memory_space<vmem>> -> memref<128xi32, #tpu.memory_space<vmem>>
          %get3A_257 = arith.constant 64 : index
          %get3A_258 = tpu.vector_load %get3A_256[%get3A_257] {strides = array<i32>} : memref<128xi32, #tpu.memory_space<vmem>>, vector<16xi32>,
          %get3A_259 = vector.shape_cast %get3A_258 : vector<16xi32> to vector<16xi32>
          %convert_element_type3A_260 = arith.sitofp %get3A_259 : vector<16xi32> to vector<16xf32>
          %add3A_261 = arith.constant 5.000000e-01 : f32
          %add3A_262 = vector.broadcast %add3A_261 : f32 to vector<16xf32>
          %add3A_263 = arith.addf %convert_element_type3A_260, %add3A_262 : vector<16xf32>
          %mul3A_264 = arith.constant 7.812500e-05 : f32
          %mul3A_265 = vector.broadcast %mul3A_264 : f32 to vector<16xf32>
          %mul3A_266 = arith.mulf %add3A_263, %mul3A_265 : vector<16xf32>
          %convert_element_type3A_267 = arith.fptosi %mul3A_266 : vector<16xf32> to vector<16xi32>
          %mul3A_268 = arith.constant 12800 : i32
          %mul3A_269 = vector.broadcast %mul3A_268 : i32 to vector<16xi32>
          %mul3A_270 = arith.muli %convert_element_type3A_267, %mul3A_269 : vector<16xi32>
          %sub3A_271 = arith.subi %get3A_259, %mul3A_270 : vector<16xi32>
          %shift_left3A_272 = arith.constant 3 : i32
          %shift_left3A_273 = vector.broadcast %shift_left3A_272 : i32 to vector<16xi32>
          %shift_left3A_274 = arith.shli %sub3A_271, %shift_left3A_273 : vector<16xi32>
          %or3A_275 = arith.ori %shift_left3A_274, %convert_element_type3A_267 : vector<16xi32>
          %swap3A_276 = arith.constant 0 : i32
          %swap3A_277 = tpu.memref_slice %arg6[%select_n3A, %select_n3A_139, %swap3A_276] : memref<25x8x128xi32, #tpu.memory_space<vmem>> -> memref<1x1x128xi32, #tpu.memory_space<vmem>>
          %swap3A_278 = tpu.memref_squeeze %swap3A_277 : memref<1x1x128xi32, #tpu.memory_space<vmem>> -> memref<128xi32, #tpu.memory_space<vmem>>
          %swap3A_279 = arith.constant 64 : index
          %swap3A_280 = tpu.vector_load %swap3A_278[%swap3A_279] {strides = array<i32>} : memref<128xi32, #tpu.memory_space<vmem>>, vector<16xi32>,
          %swap3A_281 = vector.shape_cast %swap3A_280 : vector<16xi32> to vector<16xi32>
          %swap3A_282 = vector.shape_cast %or3A_275 : vector<16xi32> to vector<16xi32>
          tpu.vector_store %swap3A_278[%swap3A_279], %swap3A_282 {strides = array<i32>} : memref<128xi32, #tpu.memory_space<vmem>>, vector<16xi32>,
          %get3A_283 = arith.constant 0 : i32
          %get3A_284 = tpu.memref_slice %arg6[%select_n3A, %select_n3A_139, %get3A_283] : memref<25x8x128xi32, #tpu.memory_space<vmem>> -> memref<1x1x128xi32, #tpu.memory_space<vmem>>
          %get3A_285 = tpu.memref_squeeze %get3A_284 : memref<1x1x128xi32, #tpu.memory_space<vmem>> -> memref<128xi32, #tpu.memory_space<vmem>>
          %get3A_286 = arith.constant 80 : index
          %get3A_287 = tpu.vector_load %get3A_285[%get3A_286] {strides = array<i32>} : memref<128xi32, #tpu.memory_space<vmem>>, vector<16xi32>,
          %get3A_288 = vector.shape_cast %get3A_287 : vector<16xi32> to vector<16xi32>
          %convert_element_type3A_289 = arith.sitofp %get3A_288 : vector<16xi32> to vector<16xf32>
          %add3A_290 = arith.constant 5.000000e-01 : f32
          %add3A_291 = vector.broadcast %add3A_290 : f32 to vector<16xf32>
          %add3A_292 = arith.addf %convert_element_type3A_289, %add3A_291 : vector<16xf32>
          %mul3A_293 = arith.constant 7.812500e-05 : f32
          %mul3A_294 = vector.broadcast %mul3A_293 : f32 to vector<16xf32>
          %mul3A_295 = arith.mulf %add3A_292, %mul3A_294 : vector<16xf32>
          %convert_element_type3A_296 = arith.fptosi %mul3A_295 : vector<16xf32> to vector<16xi32>
          %mul3A_297 = arith.constant 12800 : i32
          %mul3A_298 = vector.broadcast %mul3A_297 : i32 to vector<16xi32>
          %mul3A_299 = arith.muli %convert_element_type3A_296, %mul3A_298 : vector<16xi32>
          %sub3A_300 = arith.subi %get3A_288, %mul3A_299 : vector<16xi32>
          %shift_left3A_301 = arith.constant 3 : i32
          %shift_left3A_302 = vector.broadcast %shift_left3A_301 : i32 to vector<16xi32>
          %shift_left3A_303 = arith.shli %sub3A_300, %shift_left3A_302 : vector<16xi32>
          %or3A_304 = arith.ori %shift_left3A_303, %convert_element_type3A_296 : vector<16xi32>
          %swap3A_305 = arith.constant 0 : i32
          %swap3A_306 = tpu.memref_slice %arg6[%select_n3A, %select_n3A_139, %swap3A_305] : memref<25x8x128xi32, #tpu.memory_space<vmem>> -> memref<1x1x128xi32, #tpu.memory_space<vmem>>
          %swap3A_307 = tpu.memref_squeeze %swap3A_306 : memref<1x1x128xi32, #tpu.memory_space<vmem>> -> memref<128xi32, #tpu.memory_space<vmem>>
          %swap3A_308 = arith.constant 80 : index
          %swap3A_309 = tpu.vector_load %swap3A_307[%swap3A_308] {strides = array<i32>} : memref<128xi32, #tpu.memory_space<vmem>>, vector<16xi32>,
          %swap3A_310 = vector.shape_cast %swap3A_309 : vector<16xi32> to vector<16xi32>
          %swap3A_311 = vector.shape_cast %or3A_304 : vector<16xi32> to vector<16xi32>
          tpu.vector_store %swap3A_307[%swap3A_308], %swap3A_311 {strides = array<i32>} : memref<128xi32, #tpu.memory_space<vmem>>, vector<16xi32>,
          %get3A_312 = arith.constant 0 : i32
          %get3A_313 = tpu.memref_slice %arg6[%select_n3A, %select_n3A_139, %get3A_312] : memref<25x8x128xi32, #tpu.memory_space<vmem>> -> memref<1x1x128xi32, #tpu.memory_space<vmem>>
          %get3A_314 = tpu.memref_squeeze %get3A_313 : memref<1x1x128xi32, #tpu.memory_space<vmem>> -> memref<128xi32, #tpu.memory_space<vmem>>
          %get3A_315 = arith.constant 96 : index
          %get3A_316 = tpu.vector_load %get3A_314[%get3A_315] {strides = array<i32>} : memref<128xi32, #tpu.memory_space<vmem>>, vector<16xi32>,
          %get3A_317 = vector.shape_cast %get3A_316 : vector<16xi32> to vector<16xi32>
          %convert_element_type3A_318 = arith.sitofp %get3A_317 : vector<16xi32> to vector<16xf32>
          %add3A_319 = arith.constant 5.000000e-01 : f32
          %add3A_320 = vector.broadcast %add3A_319 : f32 to vector<16xf32>
          %add3A_321 = arith.addf %convert_element_type3A_318, %add3A_320 : vector<16xf32>
          %mul3A_322 = arith.constant 7.812500e-05 : f32
          %mul3A_323 = vector.broadcast %mul3A_322 : f32 to vector<16xf32>
          %mul3A_324 = arith.mulf %add3A_321, %mul3A_323 : vector<16xf32>
          %convert_element_type3A_325 = arith.fptosi %mul3A_324 : vector<16xf32> to vector<16xi32>
          %mul3A_326 = arith.constant 12800 : i32
          %mul3A_327 = vector.broadcast %mul3A_326 : i32 to vector<16xi32>
          %mul3A_328 = arith.muli %convert_element_type3A_325, %mul3A_327 : vector<16xi32>
          %sub3A_329 = arith.subi %get3A_317, %mul3A_328 : vector<16xi32>
          %shift_left3A_330 = arith.constant 3 : i32
          %shift_left3A_331 = vector.broadcast %shift_left3A_330 : i32 to vector<16xi32>
          %shift_left3A_332 = arith.shli %sub3A_329, %shift_left3A_331 : vector<16xi32>
          %or3A_333 = arith.ori %shift_left3A_332, %convert_element_type3A_325 : vector<16xi32>
          %swap3A_334 = arith.constant 0 : i32
          %swap3A_335 = tpu.memref_slice %arg6[%select_n3A, %select_n3A_139, %swap3A_334] : memref<25x8x128xi32, #tpu.memory_space<vmem>> -> memref<1x1x128xi32, #tpu.memory_space<vmem>>
          %swap3A_336 = tpu.memref_squeeze %swap3A_335 : memref<1x1x128xi32, #tpu.memory_space<vmem>> -> memref<128xi32, #tpu.memory_space<vmem>>
          %swap3A_337 = arith.constant 96 : index
          %swap3A_338 = tpu.vector_load %swap3A_336[%swap3A_337] {strides = array<i32>} : memref<128xi32, #tpu.memory_space<vmem>>, vector<16xi32>,
          %swap3A_339 = vector.shape_cast %swap3A_338 : vector<16xi32> to vector<16xi32>
          %swap3A_340 = vector.shape_cast %or3A_333 : vector<16xi32> to vector<16xi32>
          tpu.vector_store %swap3A_336[%swap3A_337], %swap3A_340 {strides = array<i32>} : memref<128xi32, #tpu.memory_space<vmem>>, vector<16xi32>,
          %get3A_341 = arith.constant 0 : i32
          %get3A_342 = tpu.memref_slice %arg6[%select_n3A, %select_n3A_139, %get3A_341] : memref<25x8x128xi32, #tpu.memory_space<vmem>> -> memref<1x1x128xi32, #tpu.memory_space<vmem>>
          %get3A_343 = tpu.memref_squeeze %get3A_342 : memref<1x1x128xi32, #tpu.memory_space<vmem>> -> memref<128xi32, #tpu.memory_space<vmem>>
          %get3A_344 = arith.constant 112 : index
          %get3A_345 = tpu.vector_load %get3A_343[%get3A_344] {strides = array<i32>} : memref<128xi32, #tpu.memory_space<vmem>>, vector<16xi32>,
          %get3A_346 = vector.shape_cast %get3A_345 : vector<16xi32> to vector<16xi32>
          %convert_element_type3A_347 = arith.sitofp %get3A_346 : vector<16xi32> to vector<16xf32>
          %add3A_348 = arith.constant 5.000000e-01 : f32
          %add3A_349 = vector.broadcast %add3A_348 : f32 to vector<16xf32>
          %add3A_350 = arith.addf %convert_element_type3A_347, %add3A_349 : vector<16xf32>
          %mul3A_351 = arith.constant 7.812500e-05 : f32
          %mul3A_352 = vector.broadcast %mul3A_351 : f32 to vector<16xf32>
          %mul3A_353 = arith.mulf %add3A_350, %mul3A_352 : vector<16xf32>
          %convert_element_type3A_354 = arith.fptosi %mul3A_353 : vector<16xf32> to vector<16xi32>
          %mul3A_355 = arith.constant 12800 : i32
          %mul3A_356 = vector.broadcast %mul3A_355 : i32 to vector<16xi32>
          %mul3A_357 = arith.muli %convert_element_type3A_354, %mul3A_356 : vector<16xi32>
          %sub3A_358 = arith.subi %get3A_346, %mul3A_357 : vector<16xi32>
          %shift_left3A_359 = arith.constant 3 : i32
          %shift_left3A_360 = vector.broadcast %shift_left3A_359 : i32 to vector<16xi32>
          %shift_left3A_361 = arith.shli %sub3A_358, %shift_left3A_360 : vector<16xi32>
          %or3A_362 = arith.ori %shift_left3A_361, %convert_element_type3A_354 : vector<16xi32>
          %swap3A_363 = arith.constant 0 : i32
          %swap3A_364 = tpu.memref_slice %arg6[%select_n3A, %select_n3A_139, %swap3A_363] : memref<25x8x128xi32, #tpu.memory_space<vmem>> -> memref<1x1x128xi32, #tpu.memory_space<vmem>>
          %swap3A_365 = tpu.memref_squeeze %swap3A_364 : memref<1x1x128xi32, #tpu.memory_space<vmem>> -> memref<128xi32, #tpu.memory_space<vmem>>
          %swap3A_366 = arith.constant 112 : index
          %swap3A_367 = tpu.vector_load %swap3A_365[%swap3A_366] {strides = array<i32>} : memref<128xi32, #tpu.memory_space<vmem>>, vector<16xi32>,
          %swap3A_368 = vector.shape_cast %swap3A_367 : vector<16xi32> to vector<16xi32>
          %swap3A_369 = vector.shape_cast %or3A_362 : vector<16xi32> to vector<16xi32>
          tpu.vector_store %swap3A_365[%swap3A_366], %swap3A_369 {strides = array<i32>} : memref<128xi32, #tpu.memory_space<vmem>>, vector<16xi32>,
        }
        %while3A_101 = arith.constant 1 : i32
        scf.for %while3A_108 = %while3A_99 to %while3A_95 step %while3A_101  : i32 {
          %jit3A = arith.constant 8 : i32
          %div3A = arith.divsi %while3A_108, %jit3A : i32
          %sign3A = arith.constant 0 : i32
          %sign3A_109 = arith.cmpi sgt, %while3A_108, %sign3A : i32
          %sign3A_110 = arith.extui %sign3A_109 : i1 to i32
          %sign3A_111 = arith.constant 0 : i32
          %sign3A_112 = arith.cmpi slt, %while3A_108, %sign3A_111 : i32
          %sign3A_113 = arith.extui %sign3A_112 : i1 to i32
          %sign3A_114 = arith.subi %sign3A_110, %sign3A_113 : i32
          %sign3A_115 = arith.constant 0 : i32
          %sign3A_116 = arith.cmpi sgt, %jit3A, %sign3A_115 : i32
          %sign3A_117 = arith.extui %sign3A_116 : i1 to i32
          %sign3A_118 = arith.constant 0 : i32
          %sign3A_119 = arith.cmpi slt, %jit3A, %sign3A_118 : i32
          %sign3A_120 = arith.extui %sign3A_119 : i1 to i32
          %sign3A_121 = arith.subi %sign3A_117, %sign3A_120 : i32
          %ne3A = arith.cmpi ne, %sign3A_114, %sign3A_121 : i32
          %rem3A = arith.remsi %while3A_108, %jit3A : i32
          %ne3A_122 = arith.constant 0 : i32
          %ne3A_123 = arith.cmpi ne, %rem3A, %ne3A_122 : i32
          %and3A = arith.andi %ne3A, %ne3A_123 : i1
          %sub3A = arith.constant 1 : i32
          %sub3A_124 = arith.subi %div3A, %sub3A : i32
          %select_n3A = arith.select %and3A, %sub3A_124, %div3A : i32
          %jit3A_125 = arith.constant 8 : i32
          %eq3A = arith.constant 0 : i32
          %eq3A_126 = arith.cmpi eq, %jit3A_125, %eq3A : i32
          %jit3A_127 = arith.constant 1 : i32
          %select_n3A_128 = arith.select %eq3A_126, %jit3A_127, %jit3A_125 : i32
          %rem3A_129 = arith.remsi %while3A_108, %select_n3A_128 : i32
          %ne3A_130 = arith.constant 0 : i32
          %ne3A_131 = arith.cmpi ne, %rem3A_129, %ne3A_130 : i32
          %lt3A_132 = arith.constant 0 : i32
          %lt3A_133 = arith.cmpi slt, %rem3A_129, %lt3A_132 : i32
          %lt3A_134 = arith.constant 0 : i32
          %lt3A_135 = arith.cmpi slt, %select_n3A_128, %lt3A_134 : i32
          %ne3A_136 = arith.xori %lt3A_133, %lt3A_135 : i1
          %and3A_137 = arith.andi %ne3A_136, %ne3A_131 : i1
          %add3A_138 = arith.addi %rem3A_129, %select_n3A_128 : i32
          %select_n3A_139 = arith.select %and3A_137, %add3A_138, %rem3A_129 : i32
          %get3A_140 = arith.constant 0 : i32
          %get3A_141 = tpu.memref_slice %arg6[%select_n3A, %select_n3A_139, %get3A_140] : memref<25x8x128xi32, #tpu.memory_space<vmem>> -> memref<1x1x128xi32, #tpu.memory_space<vmem>>
          %get3A_142 = tpu.memref_squeeze %get3A_141 : memref<1x1x128xi32, #tpu.memory_space<vmem>> -> memref<128xi32, #tpu.memory_space<vmem>>
          %get3A_143 = arith.constant 0 : index
          %get3A_144 = tpu.vector_load %get3A_142[%get3A_143] {strides = array<i32>} : memref<128xi32, #tpu.memory_space<vmem>>, vector<16xi32>,
          %get3A_145 = vector.shape_cast %get3A_144 : vector<16xi32> to vector<16xi32>
          %convert_element_type3A_146 = arith.sitofp %get3A_145 : vector<16xi32> to vector<16xf32>
          %add3A_147 = arith.constant 5.000000e-01 : f32
          %add3A_148 = vector.broadcast %add3A_147 : f32 to vector<16xf32>
          %add3A_149 = arith.addf %convert_element_type3A_146, %add3A_148 : vector<16xf32>
          %mul3A_150 = arith.constant 7.812500e-05 : f32
          %mul3A_151 = vector.broadcast %mul3A_150 : f32 to vector<16xf32>
          %mul3A_152 = arith.mulf %add3A_149, %mul3A_151 : vector<16xf32>
          %convert_element_type3A_153 = arith.fptosi %mul3A_152 : vector<16xf32> to vector<16xi32>
          %mul3A_154 = arith.constant 12800 : i32
          %mul3A_155 = vector.broadcast %mul3A_154 : i32 to vector<16xi32>
          %mul3A_156 = arith.muli %convert_element_type3A_153, %mul3A_155 : vector<16xi32>
          %sub3A_157 = arith.subi %get3A_145, %mul3A_156 : vector<16xi32>
          %shift_left3A = arith.constant 3 : i32
          %shift_left3A_158 = vector.broadcast %shift_left3A : i32 to vector<16xi32>
          %shift_left3A_159 = arith.shli %sub3A_157, %shift_left3A_158 : vector<16xi32>
          %or3A = arith.ori %shift_left3A_159, %convert_element_type3A_153 : vector<16xi32>
          %swap3A_160 = arith.constant 0 : i32
          %swap3A_161 = tpu.memref_slice %arg6[%select_n3A, %select_n3A_139, %swap3A_160] : memref<25x8x128xi32, #tpu.memory_space<vmem>> -> memref<1x1x128xi32, #tpu.memory_space<vmem>>
          %swap3A_162 = tpu.memref_squeeze %swap3A_161 : memref<1x1x128xi32, #tpu.memory_space<vmem>> -> memref<128xi32, #tpu.memory_space<vmem>>
          %swap3A_163 = arith.constant 0 : index
          %swap3A_164 = tpu.vector_load %swap3A_162[%swap3A_163] {strides = array<i32>} : memref<128xi32, #tpu.memory_space<vmem>>, vector<16xi32>,
          %swap3A_165 = vector.shape_cast %swap3A_164 : vector<16xi32> to vector<16xi32>
          %swap3A_166 = vector.shape_cast %or3A : vector<16xi32> to vector<16xi32>
          tpu.vector_store %swap3A_162[%swap3A_163], %swap3A_166 {strides = array<i32>} : memref<128xi32, #tpu.memory_space<vmem>>, vector<16xi32>,
          %get3A_167 = arith.constant 0 : i32
          %get3A_168 = tpu.memref_slice %arg6[%select_n3A, %select_n3A_139, %get3A_167] : memref<25x8x128xi32, #tpu.memory_space<vmem>> -> memref<1x1x128xi32, #tpu.memory_space<vmem>>
          %get3A_169 = tpu.memref_squeeze %get3A_168 : memref<1x1x128xi32, #tpu.memory_space<vmem>> -> memref<128xi32, #tpu.memory_space<vmem>>
          %get3A_170 = arith.constant 16 : index
          %get3A_171 = tpu.vector_load %get3A_169[%get3A_170] {strides = array<i32>} : memref<128xi32, #tpu.memory_space<vmem>>, vector<16xi32>,
          %get3A_172 = vector.shape_cast %get3A_171 : vector<16xi32> to vector<16xi32>
          %convert_element_type3A_173 = arith.sitofp %get3A_172 : vector<16xi32> to vector<16xf32>
          %add3A_174 = arith.constant 5.000000e-01 : f32
          %add3A_175 = vector.broadcast %add3A_174 : f32 to vector<16xf32>
          %add3A_176 = arith.addf %convert_element_type3A_173, %add3A_175 : vector<16xf32>
          %mul3A_177 = arith.constant 7.812500e-05 : f32
          %mul3A_178 = vector.broadcast %mul3A_177 : f32 to vector<16xf32>
          %mul3A_179 = arith.mulf %add3A_176, %mul3A_178 : vector<16xf32>
          %convert_element_type3A_180 = arith.fptosi %mul3A_179 : vector<16xf32> to vector<16xi32>
          %mul3A_181 = arith.constant 12800 : i32
          %mul3A_182 = vector.broadcast %mul3A_181 : i32 to vector<16xi32>
          %mul3A_183 = arith.muli %convert_element_type3A_180, %mul3A_182 : vector<16xi32>
          %sub3A_184 = arith.subi %get3A_172, %mul3A_183 : vector<16xi32>
          %shift_left3A_185 = arith.constant 3 : i32
          %shift_left3A_186 = vector.broadcast %shift_left3A_185 : i32 to vector<16xi32>
          %shift_left3A_187 = arith.shli %sub3A_184, %shift_left3A_186 : vector<16xi32>
          %or3A_188 = arith.ori %shift_left3A_187, %convert_element_type3A_180 : vector<16xi32>
          %swap3A_189 = arith.constant 0 : i32
          %swap3A_190 = tpu.memref_slice %arg6[%select_n3A, %select_n3A_139, %swap3A_189] : memref<25x8x128xi32, #tpu.memory_space<vmem>> -> memref<1x1x128xi32, #tpu.memory_space<vmem>>
          %swap3A_191 = tpu.memref_squeeze %swap3A_190 : memref<1x1x128xi32, #tpu.memory_space<vmem>> -> memref<128xi32, #tpu.memory_space<vmem>>
          %swap3A_192 = arith.constant 16 : index
          %swap3A_193 = tpu.vector_load %swap3A_191[%swap3A_192] {strides = array<i32>} : memref<128xi32, #tpu.memory_space<vmem>>, vector<16xi32>,
          %swap3A_194 = vector.shape_cast %swap3A_193 : vector<16xi32> to vector<16xi32>
          %swap3A_195 = vector.shape_cast %or3A_188 : vector<16xi32> to vector<16xi32>
          tpu.vector_store %swap3A_191[%swap3A_192], %swap3A_195 {strides = array<i32>} : memref<128xi32, #tpu.memory_space<vmem>>, vector<16xi32>,
          %get3A_196 = arith.constant 0 : i32
          %get3A_197 = tpu.memref_slice %arg6[%select_n3A, %select_n3A_139, %get3A_196] : memref<25x8x128xi32, #tpu.memory_space<vmem>> -> memref<1x1x128xi32, #tpu.memory_space<vmem>>
          %get3A_198 = tpu.memref_squeeze %get3A_197 : memref<1x1x128xi32, #tpu.memory_space<vmem>> -> memref<128xi32, #tpu.memory_space<vmem>>
          %get3A_199 = arith.constant 32 : index
          %get3A_200 = tpu.vector_load %get3A_198[%get3A_199] {strides = array<i32>} : memref<128xi32, #tpu.memory_space<vmem>>, vector<16xi32>,
          %get3A_201 = vector.shape_cast %get3A_200 : vector<16xi32> to vector<16xi32>
          %convert_element_type3A_202 = arith.sitofp %get3A_201 : vector<16xi32> to vector<16xf32>
          %add3A_203 = arith.constant 5.000000e-01 : f32
          %add3A_204 = vector.broadcast %add3A_203 : f32 to vector<16xf32>
          %add3A_205 = arith.addf %convert_element_type3A_202, %add3A_204 : vector<16xf32>
          %mul3A_206 = arith.constant 7.812500e-05 : f32
          %mul3A_207 = vector.broadcast %mul3A_206 : f32 to vector<16xf32>
          %mul3A_208 = arith.mulf %add3A_205, %mul3A_207 : vector<16xf32>
          %convert_element_type3A_209 = arith.fptosi %mul3A_208 : vector<16xf32> to vector<16xi32>
          %mul3A_210 = arith.constant 12800 : i32
          %mul3A_211 = vector.broadcast %mul3A_210 : i32 to vector<16xi32>
          %mul3A_212 = arith.muli %convert_element_type3A_209, %mul3A_211 : vector<16xi32>
          %sub3A_213 = arith.subi %get3A_201, %mul3A_212 : vector<16xi32>
          %shift_left3A_214 = arith.constant 3 : i32
          %shift_left3A_215 = vector.broadcast %shift_left3A_214 : i32 to vector<16xi32>
          %shift_left3A_216 = arith.shli %sub3A_213, %shift_left3A_215 : vector<16xi32>
          %or3A_217 = arith.ori %shift_left3A_216, %convert_element_type3A_209 : vector<16xi32>
          %swap3A_218 = arith.constant 0 : i32
          %swap3A_219 = tpu.memref_slice %arg6[%select_n3A, %select_n3A_139, %swap3A_218] : memref<25x8x128xi32, #tpu.memory_space<vmem>> -> memref<1x1x128xi32, #tpu.memory_space<vmem>>
          %swap3A_220 = tpu.memref_squeeze %swap3A_219 : memref<1x1x128xi32, #tpu.memory_space<vmem>> -> memref<128xi32, #tpu.memory_space<vmem>>
          %swap3A_221 = arith.constant 32 : index
          %swap3A_222 = tpu.vector_load %swap3A_220[%swap3A_221] {strides = array<i32>} : memref<128xi32, #tpu.memory_space<vmem>>, vector<16xi32>,
          %swap3A_223 = vector.shape_cast %swap3A_222 : vector<16xi32> to vector<16xi32>
          %swap3A_224 = vector.shape_cast %or3A_217 : vector<16xi32> to vector<16xi32>
          tpu.vector_store %swap3A_220[%swap3A_221], %swap3A_224 {strides = array<i32>} : memref<128xi32, #tpu.memory_space<vmem>>, vector<16xi32>,
          %get3A_225 = arith.constant 0 : i32
          %get3A_226 = tpu.memref_slice %arg6[%select_n3A, %select_n3A_139, %get3A_225] : memref<25x8x128xi32, #tpu.memory_space<vmem>> -> memref<1x1x128xi32, #tpu.memory_space<vmem>>
          %get3A_227 = tpu.memref_squeeze %get3A_226 : memref<1x1x128xi32, #tpu.memory_space<vmem>> -> memref<128xi32, #tpu.memory_space<vmem>>
          %get3A_228 = arith.constant 48 : index
          %get3A_229 = tpu.vector_load %get3A_227[%get3A_228] {strides = array<i32>} : memref<128xi32, #tpu.memory_space<vmem>>, vector<16xi32>,
          %get3A_230 = vector.shape_cast %get3A_229 : vector<16xi32> to vector<16xi32>
          %convert_element_type3A_231 = arith.sitofp %get3A_230 : vector<16xi32> to vector<16xf32>
          %add3A_232 = arith.constant 5.000000e-01 : f32
          %add3A_233 = vector.broadcast %add3A_232 : f32 to vector<16xf32>
          %add3A_234 = arith.addf %convert_element_type3A_231, %add3A_233 : vector<16xf32>
          %mul3A_235 = arith.constant 7.812500e-05 : f32
          %mul3A_236 = vector.broadcast %mul3A_235 : f32 to vector<16xf32>
          %mul3A_237 = arith.mulf %add3A_234, %mul3A_236 : vector<16xf32>
          %convert_element_type3A_238 = arith.fptosi %mul3A_237 : vector<16xf32> to vector<16xi32>
          %mul3A_239 = arith.constant 12800 : i32
          %mul3A_240 = vector.broadcast %mul3A_239 : i32 to vector<16xi32>
          %mul3A_241 = arith.muli %convert_element_type3A_238, %mul3A_240 : vector<16xi32>
          %sub3A_242 = arith.subi %get3A_230, %mul3A_241 : vector<16xi32>
          %shift_left3A_243 = arith.constant 3 : i32
          %shift_left3A_244 = vector.broadcast %shift_left3A_243 : i32 to vector<16xi32>
          %shift_left3A_245 = arith.shli %sub3A_242, %shift_left3A_244 : vector<16xi32>
          %or3A_246 = arith.ori %shift_left3A_245, %convert_element_type3A_238 : vector<16xi32>
          %swap3A_247 = arith.constant 0 : i32
          %swap3A_248 = tpu.memref_slice %arg6[%select_n3A, %select_n3A_139, %swap3A_247] : memref<25x8x128xi32, #tpu.memory_space<vmem>> -> memref<1x1x128xi32, #tpu.memory_space<vmem>>
          %swap3A_249 = tpu.memref_squeeze %swap3A_248 : memref<1x1x128xi32, #tpu.memory_space<vmem>> -> memref<128xi32, #tpu.memory_space<vmem>>
          %swap3A_250 = arith.constant 48 : index
          %swap3A_251 = tpu.vector_load %swap3A_249[%swap3A_250] {strides = array<i32>} : memref<128xi32, #tpu.memory_space<vmem>>, vector<16xi32>,
          %swap3A_252 = vector.shape_cast %swap3A_251 : vector<16xi32> to vector<16xi32>
          %swap3A_253 = vector.shape_cast %or3A_246 : vector<16xi32> to vector<16xi32>
          tpu.vector_store %swap3A_249[%swap3A_250], %swap3A_253 {strides = array<i32>} : memref<128xi32, #tpu.memory_space<vmem>>, vector<16xi32>,
          %get3A_254 = arith.constant 0 : i32
          %get3A_255 = tpu.memref_slice %arg6[%select_n3A, %select_n3A_139, %get3A_254] : memref<25x8x128xi32, #tpu.memory_space<vmem>> -> memref<1x1x128xi32, #tpu.memory_space<vmem>>
          %get3A_256 = tpu.memref_squeeze %get3A_255 : memref<1x1x128xi32, #tpu.memory_space<vmem>> -> memref<128xi32, #tpu.memory_space<vmem>>
          %get3A_257 = arith.constant 64 : index
          %get3A_258 = tpu.vector_load %get3A_256[%get3A_257] {strides = array<i32>} : memref<128xi32, #tpu.memory_space<vmem>>, vector<16xi32>,
          %get3A_259 = vector.shape_cast %get3A_258 : vector<16xi32> to vector<16xi32>
          %convert_element_type3A_260 = arith.sitofp %get3A_259 : vector<16xi32> to vector<16xf32>
          %add3A_261 = arith.constant 5.000000e-01 : f32
          %add3A_262 = vector.broadcast %add3A_261 : f32 to vector<16xf32>
          %add3A_263 = arith.addf %convert_element_type3A_260, %add3A_262 : vector<16xf32>
          %mul3A_264 = arith.constant 7.812500e-05 : f32
          %mul3A_265 = vector.broadcast %mul3A_264 : f32 to vector<16xf32>
          %mul3A_266 = arith.mulf %add3A_263, %mul3A_265 : vector<16xf32>
          %convert_element_type3A_267 = arith.fptosi %mul3A_266 : vector<16xf32> to vector<16xi32>
          %mul3A_268 = arith.constant 12800 : i32
          %mul3A_269 = vector.broadcast %mul3A_268 : i32 to vector<16xi32>
          %mul3A_270 = arith.muli %convert_element_type3A_267, %mul3A_269 : vector<16xi32>
          %sub3A_271 = arith.subi %get3A_259, %mul3A_270 : vector<16xi32>
          %shift_left3A_272 = arith.constant 3 : i32
          %shift_left3A_273 = vector.broadcast %shift_left3A_272 : i32 to vector<16xi32>
          %shift_left3A_274 = arith.shli %sub3A_271, %shift_left3A_273 : vector<16xi32>
          %or3A_275 = arith.ori %shift_left3A_274, %convert_element_type3A_267 : vector<16xi32>
          %swap3A_276 = arith.constant 0 : i32
          %swap3A_277 = tpu.memref_slice %arg6[%select_n3A, %select_n3A_139, %swap3A_276] : memref<25x8x128xi32, #tpu.memory_space<vmem>> -> memref<1x1x128xi32, #tpu.memory_space<vmem>>
          %swap3A_278 = tpu.memref_squeeze %swap3A_277 : memref<1x1x128xi32, #tpu.memory_space<vmem>> -> memref<128xi32, #tpu.memory_space<vmem>>
          %swap3A_279 = arith.constant 64 : index
          %swap3A_280 = tpu.vector_load %swap3A_278[%swap3A_279] {strides = array<i32>} : memref<128xi32, #tpu.memory_space<vmem>>, vector<16xi32>,
          %swap3A_281 = vector.shape_cast %swap3A_280 : vector<16xi32> to vector<16xi32>
          %swap3A_282 = vector.shape_cast %or3A_275 : vector<16xi32> to vector<16xi32>
          tpu.vector_store %swap3A_278[%swap3A_279], %swap3A_282 {strides = array<i32>} : memref<128xi32, #tpu.memory_space<vmem>>, vector<16xi32>,
          %get3A_283 = arith.constant 0 : i32
          %get3A_284 = tpu.memref_slice %arg6[%select_n3A, %select_n3A_139, %get3A_283] : memref<25x8x128xi32, #tpu.memory_space<vmem>> -> memref<1x1x128xi32, #tpu.memory_space<vmem>>
          %get3A_285 = tpu.memref_squeeze %get3A_284 : memref<1x1x128xi32, #tpu.memory_space<vmem>> -> memref<128xi32, #tpu.memory_space<vmem>>
          %get3A_286 = arith.constant 80 : index
          %get3A_287 = tpu.vector_load %get3A_285[%get3A_286] {strides = array<i32>} : memref<128xi32, #tpu.memory_space<vmem>>, vector<16xi32>,
          %get3A_288 = vector.shape_cast %get3A_287 : vector<16xi32> to vector<16xi32>
          %convert_element_type3A_289 = arith.sitofp %get3A_288 : vector<16xi32> to vector<16xf32>
          %add3A_290 = arith.constant 5.000000e-01 : f32
          %add3A_291 = vector.broadcast %add3A_290 : f32 to vector<16xf32>
          %add3A_292 = arith.addf %convert_element_type3A_289, %add3A_291 : vector<16xf32>
          %mul3A_293 = arith.constant 7.812500e-05 : f32
          %mul3A_294 = vector.broadcast %mul3A_293 : f32 to vector<16xf32>
          %mul3A_295 = arith.mulf %add3A_292, %mul3A_294 : vector<16xf32>
          %convert_element_type3A_296 = arith.fptosi %mul3A_295 : vector<16xf32> to vector<16xi32>
          %mul3A_297 = arith.constant 12800 : i32
          %mul3A_298 = vector.broadcast %mul3A_297 : i32 to vector<16xi32>
          %mul3A_299 = arith.muli %convert_element_type3A_296, %mul3A_298 : vector<16xi32>
          %sub3A_300 = arith.subi %get3A_288, %mul3A_299 : vector<16xi32>
          %shift_left3A_301 = arith.constant 3 : i32
          %shift_left3A_302 = vector.broadcast %shift_left3A_301 : i32 to vector<16xi32>
          %shift_left3A_303 = arith.shli %sub3A_300, %shift_left3A_302 : vector<16xi32>
          %or3A_304 = arith.ori %shift_left3A_303, %convert_element_type3A_296 : vector<16xi32>
          %swap3A_305 = arith.constant 0 : i32
          %swap3A_306 = tpu.memref_slice %arg6[%select_n3A, %select_n3A_139, %swap3A_305] : memref<25x8x128xi32, #tpu.memory_space<vmem>> -> memref<1x1x128xi32, #tpu.memory_space<vmem>>
          %swap3A_307 = tpu.memref_squeeze %swap3A_306 : memref<1x1x128xi32, #tpu.memory_space<vmem>> -> memref<128xi32, #tpu.memory_space<vmem>>
          %swap3A_308 = arith.constant 80 : index
          %swap3A_309 = tpu.vector_load %swap3A_307[%swap3A_308] {strides = array<i32>} : memref<128xi32, #tpu.memory_space<vmem>>, vector<16xi32>,
          %swap3A_310 = vector.shape_cast %swap3A_309 : vector<16xi32> to vector<16xi32>
          %swap3A_311 = vector.shape_cast %or3A_304 : vector<16xi32> to vector<16xi32>
          tpu.vector_store %swap3A_307[%swap3A_308], %swap3A_311 {strides = array<i32>} : memref<128xi32, #tpu.memory_space<vmem>>, vector<16xi32>,
          %get3A_312 = arith.constant 0 : i32
          %get3A_313 = tpu.memref_slice %arg6[%select_n3A, %select_n3A_139, %get3A_312] : memref<25x8x128xi32, #tpu.memory_space<vmem>> -> memref<1x1x128xi32, #tpu.memory_space<vmem>>
          %get3A_314 = tpu.memref_squeeze %get3A_313 : memref<1x1x128xi32, #tpu.memory_space<vmem>> -> memref<128xi32, #tpu.memory_space<vmem>>
          %get3A_315 = arith.constant 96 : index
          %get3A_316 = tpu.vector_load %get3A_314[%get3A_315] {strides = array<i32>} : memref<128xi32, #tpu.memory_space<vmem>>, vector<16xi32>,
          %get3A_317 = vector.shape_cast %get3A_316 : vector<16xi32> to vector<16xi32>
          %convert_element_type3A_318 = arith.sitofp %get3A_317 : vector<16xi32> to vector<16xf32>
          %add3A_319 = arith.constant 5.000000e-01 : f32
          %add3A_320 = vector.broadcast %add3A_319 : f32 to vector<16xf32>
          %add3A_321 = arith.addf %convert_element_type3A_318, %add3A_320 : vector<16xf32>
          %mul3A_322 = arith.constant 7.812500e-05 : f32
          %mul3A_323 = vector.broadcast %mul3A_322 : f32 to vector<16xf32>
          %mul3A_324 = arith.mulf %add3A_321, %mul3A_323 : vector<16xf32>
          %convert_element_type3A_325 = arith.fptosi %mul3A_324 : vector<16xf32> to vector<16xi32>
          %mul3A_326 = arith.constant 12800 : i32
          %mul3A_327 = vector.broadcast %mul3A_326 : i32 to vector<16xi32>
          %mul3A_328 = arith.muli %convert_element_type3A_325, %mul3A_327 : vector<16xi32>
          %sub3A_329 = arith.subi %get3A_317, %mul3A_328 : vector<16xi32>
          %shift_left3A_330 = arith.constant 3 : i32
          %shift_left3A_331 = vector.broadcast %shift_left3A_330 : i32 to vector<16xi32>
          %shift_left3A_332 = arith.shli %sub3A_329, %shift_left3A_331 : vector<16xi32>
          %or3A_333 = arith.ori %shift_left3A_332, %convert_element_type3A_325 : vector<16xi32>
          %swap3A_334 = arith.constant 0 : i32
          %swap3A_335 = tpu.memref_slice %arg6[%select_n3A, %select_n3A_139, %swap3A_334] : memref<25x8x128xi32, #tpu.memory_space<vmem>> -> memref<1x1x128xi32, #tpu.memory_space<vmem>>
          %swap3A_336 = tpu.memref_squeeze %swap3A_335 : memref<1x1x128xi32, #tpu.memory_space<vmem>> -> memref<128xi32, #tpu.memory_space<vmem>>
          %swap3A_337 = arith.constant 96 : index
          %swap3A_338 = tpu.vector_load %swap3A_336[%swap3A_337] {strides = array<i32>} : memref<128xi32, #tpu.memory_space<vmem>>, vector<16xi32>,
          %swap3A_339 = vector.shape_cast %swap3A_338 : vector<16xi32> to vector<16xi32>
          %swap3A_340 = vector.shape_cast %or3A_333 : vector<16xi32> to vector<16xi32>
          tpu.vector_store %swap3A_336[%swap3A_337], %swap3A_340 {strides = array<i32>} : memref<128xi32, #tpu.memory_space<vmem>>, vector<16xi32>,
          %get3A_341 = arith.constant 0 : i32
          %get3A_342 = tpu.memref_slice %arg6[%select_n3A, %select_n3A_139, %get3A_341] : memref<25x8x128xi32, #tpu.memory_space<vmem>> -> memref<1x1x128xi32, #tpu.memory_space<vmem>>
          %get3A_343 = tpu.memref_squeeze %get3A_342 : memref<1x1x128xi32, #tpu.memory_space<vmem>> -> memref<128xi32, #tpu.memory_space<vmem>>
          %get3A_344 = arith.constant 112 : index
          %get3A_345 = tpu.vector_load %get3A_343[%get3A_344] {strides = array<i32>} : memref<128xi32, #tpu.memory_space<vmem>>, vector<16xi32>,
          %get3A_346 = vector.shape_cast %get3A_345 : vector<16xi32> to vector<16xi32>
          %convert_element_type3A_347 = arith.sitofp %get3A_346 : vector<16xi32> to vector<16xf32>
          %add3A_348 = arith.constant 5.000000e-01 : f32
          %add3A_349 = vector.broadcast %add3A_348 : f32 to vector<16xf32>
          %add3A_350 = arith.addf %convert_element_type3A_347, %add3A_349 : vector<16xf32>
          %mul3A_351 = arith.constant 7.812500e-05 : f32
          %mul3A_352 = vector.broadcast %mul3A_351 : f32 to vector<16xf32>
          %mul3A_353 = arith.mulf %add3A_350, %mul3A_352 : vector<16xf32>
          %convert_element_type3A_354 = arith.fptosi %mul3A_353 : vector<16xf32> to vector<16xi32>
          %mul3A_355 = arith.constant 12800 : i32
          %mul3A_356 = vector.broadcast %mul3A_355 : i32 to vector<16xi32>
          %mul3A_357 = arith.muli %convert_element_type3A_354, %mul3A_356 : vector<16xi32>
          %sub3A_358 = arith.subi %get3A_346, %mul3A_357 : vector<16xi32>
          %shift_left3A_359 = arith.constant 3 : i32
          %shift_left3A_360 = vector.broadcast %shift_left3A_359 : i32 to vector<16xi32>
          %shift_left3A_361 = arith.shli %sub3A_358, %shift_left3A_360 : vector<16xi32>
          %or3A_362 = arith.ori %shift_left3A_361, %convert_element_type3A_354 : vector<16xi32>
          %swap3A_363 = arith.constant 0 : i32
          %swap3A_364 = tpu.memref_slice %arg6[%select_n3A, %select_n3A_139, %swap3A_363] : memref<25x8x128xi32, #tpu.memory_space<vmem>> -> memref<1x1x128xi32, #tpu.memory_space<vmem>>
          %swap3A_365 = tpu.memref_squeeze %swap3A_364 : memref<1x1x128xi32, #tpu.memory_space<vmem>> -> memref<128xi32, #tpu.memory_space<vmem>>
          %swap3A_366 = arith.constant 112 : index
          %swap3A_367 = tpu.vector_load %swap3A_365[%swap3A_366] {strides = array<i32>} : memref<128xi32, #tpu.memory_space<vmem>>, vector<16xi32>,
          %swap3A_368 = vector.shape_cast %swap3A_367 : vector<16xi32> to vector<16xi32>
          %swap3A_369 = vector.shape_cast %or3A_362 : vector<16xi32> to vector<16xi32>
          tpu.vector_store %swap3A_365[%swap3A_366], %swap3A_369 {strides = array<i32>} : memref<128xi32, #tpu.memory_space<vmem>>, vector<16xi32>,
        }
        %scan3A_102 = arith.constant 0 : i32
        %scan3A_103 = arith.constant 0 : i32
        %scan3A_104 = arith.constant 25 : i32
        %scan3A_105 = arith.addi %scan3A_103, %scan3A_104 : i32
        %scan3A_106 = arith.constant 1 : i32
        scf.for %scan3A_108 = %scan3A_103 to %scan3A_105 step %scan3A_106  : i32 {
          %mul3A_109 = arith.constant 25 : i32
          %mul3A_110 = arith.muli %add3A_86, %mul3A_109 : i32
          %add3A_111 = arith.addi %mul3A_110, %scan3A_108 : i32
          %jit3A = arith.constant 8 : i32
          %div3A = arith.divsi %add3A_111, %jit3A : i32
          %sign3A = arith.constant 0 : i32
          %sign3A_112 = arith.cmpi sgt, %add3A_111, %sign3A : i32
          %sign3A_113 = arith.extui %sign3A_112 : i1 to i32
          %sign3A_114 = arith.constant 0 : i32
          %sign3A_115 = arith.cmpi slt, %add3A_111, %sign3A_114 : i32
          %sign3A_116 = arith.extui %sign3A_115 : i1 to i32
          %sign3A_117 = arith.subi %sign3A_113, %sign3A_116 : i32
          %sign3A_118 = arith.constant 0 : i32
          %sign3A_119 = arith.cmpi sgt, %jit3A, %sign3A_118 : i32
          %sign3A_120 = arith.extui %sign3A_119 : i1 to i32
          %sign3A_121 = arith.constant 0 : i32
          %sign3A_122 = arith.cmpi slt, %jit3A, %sign3A_121 : i32
          %sign3A_123 = arith.extui %sign3A_122 : i1 to i32
          %sign3A_124 = arith.subi %sign3A_120, %sign3A_123 : i32
          %ne3A = arith.cmpi ne, %sign3A_117, %sign3A_124 : i32
          %rem3A = arith.remsi %add3A_111, %jit3A : i32
          %ne3A_125 = arith.constant 0 : i32
          %ne3A_126 = arith.cmpi ne, %rem3A, %ne3A_125 : i32
          %and3A = arith.andi %ne3A, %ne3A_126 : i1
          %sub3A = arith.constant 1 : i32
          %sub3A_127 = arith.subi %div3A, %sub3A : i32
          %select_n3A = arith.select %and3A, %sub3A_127, %div3A : i32
          %jit3A_128 = arith.constant 8 : i32
          %eq3A = arith.constant 0 : i32
          %eq3A_129 = arith.cmpi eq, %jit3A_128, %eq3A : i32
          %jit3A_130 = arith.constant 1 : i32
          %select_n3A_131 = arith.select %eq3A_129, %jit3A_130, %jit3A_128 : i32
          %rem3A_132 = arith.remsi %add3A_111, %select_n3A_131 : i32
          %ne3A_133 = arith.constant 0 : i32
          %ne3A_134 = arith.cmpi ne, %rem3A_132, %ne3A_133 : i32
          %lt3A_135 = arith.constant 0 : i32
          %lt3A_136 = arith.cmpi slt, %rem3A_132, %lt3A_135 : i32
          %lt3A_137 = arith.constant 0 : i32
          %lt3A_138 = arith.cmpi slt, %select_n3A_131, %lt3A_137 : i32
          %ne3A_139 = arith.xori %lt3A_136, %lt3A_138 : i1
          %and3A_140 = arith.andi %ne3A_139, %ne3A_134 : i1
          %add3A_141 = arith.addi %rem3A_132, %select_n3A_131 : i32
          %select_n3A_142 = arith.select %and3A_140, %add3A_141, %rem3A_132 : i32
          %mul3A_143 = arith.constant 128 : i32
          %mul3A_144 = arith.muli %scan3A_108, %mul3A_143 : i32
          %dma_start3A = arith.constant 0 : i32
          %dma_start3A_145 = arith.constant 0 : i32
          %dma_start3A_146 = tpu.memref_slice %arg7[%dma_start3A, %mul3A_144, %dma_start3A_145] : memref<2x3200x16xf32, #tpu.memory_space<vmem>> -> memref<1x128x16xf32, #tpu.memory_space<vmem>>
          %dma_start3A_147 = tpu.memref_squeeze %dma_start3A_146 : memref<1x128x16xf32, #tpu.memory_space<vmem>> -> memref<128x16xf32, #tpu.memory_space<vmem>>
          %dma_start3A_148 = arith.constant 0 : i32
          %dma_start3A_149 = tpu.memref_slice %arg6[%select_n3A, %select_n3A_142, %dma_start3A_148] : memref<25x8x128xi32, #tpu.memory_space<vmem>> -> memref<1x1x128xi32, #tpu.memory_space<vmem>>
          %dma_start3A_150 = tpu.memref_squeeze %dma_start3A_149 : memref<1x1x128xi32, #tpu.memory_space<vmem>> -> memref<128xi32, #tpu.memory_space<vmem>>
          %dma_start3A_151 = arith.constant 0 : i32
          %dma_start3A_152 = arith.constant 0 : i32
          %dma_start3A_153 = tpu.memref_slice %arg3[%dma_start3A_151, %dma_start3A_152] : memref<102400x16xf32, #tpu.memory_space<hbm>> -> memref<102400x16xf32, #tpu.memory_space<hbm>>
          tpu.enqueue_indirect_dma source(%dma_start3A_153 : memref<102400x16xf32, #tpu.memory_space<hbm>>) target(%dma_start3A_147 : memref<128x16xf32, #tpu.memory_space<vmem>>) offsets(%dma_start3A_150 : memref<128xi32, #tpu.memory_space<vmem>>) semaphore(%arg10 : memref<!tpu.dma_semaphore, #tpu.memory_space<semaphore_mem>>)
        }
        %scan3A_107 = arith.constant 25 : i32
      } else {
      }
      %add3A_71 = arith.constant 1 : i32
      %add3A_72 = arith.addi %mul3A_34, %add3A_71 : i32
      %scan3A_73 = arith.constant 0 : i32
      %scan3A_74 = arith.constant 0 : i32
      %scan3A_75 = arith.constant 25 : i32
      %scan3A_76 = arith.addi %scan3A_74, %scan3A_75 : i32
      %scan3A_77 = arith.constant 1 : i32
      scf.for %scan3A_85 = %scan3A_74 to %scan3A_76 step %scan3A_77  : i32 {
        %mul3A_86 = arith.constant 25 : i32
        %mul3A_87 = arith.muli %add3A_72, %mul3A_86 : i32
        %add3A_88 = arith.addi %mul3A_87, %scan3A_85 : i32
        %jit3A = arith.constant 8 : i32
        %div3A = arith.divsi %add3A_88, %jit3A : i32
        %sign3A = arith.constant 0 : i32
        %sign3A_89 = arith.cmpi sgt, %add3A_88, %sign3A : i32
        %sign3A_90 = arith.extui %sign3A_89 : i1 to i32
        %sign3A_91 = arith.constant 0 : i32
        %sign3A_92 = arith.cmpi slt, %add3A_88, %sign3A_91 : i32
        %sign3A_93 = arith.extui %sign3A_92 : i1 to i32
        %sign3A_94 = arith.subi %sign3A_90, %sign3A_93 : i32
        %sign3A_95 = arith.constant 0 : i32
        %sign3A_96 = arith.cmpi sgt, %jit3A, %sign3A_95 : i32
        %sign3A_97 = arith.extui %sign3A_96 : i1 to i32
        %sign3A_98 = arith.constant 0 : i32
        %sign3A_99 = arith.cmpi slt, %jit3A, %sign3A_98 : i32
        %sign3A_100 = arith.extui %sign3A_99 : i1 to i32
        %sign3A_101 = arith.subi %sign3A_97, %sign3A_100 : i32
        %ne3A = arith.cmpi ne, %sign3A_94, %sign3A_101 : i32
        %rem3A = arith.remsi %add3A_88, %jit3A : i32
        %ne3A_102 = arith.constant 0 : i32
        %ne3A_103 = arith.cmpi ne, %rem3A, %ne3A_102 : i32
        %and3A = arith.andi %ne3A, %ne3A_103 : i1
        %sub3A = arith.constant 1 : i32
        %sub3A_104 = arith.subi %div3A, %sub3A : i32
        %select_n3A = arith.select %and3A, %sub3A_104, %div3A : i32
        %jit3A_105 = arith.constant 8 : i32
        %eq3A = arith.constant 0 : i32
        %eq3A_106 = arith.cmpi eq, %jit3A_105, %eq3A : i32
        %jit3A_107 = arith.constant 1 : i32
        %select_n3A_108 = arith.select %eq3A_106, %jit3A_107, %jit3A_105 : i32
        %rem3A_109 = arith.remsi %add3A_88, %select_n3A_108 : i32
        %ne3A_110 = arith.constant 0 : i32
        %ne3A_111 = arith.cmpi ne, %rem3A_109, %ne3A_110 : i32
        %lt3A_112 = arith.constant 0 : i32
        %lt3A_113 = arith.cmpi slt, %rem3A_109, %lt3A_112 : i32
        %lt3A_114 = arith.constant 0 : i32
        %lt3A_115 = arith.cmpi slt, %select_n3A_108, %lt3A_114 : i32
        %ne3A_116 = arith.xori %lt3A_113, %lt3A_115 : i1
        %and3A_117 = arith.andi %ne3A_116, %ne3A_111 : i1
        %add3A_118 = arith.addi %rem3A_109, %select_n3A_108 : i32
        %select_n3A_119 = arith.select %and3A_117, %add3A_118, %rem3A_109 : i32
        %mul3A_120 = arith.constant 128 : i32
        %mul3A_121 = arith.muli %scan3A_85, %mul3A_120 : i32
        %dma_wait3A = arith.constant 1 : i32
        %dma_wait3A_122 = arith.constant 0 : i32
        %dma_wait3A_123 = tpu.memref_slice %arg7[%dma_wait3A, %mul3A_121, %dma_wait3A_122] : memref<2x3200x16xf32, #tpu.memory_space<vmem>> -> memref<1x128x16xf32, #tpu.memory_space<vmem>>
        %dma_wait3A_124 = tpu.memref_squeeze %dma_wait3A_123 : memref<1x128x16xf32, #tpu.memory_space<vmem>> -> memref<128x16xf32, #tpu.memory_space<vmem>>
        %dma_wait3A_125 = arith.constant 0 : i32
        %dma_wait3A_126 = tpu.memref_slice %arg6[%select_n3A, %select_n3A_119, %dma_wait3A_125] : memref<25x8x128xi32, #tpu.memory_space<vmem>> -> memref<1x1x128xi32, #tpu.memory_space<vmem>>
        %dma_wait3A_127 = tpu.memref_squeeze %dma_wait3A_126 : memref<1x1x128xi32, #tpu.memory_space<vmem>> -> memref<128xi32, #tpu.memory_space<vmem>>
        %dma_wait3A_128 = arith.constant 0 : i32
        %dma_wait3A_129 = arith.constant 0 : i32
        %dma_wait3A_130 = tpu.memref_slice %arg3[%dma_wait3A_128, %dma_wait3A_129] : memref<102400x16xf32, #tpu.memory_space<hbm>> -> memref<102400x16xf32, #tpu.memory_space<hbm>>
        tpu.wait_indirect_dma semaphore(%arg11 : memref<!tpu.dma_semaphore, #tpu.memory_space<semaphore_mem>>) src(%dma_wait3A_130 : memref<102400x16xf32, #tpu.memory_space<hbm>>) dst(%dma_wait3A_124 : memref<128x16xf32, #tpu.memory_space<vmem>>)
      }
      %scan3A_78 = arith.constant 25 : i32
      %scan3A_79 = arith.constant 0 : i32
      %scan3A_80 = arith.constant 0 : i32
      %scan3A_81 = arith.constant 128 : i32
      %scan3A_82 = arith.addi %scan3A_80, %scan3A_81 : i32
      %scan3A_83 = arith.constant 1 : i32
      scf.for %scan3A_85 = %scan3A_80 to %scan3A_82 step %scan3A_83  : i32 {
        %broadcast_in_dim3A_86 = arith.constant 0.000000e+00 : f32
        %broadcast_in_dim3A_87 = vector.broadcast %broadcast_in_dim3A_86 : f32 to vector<16xf32>
        %add3A_88 = arith.constant 0 : i32
        %add3A_89 = arith.addi %add3A_88, %scan3A_85 : i32
        %get3A_90 = arith.constant 1 : i32
        %get3A_91 = arith.index_cast %get3A_90 : i32 to index
        %get3A_92 = arith.index_cast %add3A_89 : i32 to index
        %get3A_93 = arith.constant 0 : index
        %get3A_94 = tpu.vector_load %arg7[%get3A_91, %get3A_92, %get3A_93] {strides = array<i32>} : memref<2x3200x16xf32, #tpu.memory_space<vmem>>, vector<1x1x16xf32>,
        %get3A_95 = vector.shape_cast %get3A_94 : vector<1x1x16xf32> to vector<16xf32>
        %add3A_96 = arith.addf %broadcast_in_dim3A_87, %get3A_95 : vector<16xf32>
        %add3A_97 = arith.constant 128 : i32
        %add3A_98 = arith.addi %add3A_97, %scan3A_85 : i32
        %get3A_99 = arith.constant 1 : i32
        %get3A_100 = arith.index_cast %get3A_99 : i32 to index
        %get3A_101 = arith.index_cast %add3A_98 : i32 to index
        %get3A_102 = arith.constant 0 : index
        %get3A_103 = tpu.vector_load %arg7[%get3A_100, %get3A_101, %get3A_102] {strides = array<i32>} : memref<2x3200x16xf32, #tpu.memory_space<vmem>>, vector<1x1x16xf32>,
        %get3A_104 = vector.shape_cast %get3A_103 : vector<1x1x16xf32> to vector<16xf32>
        %add3A_105 = arith.addf %broadcast_in_dim3A_87, %get3A_104 : vector<16xf32>
        %add3A_106 = arith.constant 256 : i32
        %add3A_107 = arith.addi %add3A_106, %scan3A_85 : i32
        %get3A_108 = arith.constant 1 : i32
        %get3A_109 = arith.index_cast %get3A_108 : i32 to index
        %get3A_110 = arith.index_cast %add3A_107 : i32 to index
        %get3A_111 = arith.constant 0 : index
        %get3A_112 = tpu.vector_load %arg7[%get3A_109, %get3A_110, %get3A_111] {strides = array<i32>} : memref<2x3200x16xf32, #tpu.memory_space<vmem>>, vector<1x1x16xf32>,
        %get3A_113 = vector.shape_cast %get3A_112 : vector<1x1x16xf32> to vector<16xf32>
        %add3A_114 = arith.addf %broadcast_in_dim3A_87, %get3A_113 : vector<16xf32>
        %add3A_115 = arith.constant 384 : i32
        %add3A_116 = arith.addi %add3A_115, %scan3A_85 : i32
        %get3A_117 = arith.constant 1 : i32
        %get3A_118 = arith.index_cast %get3A_117 : i32 to index
        %get3A_119 = arith.index_cast %add3A_116 : i32 to index
        %get3A_120 = arith.constant 0 : index
        %get3A_121 = tpu.vector_load %arg7[%get3A_118, %get3A_119, %get3A_120] {strides = array<i32>} : memref<2x3200x16xf32, #tpu.memory_space<vmem>>, vector<1x1x16xf32>,
        %get3A_122 = vector.shape_cast %get3A_121 : vector<1x1x16xf32> to vector<16xf32>
        %add3A_123 = arith.addf %broadcast_in_dim3A_87, %get3A_122 : vector<16xf32>
        %add3A_124 = arith.constant 512 : i32
        %add3A_125 = arith.addi %add3A_124, %scan3A_85 : i32
        %get3A_126 = arith.constant 1 : i32
        %get3A_127 = arith.index_cast %get3A_126 : i32 to index
        %get3A_128 = arith.index_cast %add3A_125 : i32 to index
        %get3A_129 = arith.constant 0 : index
        %get3A_130 = tpu.vector_load %arg7[%get3A_127, %get3A_128, %get3A_129] {strides = array<i32>} : memref<2x3200x16xf32, #tpu.memory_space<vmem>>, vector<1x1x16xf32>,
        %get3A_131 = vector.shape_cast %get3A_130 : vector<1x1x16xf32> to vector<16xf32>
        %add3A_132 = arith.addf %broadcast_in_dim3A_87, %get3A_131 : vector<16xf32>
        %add3A_133 = arith.constant 640 : i32
        %add3A_134 = arith.addi %add3A_133, %scan3A_85 : i32
        %get3A_135 = arith.constant 1 : i32
        %get3A_136 = arith.index_cast %get3A_135 : i32 to index
        %get3A_137 = arith.index_cast %add3A_134 : i32 to index
        %get3A_138 = arith.constant 0 : index
        %get3A_139 = tpu.vector_load %arg7[%get3A_136, %get3A_137, %get3A_138] {strides = array<i32>} : memref<2x3200x16xf32, #tpu.memory_space<vmem>>, vector<1x1x16xf32>,
        %get3A_140 = vector.shape_cast %get3A_139 : vector<1x1x16xf32> to vector<16xf32>
        %add3A_141 = arith.addf %add3A_96, %get3A_140 : vector<16xf32>
        %add3A_142 = arith.constant 768 : i32
        %add3A_143 = arith.addi %add3A_142, %scan3A_85 : i32
        %get3A_144 = arith.constant 1 : i32
        %get3A_145 = arith.index_cast %get3A_144 : i32 to index
        %get3A_146 = arith.index_cast %add3A_143 : i32 to index
        %get3A_147 = arith.constant 0 : index
        %get3A_148 = tpu.vector_load %arg7[%get3A_145, %get3A_146, %get3A_147] {strides = array<i32>} : memref<2x3200x16xf32, #tpu.memory_space<vmem>>, vector<1x1x16xf32>,
        %get3A_149 = vector.shape_cast %get3A_148 : vector<1x1x16xf32> to vector<16xf32>
        %add3A_150 = arith.addf %add3A_105, %get3A_149 : vector<16xf32>
        %add3A_151 = arith.constant 896 : i32
        %add3A_152 = arith.addi %add3A_151, %scan3A_85 : i32
        %get3A_153 = arith.constant 1 : i32
        %get3A_154 = arith.index_cast %get3A_153 : i32 to index
        %get3A_155 = arith.index_cast %add3A_152 : i32 to index
        %get3A_156 = arith.constant 0 : index
        %get3A_157 = tpu.vector_load %arg7[%get3A_154, %get3A_155, %get3A_156] {strides = array<i32>} : memref<2x3200x16xf32, #tpu.memory_space<vmem>>, vector<1x1x16xf32>,
        %get3A_158 = vector.shape_cast %get3A_157 : vector<1x1x16xf32> to vector<16xf32>
        %add3A_159 = arith.addf %add3A_114, %get3A_158 : vector<16xf32>
        %add3A_160 = arith.constant 1024 : i32
        %add3A_161 = arith.addi %add3A_160, %scan3A_85 : i32
        %get3A_162 = arith.constant 1 : i32
        %get3A_163 = arith.index_cast %get3A_162 : i32 to index
        %get3A_164 = arith.index_cast %add3A_161 : i32 to index
        %get3A_165 = arith.constant 0 : index
        %get3A_166 = tpu.vector_load %arg7[%get3A_163, %get3A_164, %get3A_165] {strides = array<i32>} : memref<2x3200x16xf32, #tpu.memory_space<vmem>>, vector<1x1x16xf32>,
        %get3A_167 = vector.shape_cast %get3A_166 : vector<1x1x16xf32> to vector<16xf32>
        %add3A_168 = arith.addf %add3A_123, %get3A_167 : vector<16xf32>
        %add3A_169 = arith.constant 1152 : i32
        %add3A_170 = arith.addi %add3A_169, %scan3A_85 : i32
        %get3A_171 = arith.constant 1 : i32
        %get3A_172 = arith.index_cast %get3A_171 : i32 to index
        %get3A_173 = arith.index_cast %add3A_170 : i32 to index
        %get3A_174 = arith.constant 0 : index
        %get3A_175 = tpu.vector_load %arg7[%get3A_172, %get3A_173, %get3A_174] {strides = array<i32>} : memref<2x3200x16xf32, #tpu.memory_space<vmem>>, vector<1x1x16xf32>,
        %get3A_176 = vector.shape_cast %get3A_175 : vector<1x1x16xf32> to vector<16xf32>
        %add3A_177 = arith.addf %add3A_132, %get3A_176 : vector<16xf32>
        %add3A_178 = arith.constant 1280 : i32
        %add3A_179 = arith.addi %add3A_178, %scan3A_85 : i32
        %get3A_180 = arith.constant 1 : i32
        %get3A_181 = arith.index_cast %get3A_180 : i32 to index
        %get3A_182 = arith.index_cast %add3A_179 : i32 to index
        %get3A_183 = arith.constant 0 : index
        %get3A_184 = tpu.vector_load %arg7[%get3A_181, %get3A_182, %get3A_183] {strides = array<i32>} : memref<2x3200x16xf32, #tpu.memory_space<vmem>>, vector<1x1x16xf32>,
        %get3A_185 = vector.shape_cast %get3A_184 : vector<1x1x16xf32> to vector<16xf32>
        %add3A_186 = arith.addf %add3A_141, %get3A_185 : vector<16xf32>
        %add3A_187 = arith.constant 1408 : i32
        %add3A_188 = arith.addi %add3A_187, %scan3A_85 : i32
        %get3A_189 = arith.constant 1 : i32
        %get3A_190 = arith.index_cast %get3A_189 : i32 to index
        %get3A_191 = arith.index_cast %add3A_188 : i32 to index
        %get3A_192 = arith.constant 0 : index
        %get3A_193 = tpu.vector_load %arg7[%get3A_190, %get3A_191, %get3A_192] {strides = array<i32>} : memref<2x3200x16xf32, #tpu.memory_space<vmem>>, vector<1x1x16xf32>,
        %get3A_194 = vector.shape_cast %get3A_193 : vector<1x1x16xf32> to vector<16xf32>
        %add3A_195 = arith.addf %add3A_150, %get3A_194 : vector<16xf32>
        %add3A_196 = arith.constant 1536 : i32
        %add3A_197 = arith.addi %add3A_196, %scan3A_85 : i32
        %get3A_198 = arith.constant 1 : i32
        %get3A_199 = arith.index_cast %get3A_198 : i32 to index
        %get3A_200 = arith.index_cast %add3A_197 : i32 to index
        %get3A_201 = arith.constant 0 : index
        %get3A_202 = tpu.vector_load %arg7[%get3A_199, %get3A_200, %get3A_201] {strides = array<i32>} : memref<2x3200x16xf32, #tpu.memory_space<vmem>>, vector<1x1x16xf32>,
        %get3A_203 = vector.shape_cast %get3A_202 : vector<1x1x16xf32> to vector<16xf32>
        %add3A_204 = arith.addf %add3A_159, %get3A_203 : vector<16xf32>
        %add3A_205 = arith.constant 1664 : i32
        %add3A_206 = arith.addi %add3A_205, %scan3A_85 : i32
        %get3A_207 = arith.constant 1 : i32
        %get3A_208 = arith.index_cast %get3A_207 : i32 to index
        %get3A_209 = arith.index_cast %add3A_206 : i32 to index
        %get3A_210 = arith.constant 0 : index
        %get3A_211 = tpu.vector_load %arg7[%get3A_208, %get3A_209, %get3A_210] {strides = array<i32>} : memref<2x3200x16xf32, #tpu.memory_space<vmem>>, vector<1x1x16xf32>,
        %get3A_212 = vector.shape_cast %get3A_211 : vector<1x1x16xf32> to vector<16xf32>
        %add3A_213 = arith.addf %add3A_168, %get3A_212 : vector<16xf32>
        %add3A_214 = arith.constant 1792 : i32
        %add3A_215 = arith.addi %add3A_214, %scan3A_85 : i32
        %get3A_216 = arith.constant 1 : i32
        %get3A_217 = arith.index_cast %get3A_216 : i32 to index
        %get3A_218 = arith.index_cast %add3A_215 : i32 to index
        %get3A_219 = arith.constant 0 : index
        %get3A_220 = tpu.vector_load %arg7[%get3A_217, %get3A_218, %get3A_219] {strides = array<i32>} : memref<2x3200x16xf32, #tpu.memory_space<vmem>>, vector<1x1x16xf32>,
        %get3A_221 = vector.shape_cast %get3A_220 : vector<1x1x16xf32> to vector<16xf32>
        %add3A_222 = arith.addf %add3A_177, %get3A_221 : vector<16xf32>
        %add3A_223 = arith.constant 1920 : i32
        %add3A_224 = arith.addi %add3A_223, %scan3A_85 : i32
        %get3A_225 = arith.constant 1 : i32
        %get3A_226 = arith.index_cast %get3A_225 : i32 to index
        %get3A_227 = arith.index_cast %add3A_224 : i32 to index
        %get3A_228 = arith.constant 0 : index
        %get3A_229 = tpu.vector_load %arg7[%get3A_226, %get3A_227, %get3A_228] {strides = array<i32>} : memref<2x3200x16xf32, #tpu.memory_space<vmem>>, vector<1x1x16xf32>,
        %get3A_230 = vector.shape_cast %get3A_229 : vector<1x1x16xf32> to vector<16xf32>
        %add3A_231 = arith.addf %add3A_186, %get3A_230 : vector<16xf32>
        %add3A_232 = arith.constant 2048 : i32
        %add3A_233 = arith.addi %add3A_232, %scan3A_85 : i32
        %get3A_234 = arith.constant 1 : i32
        %get3A_235 = arith.index_cast %get3A_234 : i32 to index
        %get3A_236 = arith.index_cast %add3A_233 : i32 to index
        %get3A_237 = arith.constant 0 : index
        %get3A_238 = tpu.vector_load %arg7[%get3A_235, %get3A_236, %get3A_237] {strides = array<i32>} : memref<2x3200x16xf32, #tpu.memory_space<vmem>>, vector<1x1x16xf32>,
        %get3A_239 = vector.shape_cast %get3A_238 : vector<1x1x16xf32> to vector<16xf32>
        %add3A_240 = arith.addf %add3A_195, %get3A_239 : vector<16xf32>
        %add3A_241 = arith.constant 2176 : i32
        %add3A_242 = arith.addi %add3A_241, %scan3A_85 : i32
        %get3A_243 = arith.constant 1 : i32
        %get3A_244 = arith.index_cast %get3A_243 : i32 to index
        %get3A_245 = arith.index_cast %add3A_242 : i32 to index
        %get3A_246 = arith.constant 0 : index
        %get3A_247 = tpu.vector_load %arg7[%get3A_244, %get3A_245, %get3A_246] {strides = array<i32>} : memref<2x3200x16xf32, #tpu.memory_space<vmem>>, vector<1x1x16xf32>,
        %get3A_248 = vector.shape_cast %get3A_247 : vector<1x1x16xf32> to vector<16xf32>
        %add3A_249 = arith.addf %add3A_204, %get3A_248 : vector<16xf32>
        %add3A_250 = arith.constant 2304 : i32
        %add3A_251 = arith.addi %add3A_250, %scan3A_85 : i32
        %get3A_252 = arith.constant 1 : i32
        %get3A_253 = arith.index_cast %get3A_252 : i32 to index
        %get3A_254 = arith.index_cast %add3A_251 : i32 to index
        %get3A_255 = arith.constant 0 : index
        %get3A_256 = tpu.vector_load %arg7[%get3A_253, %get3A_254, %get3A_255] {strides = array<i32>} : memref<2x3200x16xf32, #tpu.memory_space<vmem>>, vector<1x1x16xf32>,
        %get3A_257 = vector.shape_cast %get3A_256 : vector<1x1x16xf32> to vector<16xf32>
        %add3A_258 = arith.addf %add3A_213, %get3A_257 : vector<16xf32>
        %add3A_259 = arith.constant 2432 : i32
        %add3A_260 = arith.addi %add3A_259, %scan3A_85 : i32
        %get3A_261 = arith.constant 1 : i32
        %get3A_262 = arith.index_cast %get3A_261 : i32 to index
        %get3A_263 = arith.index_cast %add3A_260 : i32 to index
        %get3A_264 = arith.constant 0 : index
        %get3A_265 = tpu.vector_load %arg7[%get3A_262, %get3A_263, %get3A_264] {strides = array<i32>} : memref<2x3200x16xf32, #tpu.memory_space<vmem>>, vector<1x1x16xf32>,
        %get3A_266 = vector.shape_cast %get3A_265 : vector<1x1x16xf32> to vector<16xf32>
        %add3A_267 = arith.addf %add3A_222, %get3A_266 : vector<16xf32>
        %add3A_268 = arith.constant 2560 : i32
        %add3A_269 = arith.addi %add3A_268, %scan3A_85 : i32
        %get3A_270 = arith.constant 1 : i32
        %get3A_271 = arith.index_cast %get3A_270 : i32 to index
        %get3A_272 = arith.index_cast %add3A_269 : i32 to index
        %get3A_273 = arith.constant 0 : index
        %get3A_274 = tpu.vector_load %arg7[%get3A_271, %get3A_272, %get3A_273] {strides = array<i32>} : memref<2x3200x16xf32, #tpu.memory_space<vmem>>, vector<1x1x16xf32>,
        %get3A_275 = vector.shape_cast %get3A_274 : vector<1x1x16xf32> to vector<16xf32>
        %add3A_276 = arith.addf %add3A_231, %get3A_275 : vector<16xf32>
        %add3A_277 = arith.constant 2688 : i32
        %add3A_278 = arith.addi %add3A_277, %scan3A_85 : i32
        %get3A_279 = arith.constant 1 : i32
        %get3A_280 = arith.index_cast %get3A_279 : i32 to index
        %get3A_281 = arith.index_cast %add3A_278 : i32 to index
        %get3A_282 = arith.constant 0 : index
        %get3A_283 = tpu.vector_load %arg7[%get3A_280, %get3A_281, %get3A_282] {strides = array<i32>} : memref<2x3200x16xf32, #tpu.memory_space<vmem>>, vector<1x1x16xf32>,
        %get3A_284 = vector.shape_cast %get3A_283 : vector<1x1x16xf32> to vector<16xf32>
        %add3A_285 = arith.addf %add3A_240, %get3A_284 : vector<16xf32>
        %add3A_286 = arith.constant 2816 : i32
        %add3A_287 = arith.addi %add3A_286, %scan3A_85 : i32
        %get3A_288 = arith.constant 1 : i32
        %get3A_289 = arith.index_cast %get3A_288 : i32 to index
        %get3A_290 = arith.index_cast %add3A_287 : i32 to index
        %get3A_291 = arith.constant 0 : index
        %get3A_292 = tpu.vector_load %arg7[%get3A_289, %get3A_290, %get3A_291] {strides = array<i32>} : memref<2x3200x16xf32, #tpu.memory_space<vmem>>, vector<1x1x16xf32>,
        %get3A_293 = vector.shape_cast %get3A_292 : vector<1x1x16xf32> to vector<16xf32>
        %add3A_294 = arith.addf %add3A_249, %get3A_293 : vector<16xf32>
        %add3A_295 = arith.constant 2944 : i32
        %add3A_296 = arith.addi %add3A_295, %scan3A_85 : i32
        %get3A_297 = arith.constant 1 : i32
        %get3A_298 = arith.index_cast %get3A_297 : i32 to index
        %get3A_299 = arith.index_cast %add3A_296 : i32 to index
        %get3A_300 = arith.constant 0 : index
        %get3A_301 = tpu.vector_load %arg7[%get3A_298, %get3A_299, %get3A_300] {strides = array<i32>} : memref<2x3200x16xf32, #tpu.memory_space<vmem>>, vector<1x1x16xf32>,
        %get3A_302 = vector.shape_cast %get3A_301 : vector<1x1x16xf32> to vector<16xf32>
        %add3A_303 = arith.addf %add3A_258, %get3A_302 : vector<16xf32>
        %add3A_304 = arith.constant 3072 : i32
        %add3A_305 = arith.addi %add3A_304, %scan3A_85 : i32
        %get3A_306 = arith.constant 1 : i32
        %get3A_307 = arith.index_cast %get3A_306 : i32 to index
        %get3A_308 = arith.index_cast %add3A_305 : i32 to index
        %get3A_309 = arith.constant 0 : index
        %get3A_310 = tpu.vector_load %arg7[%get3A_307, %get3A_308, %get3A_309] {strides = array<i32>} : memref<2x3200x16xf32, #tpu.memory_space<vmem>>, vector<1x1x16xf32>,
        %get3A_311 = vector.shape_cast %get3A_310 : vector<1x1x16xf32> to vector<16xf32>
        %add3A_312 = arith.addf %add3A_267, %get3A_311 : vector<16xf32>
        %add3A_313 = arith.addf %add3A_276, %add3A_285 : vector<16xf32>
        %add3A_314 = arith.addf %add3A_294, %add3A_303 : vector<16xf32>
        %add3A_315 = arith.addf %add3A_313, %add3A_314 : vector<16xf32>
        %add3A_316 = arith.addf %add3A_315, %add3A_312 : vector<16xf32>
        %get3A_317 = arith.index_cast %scan3A_85 : i32 to index
        %get3A_318 = arith.constant 0 : index
        %get3A_319 = tpu.vector_load %arg8[%get3A_317, %get3A_318] {strides = array<i32>} : memref<128x16xf32, #tpu.memory_space<vmem>>, vector<1x16xf32>,
        %get3A_320 = vector.shape_cast %get3A_319 : vector<1x16xf32> to vector<16xf32>
        %add3A_321 = arith.addf %get3A_320, %add3A_316 : vector<16xf32>
        %swap3A_322 = arith.index_cast %scan3A_85 : i32 to index
        %swap3A_323 = arith.constant 0 : index
        %swap3A_324 = tpu.vector_load %arg8[%swap3A_322, %swap3A_323] {strides = array<i32>} : memref<128x16xf32, #tpu.memory_space<vmem>>, vector<1x16xf32>,
        %swap3A_325 = vector.shape_cast %swap3A_324 : vector<1x16xf32> to vector<16xf32>
        %swap3A_326 = vector.shape_cast %add3A_321 : vector<16xf32> to vector<1x16xf32>
        tpu.vector_store %arg8[%swap3A_322, %swap3A_323], %swap3A_326 {strides = array<i32>} : memref<128x16xf32, #tpu.memory_space<vmem>>, vector<1x16xf32>,
      }
      %scan3A_84 = arith.constant 128 : i32
    }
    %scan3A_31 = arith.constant 4 : i32
    "tpu.region"() ({
      %run_scoped3A = tpu.sem_alloc : memref<!tpu.dma_semaphore, #tpu.memory_space<semaphore_mem>>
      %dma_start3A = arith.constant 0 : i32
      %dma_start3A_32 = tpu.memref_slice %arg5[%multiple_of3A, %dma_start3A] : memref<4096x16xf32, #tpu.memory_space<hbm>> -> memref<128x16xf32, #tpu.memory_space<hbm>>
      %dma_start3A_33 = arith.constant 0 : i32
      %dma_start3A_34 = tpu.memref_slice %arg5[%multiple_of3A, %dma_start3A_33] : memref<4096x16xf32, #tpu.memory_space<hbm>> -> memref<128x16xf32, #tpu.memory_space<hbm>>
      tpu.enqueue_dma source(%arg8 : memref<128x16xf32, #tpu.memory_space<vmem>>) target(%dma_start3A_34 : memref<128x16xf32, #tpu.memory_space<hbm>>) target_semaphore(%run_scoped3A : memref<!tpu.dma_semaphore, #tpu.memory_space<semaphore_mem>>)
      %dma_wait3A = arith.constant 0 : i32
      %dma_wait3A_35 = tpu.memref_slice %arg5[%multiple_of3A, %dma_wait3A] : memref<4096x16xf32, #tpu.memory_space<hbm>> -> memref<128x16xf32, #tpu.memory_space<hbm>>
      %dma_wait3A_36 = arith.constant 0 : i32
      %dma_wait3A_37 = tpu.memref_slice %arg5[%multiple_of3A, %dma_wait3A_36] : memref<4096x16xf32, #tpu.memory_space<hbm>> -> memref<128x16xf32, #tpu.memory_space<hbm>>
      tpu.wait_dma2 semaphore(%run_scoped3A : memref<!tpu.dma_semaphore, #tpu.memory_space<semaphore_mem>>) src(%arg8 : memref<128x16xf32, #tpu.memory_space<vmem>>) dst(%dma_wait3A_37 : memref<128x16xf32, #tpu.memory_space<hbm>>)
      tpu.yield
    }) : () -> ()
    return
  }
}

module attributes {stable_mosaic.version = 14 : i64} {
  func.func @_tc_table_body(%arg0: i32, %arg1: memref<32x3200xf32, #tpu.memory_space<vmem>>, %arg2: memref<32x3200xf32, #tpu.memory_space<vmem>>, %arg3: memref<32x3200xf32, #tpu.memory_space<vmem>>, %arg4: memref<32x3200xf32, #tpu.memory_space<vmem>>, %arg5: memref<32x3200xf32, #tpu.memory_space<vmem>>, %arg6: memref<32x3200xf32, #tpu.memory_space<vmem>>, %arg7: memref<32x3200xf32, #tpu.memory_space<vmem>>, %arg8: memref<32x3200xf32, #tpu.memory_space<vmem>>, %arg9: memref<32x6xf32, #tpu.memory_space<vmem>>, %arg10: memref<3200x128xf32, #tpu.memory_space<vmem>>) attributes {dimension_semantics = [#tpu.dimension_semantics<arbitrary>], iteration_bounds = array<i64: 4>, scalar_prefetch = 0 : i64, scratch_operands = 0 : i64, tpu.core_type = #tpu.core_type<tc>, window_params = [{transform_indices = @transform_0, window_bounds = array<i64: 32, 3200>}, {transform_indices = @transform_1, window_bounds = array<i64: 32, 3200>}, {transform_indices = @transform_2, window_bounds = array<i64: 32, 3200>}, {transform_indices = @transform_3, window_bounds = array<i64: 32, 3200>}, {transform_indices = @transform_4, window_bounds = array<i64: 32, 3200>}, {transform_indices = @transform_5, window_bounds = array<i64: 32, 3200>}, {transform_indices = @transform_6, window_bounds = array<i64: 32, 3200>}, {transform_indices = @transform_7, window_bounds = array<i64: 32, 3200>}, {pipeline_mode = #tpu.pipeline_mode<synchronous>, transform_indices = @transform_8, window_bounds = array<i64: 32, 6>}, {transform_indices = @transform_9, window_bounds = array<i64: 3200, 128>}]} {
    %get3A = arith.constant 0 : index
    %get3A_0 = arith.constant 0 : index
    %get3A_1 = vector.load %arg9[%get3A, %get3A_0] : memref<32x6xf32, #tpu.memory_space<vmem>>, vector<32x6xf32>
    %jit3A = arith.constant 0 : i32
    %convert_element_type3A = arith.sitofp %jit3A : i32 to f32
    %pad3A = vector.broadcast %convert_element_type3A : f32 to vector<32x10xf32>
    %pad3A_2 = tpu.concatenate %get3A_1, %pad3A in 1 : vector<32x6xf32>, vector<32x10xf32> -> vector<32x16xf32>
    %mul3A = arith.constant 5.000000e-03 : f32
    %mul3A_3 = vector.broadcast %mul3A : f32 to vector<32x16xf32>
    %mul3A_4 = arith.mulf %pad3A_2, %mul3A_3 : vector<32x16xf32>
    %jit3A_5 = arith.constant 0 : i32
    %convert_element_type3A_6 = arith.sitofp %jit3A_5 : i32 to f32
    %pad3A_7 = vector.broadcast %convert_element_type3A_6 : f32 to vector<32x112xf32>
    %pad3A_8 = tpu.concatenate %mul3A_4, %pad3A_7 in 1 : vector<32x16xf32>, vector<32x112xf32> -> vector<32x128xf32>
    %jit3A_9 = arith.constant 0 : i32
    %convert_element_type3A_10 = arith.sitofp %jit3A_9 : i32 to f32
    %pad3A_11 = vector.broadcast %convert_element_type3A_10 : f32 to vector<32x16xf32>
    %pad3A_12 = tpu.concatenate %pad3A_11, %mul3A_4 in 1 : vector<32x16xf32>, vector<32x16xf32> -> vector<32x32xf32>
    %pad3A_13 = vector.broadcast %convert_element_type3A_10 : f32 to vector<32x96xf32>
    %pad3A_14 = tpu.concatenate %pad3A_12, %pad3A_13 in 1 : vector<32x32xf32>, vector<32x96xf32> -> vector<32x128xf32>
    %jit3A_15 = arith.constant 0 : i32
    %convert_element_type3A_16 = arith.sitofp %jit3A_15 : i32 to f32
    %pad3A_17 = vector.broadcast %convert_element_type3A_16 : f32 to vector<32x32xf32>
    %pad3A_18 = tpu.concatenate %pad3A_17, %mul3A_4 in 1 : vector<32x32xf32>, vector<32x16xf32> -> vector<32x48xf32>
    %pad3A_19 = vector.broadcast %convert_element_type3A_16 : f32 to vector<32x80xf32>
    %pad3A_20 = tpu.concatenate %pad3A_18, %pad3A_19 in 1 : vector<32x48xf32>, vector<32x80xf32> -> vector<32x128xf32>
    %jit3A_21 = arith.constant 0 : i32
    %convert_element_type3A_22 = arith.sitofp %jit3A_21 : i32 to f32
    %pad3A_23 = vector.broadcast %convert_element_type3A_22 : f32 to vector<32x48xf32>
    %pad3A_24 = tpu.concatenate %pad3A_23, %mul3A_4 in 1 : vector<32x48xf32>, vector<32x16xf32> -> vector<32x64xf32>
    %pad3A_25 = vector.broadcast %convert_element_type3A_22 : f32 to vector<32x64xf32>
    %pad3A_26 = tpu.concatenate %pad3A_24, %pad3A_25 in 1 : vector<32x64xf32>, vector<32x64xf32> -> vector<32x128xf32>
    %jit3A_27 = arith.constant 0 : i32
    %convert_element_type3A_28 = arith.sitofp %jit3A_27 : i32 to f32
    %pad3A_29 = vector.broadcast %convert_element_type3A_28 : f32 to vector<32x64xf32>
    %pad3A_30 = tpu.concatenate %pad3A_29, %mul3A_4 in 1 : vector<32x64xf32>, vector<32x16xf32> -> vector<32x80xf32>
    %pad3A_31 = vector.broadcast %convert_element_type3A_28 : f32 to vector<32x48xf32>
    %pad3A_32 = tpu.concatenate %pad3A_30, %pad3A_31 in 1 : vector<32x80xf32>, vector<32x48xf32> -> vector<32x128xf32>
    %jit3A_33 = arith.constant 0 : i32
    %convert_element_type3A_34 = arith.sitofp %jit3A_33 : i32 to f32
    %pad3A_35 = vector.broadcast %convert_element_type3A_34 : f32 to vector<32x80xf32>
    %pad3A_36 = tpu.concatenate %pad3A_35, %mul3A_4 in 1 : vector<32x80xf32>, vector<32x16xf32> -> vector<32x96xf32>
    %pad3A_37 = vector.broadcast %convert_element_type3A_34 : f32 to vector<32x32xf32>
    %pad3A_38 = tpu.concatenate %pad3A_36, %pad3A_37 in 1 : vector<32x96xf32>, vector<32x32xf32> -> vector<32x128xf32>
    %jit3A_39 = arith.constant 0 : i32
    %convert_element_type3A_40 = arith.sitofp %jit3A_39 : i32 to f32
    %pad3A_41 = vector.broadcast %convert_element_type3A_40 : f32 to vector<32x96xf32>
    %pad3A_42 = tpu.concatenate %pad3A_41, %mul3A_4 in 1 : vector<32x96xf32>, vector<32x16xf32> -> vector<32x112xf32>
    %pad3A_43 = vector.broadcast %convert_element_type3A_40 : f32 to vector<32x16xf32>
    %pad3A_44 = tpu.concatenate %pad3A_42, %pad3A_43 in 1 : vector<32x112xf32>, vector<32x16xf32> -> vector<32x128xf32>
    %jit3A_45 = arith.constant 0 : i32
    %convert_element_type3A_46 = arith.sitofp %jit3A_45 : i32 to f32
    %pad3A_47 = vector.broadcast %convert_element_type3A_46 : f32 to vector<32x112xf32>
    %pad3A_48 = tpu.concatenate %pad3A_47, %mul3A_4 in 1 : vector<32x112xf32>, vector<32x16xf32> -> vector<32x128xf32>
    %concatenate3A = tpu.concatenate %pad3A_8, %pad3A_14, %pad3A_20, %pad3A_26, %pad3A_32, %pad3A_38, %pad3A_44, %pad3A_48 in 0 : vector<32x128xf32>, vector<32x128xf32>, vector<32x128xf32>, vector<32x128xf32>, vector<32x128xf32>, vector<32x128xf32>, vector<32x128xf32>, vector<32x128xf32> -> vector<256x128xf32>
    %get3A_49 = arith.constant 0 : index
    %get3A_50 = arith.constant 0 : index
    %get3A_51 = vector.load %arg1[%get3A_49, %get3A_50] : memref<32x3200xf32, #tpu.memory_space<vmem>>, vector<32x3200xf32>
    %get3A_52 = arith.constant 0 : index
    %get3A_53 = arith.constant 0 : index
    %get3A_54 = vector.load %arg2[%get3A_52, %get3A_53] : memref<32x3200xf32, #tpu.memory_space<vmem>>, vector<32x3200xf32>
    %get3A_55 = arith.constant 0 : index
    %get3A_56 = arith.constant 0 : index
    %get3A_57 = vector.load %arg3[%get3A_55, %get3A_56] : memref<32x3200xf32, #tpu.memory_space<vmem>>, vector<32x3200xf32>
    %get3A_58 = arith.constant 0 : index
    %get3A_59 = arith.constant 0 : index
    %get3A_60 = vector.load %arg4[%get3A_58, %get3A_59] : memref<32x3200xf32, #tpu.memory_space<vmem>>, vector<32x3200xf32>
    %get3A_61 = arith.constant 0 : index
    %get3A_62 = arith.constant 0 : index
    %get3A_63 = vector.load %arg5[%get3A_61, %get3A_62] : memref<32x3200xf32, #tpu.memory_space<vmem>>, vector<32x3200xf32>
    %get3A_64 = arith.constant 0 : index
    %get3A_65 = arith.constant 0 : index
    %get3A_66 = vector.load %arg6[%get3A_64, %get3A_65] : memref<32x3200xf32, #tpu.memory_space<vmem>>, vector<32x3200xf32>
    %get3A_67 = arith.constant 0 : index
    %get3A_68 = arith.constant 0 : index
    %get3A_69 = vector.load %arg7[%get3A_67, %get3A_68] : memref<32x3200xf32, #tpu.memory_space<vmem>>, vector<32x3200xf32>
    %get3A_70 = arith.constant 0 : index
    %get3A_71 = arith.constant 0 : index
    %get3A_72 = vector.load %arg8[%get3A_70, %get3A_71] : memref<32x3200xf32, #tpu.memory_space<vmem>>, vector<32x3200xf32>
    %concatenate3A_73 = tpu.concatenate %get3A_51, %get3A_54, %get3A_57, %get3A_60, %get3A_63, %get3A_66, %get3A_69, %get3A_72 in 0 : vector<32x3200xf32>, vector<32x3200xf32>, vector<32x3200xf32>, vector<32x3200xf32>, vector<32x3200xf32>, vector<32x3200xf32>, vector<32x3200xf32>, vector<32x3200xf32> -> vector<256x3200xf32>
    %dot_general3A = arith.constant dense<0.000000e+00> : vector<3200x128xf32>
    %dot_general3A_74 = tpu.matmul %concatenate3A_73, %concatenate3A, %dot_general3A {dimension_numbers = #tpu.dot_dimension_numbers<[0], [0], [1], [1], [0, 1, 1, 1], [], []>, transpose_lhs_hint = true} : vector<256x3200xf32>, vector<256x128xf32>, vector<3200x128xf32> -> vector<3200x128xf32>
    %swap3A = arith.constant 0 : index
    %swap3A_75 = arith.constant 0 : index
    %swap3A_76 = vector.load %arg10[%swap3A, %swap3A_75] : memref<3200x128xf32, #tpu.memory_space<vmem>>, vector<3200x128xf32>
    tpu.vector_store %arg10[%swap3A, %swap3A_75], %dot_general3A_74 {strides = array<i32>} : memref<3200x128xf32, #tpu.memory_space<vmem>>, vector<3200x128xf32>,
    return
  }
  func.func @transform_0(%arg0: i32) -> (i32, i32) {
    %add3A = arith.constant 0 : i32
    %add3A_0 = arith.addi %add3A, %arg0 : i32
    %c0_i32 = arith.constant 0 : i32
    %c0_i32_1 = arith.constant 0 : i32
    return %c0_i32, %add3A_0 : i32, i32
  }
  func.func @transform_1(%arg0: i32) -> (i32, i32) {
    %add3A = arith.constant 4 : i32
    %add3A_0 = arith.addi %add3A, %arg0 : i32
    %c0_i32 = arith.constant 0 : i32
    %c0_i32_1 = arith.constant 0 : i32
    return %c0_i32, %add3A_0 : i32, i32
  }
  func.func @transform_2(%arg0: i32) -> (i32, i32) {
    %add3A = arith.constant 8 : i32
    %add3A_0 = arith.addi %add3A, %arg0 : i32
    %c0_i32 = arith.constant 0 : i32
    %c0_i32_1 = arith.constant 0 : i32
    return %c0_i32, %add3A_0 : i32, i32
  }
  func.func @transform_3(%arg0: i32) -> (i32, i32) {
    %add3A = arith.constant 12 : i32
    %add3A_0 = arith.addi %add3A, %arg0 : i32
    %c0_i32 = arith.constant 0 : i32
    %c0_i32_1 = arith.constant 0 : i32
    return %c0_i32, %add3A_0 : i32, i32
  }
  func.func @transform_4(%arg0: i32) -> (i32, i32) {
    %add3A = arith.constant 16 : i32
    %add3A_0 = arith.addi %add3A, %arg0 : i32
    %c0_i32 = arith.constant 0 : i32
    %c0_i32_1 = arith.constant 0 : i32
    return %c0_i32, %add3A_0 : i32, i32
  }
  func.func @transform_5(%arg0: i32) -> (i32, i32) {
    %add3A = arith.constant 20 : i32
    %add3A_0 = arith.addi %add3A, %arg0 : i32
    %c0_i32 = arith.constant 0 : i32
    %c0_i32_1 = arith.constant 0 : i32
    return %c0_i32, %add3A_0 : i32, i32
  }
  func.func @transform_6(%arg0: i32) -> (i32, i32) {
    %add3A = arith.constant 24 : i32
    %add3A_0 = arith.addi %add3A, %arg0 : i32
    %c0_i32 = arith.constant 0 : i32
    %c0_i32_1 = arith.constant 0 : i32
    return %c0_i32, %add3A_0 : i32, i32
  }
  func.func @transform_7(%arg0: i32) -> (i32, i32) {
    %add3A = arith.constant 28 : i32
    %add3A_0 = arith.addi %add3A, %arg0 : i32
    %c0_i32 = arith.constant 0 : i32
    %c0_i32_1 = arith.constant 0 : i32
    return %c0_i32, %add3A_0 : i32, i32
  }
  func.func @transform_8(%arg0: i32) -> (i32, i32) {
    %c0_i32 = arith.constant 0 : i32
    %c0_i32_0 = arith.constant 0 : i32
    %c0_i32_1 = arith.constant 0 : i32
    return %c0_i32, %c0_i32_0 : i32, i32
  }
  func.func @transform_9(%arg0: i32) -> (i32, i32) {
    %c0_i32 = arith.constant 0 : i32
    %c0_i32_0 = arith.constant 0 : i32
    return %arg0, %c0_i32 : i32, i32
  }
}

</mosaic_0001>

<sc_bundles>
// kernel: kernel.4.cloned.1.call-start
scs
__scs_entry_jumppad:
0x0: {  	(pc) =	sbr.rel $0x88, $3  }
0x1: {  	(tag) =	ssettag $0x0;
	lr =	simm.s32 $0x1  }
0x2: {  	[smem:$0x3F9D] =	sst lr;
	_ =	strace $0xD0000000  }
0x3: {  	_ = 	snop  }
0x4: {  	_ = 	snop  }
0x5: {  	_ = 	snop  }
0x6: {  	_ = 	snop  }
0x7: {  	_ = 	snop  }
__scs_overlays_trampoline_lowered:
0x8: {  	[smem:$0x3FAC] =	sst s0  }
0x9: {  	[smem:$0x3FAD] =	sst s1  }
0xa: {  	[smem:$0x3FAE] =	sst s2  }
0xb: {  	[smem:$0x3FAF] =	sst s3  }
0xc: {  	[smem:$0x3FB0] =	sst s4  }
0xd: {  	[smem:$0x3FB1] =	sst s5  }
0xe: {  	[smem:$0x3FB2] =	sst s6  }
0xf: {  	[smem:$0x3FB3] =	sst s7  }
0x10: {  	[smem:$0x3FB4] =	sst s8  }
0x11: {  	[smem:$0x3FB5] =	sst s9;
	s0 =	simm.s32 @!p0 $0x0  }
0x12: {  	s1 =	sld [smem:$0x3F9B];
	s0 =	simm.s32 @p0 $0x1  }
0x13: {  	[smem:$0x3FB6] =	sst s0;
	s0 =	simm.s32 @!p1 $0x0  }
0x14: {  	s2 =	sld [smem:$0x3F9A];
	s0 =	simm.s32 @p1 $0x1  }
0x15: {  	[smem:$0x3FB7] =	sst s0;
	s0 =	simm.s32 @!p2 $0x0  }
0x16: {  	s3 =	sld [smem:$0x3FDB];
	s0 =	simm.s32 @p2 $0x1  }
0x17: {  	s4 =	simm.s32 $0x1BF5;
	[smem:$0x3FB9] =	sst s0  }
0x18: {  	s0 =	sld [smem:$0x3F9C];
	_ =	swait.ge [sflag:s4], $0x0  }
0x19: {  	s7 =	sld [smem:$0x3F9D]  }
0x1a: {  	s8 =	sadd.s32 $0xFFFFE003, lr  }
0x1b: {  	s9 =	sadd.s32 $0xFFFFFEF7, lr;
	s5 =	simm.s32 $0xFFFFFFFF;
	p2 =	slt.u32 s8, $0xFFFFF086  }
0x1c: {  	p1 =	slt.u32 s9, $0xF7A;
	s5 =	simm.s32 @!p2 $0x0  }
0x1d: {  	s5 =	simm.s32 @p1 $0x1;
	p0 =	seq.s32 s7, s2  }
0x1e: {  	s7 =	smul.u32 @!p0 $0xF7A, s2;
	p2 =	seq.s32 @!p0 s5, $0x0  }
0x1f: {  	s9 =	smul.u32 $0xF7A, s1;
	s8 =	simm.s32 @!p0 $0x1BF5;
	p2 =	por !p2, p0  }
0x20: {  	[sflag:s8] =	ssyncset.s32 @!p0 $0xFFFFF086;
	s6 =	sadd.s32 @!p0 s3, s7;
	s7 =	simm.s32 @!p0 $0x108  }
0x21: {  	s3 =	sadd.s32 s3, s9;
	s6 =	sadd.s32 @!p0 $0x88, s6;
	s7 =	simm.s32 @p2 $0x1082  }
0x22: {  	[simem:s7], [sflag:s8] =	dma.local @!p0 [hbm:s6], $0xF7A  }
0x23: {  	s9 =	sor.u32 $0xD0000000, s2;
	s6 =	simm.s32 $0x108;
	_ =	swait.ge @!p0 [sflag:s8], $0x0  }
0x24: {  	s3 =	sadd.s32 $0x88, s3;
	s6 =	simm.s32 @!p1 $0x1082;
	[sflag:s4] =	ssyncset.s32 $0xFFFFF086  }
0x25: {  	[simem:s6], [sflag:s4] =	dma.local [hbm:s3], $0xF7A  }
0x26: {  	[smem:$0x3F9D] =	sst s1;
	(tag) =	ssettag s2;
	_ =	strace s9  }
0x27: {  	s1 =	sld [smem:$0x3FAD]  }
0x28: {  	s2 =	sld [smem:$0x3FAE]  }
0x29: {  	s4 =	sld [smem:$0x3FB0]  }
0x2a: {  	p0 =	seq.s32 s5, $0x0;
	s5 =	sld [smem:$0x3FB1]  }
0x2b: {  	s6 =	sld [smem:$0x3FB2]  }
0x2c: {  	s7 =	sld [smem:$0x3FB3]  }
0x2d: {  	s3 =	simm.s32 $0x108;
	s8 =	sld [smem:$0x3FB4]  }
0x2e: {  	s3 =	simm.s32 @!p0 $0x1082;
	s9 =	sld [smem:$0x3FB5]  }
0x2f: {  	lr =	sadd.s32 s0, s3;
	s0 =	sld [smem:$0x3FAC]  }
0x30: {  	s3 =	sld [smem:$0x3FAF]  }
0x31: {  	[smem:$0x3FB8] =	sst s10  }
0x32: {  	s10 =	sld [smem:$0x3FB6];
	_ =	sdelay $0x3  }
0x33: {  	p0 =	seq.s32 s10, $0x1;
	s10 =	sld [smem:$0x3FB8];
	_ =	sdelay $0x3  }
0x34: {  	[smem:$0x3FB8] =	sst s10  }
0x35: {  	s10 =	sld [smem:$0x3FB7];
	_ =	sdelay $0x3  }
0x36: {  	p1 =	seq.s32 s10, $0x1;
	s10 =	sld [smem:$0x3FB8];
	_ =	sdelay $0x3  }
0x37: {  	[smem:$0x3FB8] =	sst s10  }
0x38: {  	s10 =	sld [smem:$0x3FB9]  }
0x39: {  	_ = 	snop;
	(pc) =	sbr.ind lr, $3  }
0x3a: {  	_ = 	snop  }
0x3b: {  	_ = 	snop  }
0x3c: {  	p2 =	seq.s32 s10, $0x1;
	s10 =	sld [smem:$0x3FB8]  }
0x3d: {  	_ =	shalt  }
0x3e: {  	_ =	shalt  }
0x3f: {  	_ =	shalt  }
0x40: {  	_ =	shalt  }
0x41: {  	_ =	shalt  }
0x42: {  	_ =	shalt  }
0x43: {  	_ =	shalt  }
0x44: {  	_ =	shalt  }
0x45: {  	_ =	shalt  }
0x46: {  	_ =	shalt  }
0x47: {  	_ =	shalt  }
0x48: {  	_ =	shalt  }
0x49: {  	_ =	shalt  }
0x4a: {  	_ =	shalt  }
0x4b: {  	_ =	shalt  }
0x4c: {  	_ =	shalt  }
0x4d: {  	_ =	shalt  }
0x4e: {  	_ =	shalt  }
0x4f: {  	_ =	shalt  }
0x50: {  	_ =	shalt  }
0x51: {  	_ =	shalt  }
0x52: {  	_ =	shalt  }
0x53: {  	_ =	shalt  }
0x54: {  	_ =	shalt  }
0x55: {  	_ =	shalt  }
0x56: {  	_ =	shalt  }
0x57: {  	_ =	shalt  }
0x58: {  	_ =	shalt  }
0x59: {  	_ =	shalt  }
0x5a: {  	_ =	shalt  }
0x5b: {  	_ =	shalt  }
0x5c: {  	_ =	shalt  }
0x5d: {  	_ =	shalt  }
0x5e: {  	_ =	shalt  }
0x5f: {  	_ =	shalt  }
0x60: {  	_ =	shalt  }
0x61: {  	_ =	shalt  }
0x62: {  	_ =	shalt  }
0x63: {  	_ =	shalt  }
0x64: {  	_ =	shalt  }
0x65: {  	_ =	shalt  }
0x66: {  	_ =	shalt  }
0x67: {  	_ =	shalt  }
0x68: {  	_ =	shalt  }
0x69: {  	_ =	shalt  }
0x6a: {  	_ =	shalt  }
0x6b: {  	_ =	shalt  }
0x6c: {  	_ =	shalt  }
0x6d: {  	_ =	shalt  }
0x6e: {  	_ =	shalt  }
0x6f: {  	_ =	shalt  }
0x70: {  	_ =	shalt  }
0x71: {  	_ =	shalt  }
0x72: {  	_ =	shalt  }
0x73: {  	_ =	shalt  }
0x74: {  	_ =	shalt  }
0x75: {  	_ =	shalt  }
0x76: {  	_ =	shalt  }
0x77: {  	_ =	shalt  }
0x78: {  	_ =	shalt  }
0x79: {  	_ =	shalt  }
0x7a: {  	_ =	shalt  }
0x7b: {  	_ =	shalt  }
0x7c: {  	_ =	shalt  }
0x7d: {  	_ =	shalt  }
0x7e: {  	_ =	shalt  }
0x7f: {  	_ =	shalt  }
0x80: {  	_ =	shalt  }
0x81: {  	_ =	shalt  }
0x82: {  	_ =	shalt  }
0x83: {  	_ =	shalt  }
0x84: {  	_ =	shalt  }
0x85: {  	_ =	shalt  }
0x86: {  	_ =	shalt  }
0x87: {  	_ =	shalt  }
.Lfunc_end0:
.L_simem_size_0:
called_computation_lowered:
.L_overlay_start_0:
0x88: {  	s2 =	sld [smem:$0x3FD9]  }
0x89: {  	s3 =	sld [smem:$0x3FFE];
	_ =	sdelay $0x1  }
0x8a: {  	s1 =	srdreg.scid  }
0x8b: {  	s0 =	sand.u32 $0x1, s1  }
0x8c: {  	s17 =	sshll.u32 s0, $0xA;
	s2 =	sadd.s32 s3, s2  }
0x8d: {  	s2 =	sadd.s32 s2, s17  }
0x8e: {  	[smem:$0x3FC4] =	sst s2  }
0x8f: {  	_ = 	snop  }
0x90: {  	s2 =	sld [smem:$0x3FC9]  }
0x91: {  	s18 =	sld [smem:$0x3FC6];
	(tm) =	ssettm $0x1  }
0x92: {  	s4 =	sld [smem:$0x3FFB];
	_ =	sdelay $0x3  }
0x93: {  	_ =	strace s4  }
0x94: {  	s4 =	sld [smem:$0x3FFC];
	_ =	sdelay $0x3  }
0x95: {  	_ =	strace s4  }
0x96: {  	s4 =	sld [smem:$0x3FFD];
	_ =	sdelay $0x3  }
0x97: {  	_ =	strace s4  }
0x98: {  	_ =	strace $0x8FFFFFFF  }
0x99: {  	s19 =	sld [smem:$0x3FDB];
	_ =	sdelay $0x1  }
0x9a: {  	s5 =	simm.s32 $_scs_section_size  }
0x9b: {  	s6 =	simm.s32 $_size__tile_overlayer_lowered;
	s7 =	simm.s32 $_tile_overlayer_lowered  }
0x9c: {  	s22 =	simm.s32 $0x1BFF;
	s21 =	sshll.u32 s7, $0x1;
	s4 =	sadd.s32 s5, s19  }
0x9d: {  	s8 =	simm.s32 $0x0;
	s20 =	sshll.u32 s6, $0x1;
	s6 =	sadd.s32 s21, s4  }
0x9e: {  	[timem:s8], [sflag:s22] =	dma.local [hbm:s6], s20  }
0x9f: {  	_ =	swait.ge [sflag:s22], s20  }
0xa0: {  	s5 =	ssub.s32 $0x0, s20;
	[sflag:s22] =	ssyncset.done $0x0  }
0xa1: {  	[sflag:s22] =	ssyncadd.s32 s5;
	_ =	sdelay $0x1  }
0xa2: {  	s23 =	simm.s32 $0x1B8B  }
0xa3: {  	_ =	swait.ge [sflag:s23], $0x1  }
0xa4: {  	[sflag:s23] =	ssyncset.done $0x0  }
0xa5: {  	s25 =	simm.s32 $0x1B8E;
	s24 =	sld [smem:$0x3FFE];
	[sflag:s23] =	ssyncadd.s32 $0xFFFFFFFF  }
0xa6: {  	s26 =	simm.s32 $execute0_lowered;
	[smem:$0x3FD2] =	sst s25  }
0xa7: {  	s6 =	sshll.u32 s26, $0x1;
	_ =	strace $0x80000046;
	[dreg:$0x1] =	wrdreg $0xFFFFFFFF  }
0xa8: {  	s28 =	simm.s32 $_size_execute0_lowered;
	s4 =	sadd.s32 s4, s6;
	[dreg:$0x0] =	wrdreg $0x0  }
0xa9: {  	s6 =	sshll.u32 s28, $0x1;
	[dreg:$0x2] =	wrdreg s4  }
0xaa: {  	[dreg:$0x3] =	wrdreg s6  }
0xab: {  	[dreg:$0x4] =	wrdreg $0xC0  }
0xac: {  	_ =	task [dreg:s8], $0x5FFFF  }
0xad: {  	[dreg:$0x1] =	wrdreg $0xFFFFFFFF  }
0xae: {  	[dreg:$0x0] =	wrdreg $0x60  }
0xaf: {  	[dreg:$0x2] =	wrdreg s2  }
0xb0: {  	[dreg:$0x3] =	wrdreg s24  }
0xb1: {  	[dreg:$0x4] =	wrdreg s18  }
0xb2: {  	[dreg:$0x5] =	wrdreg $0x9  }
0xb3: {  	_ =	task.clear_ibuf [dreg:s8], $0x6FFFF;
	_ =	strace $0x90000046  }
0xb4: {  	s29 =	simm.s32 $0x9;
	_ =	strace $0x80000048  }
0xb5: {  	_ =	swait.ge [sflag:s29], $0x1  }
0xb6: {  	[sflag:s29] =	ssyncadd.s32 $0xFFFFFFFF  }
0xb7: {  	_ =	strace $0x90000048  }
0xb8: {  	_ =	sfence  }
0xb9: {  	s30 =	sld [smem:$0x0];
	_ =	sdelay $0x2  }
0xba: {  	s31 =	sshll.u32 s1, $0xD;
	s1 =	sshrl.u32 s1, $0x2  }
0xbb: {  	s3 =	sand.u32 $0x4000, s31;
	s1 =	sadd.s32 s1, s30  }
0xbc: {  	s0 =	sor.u32 s3, s0;
	s1 =	sshll.u32 s1, $0x11  }
0xbd: {  	s0 =	sor.u32 s1, s0  }
0xbe: {  	s0 =	sadd.s32 $0x8F2B, s0  }
0xbf: {  	[sflag:s0] =	ssyncadd.remote.s32 $0x1  }
0xc0: {  	_ =	sfence.sel $0xFFFF  }
0xc1: {  	[dreg:$0x0] =	wrdreg $0xFFFFFFFF;
	(pc) =	sbr.abs _section_cstart, $3  }
0xc2: {  	[dreg:$0x1] =	wrdreg $0xFFFFFFFF  }
0xc3: {  	_ =	task.clear_ibuf [dreg:s8], $0x2FFFF;
	_ =	strace $0x9FFFFFFF  }
0xc4: {  	(tm) =	ssettm $0x7FFFFFFF  }
0xc5: {  	_ =	shalt  }
tec
execute0_lowered:
.L_overlay_start_1:
0x0: {  	(tag) =	ssettag $0x1  }
0x1: {  	s5 =	rddreg [dreg:$0x0]  }
0x2: {  	s6 =	rddreg [dreg:$0x1]  }
0x3: {  	s1 =	rddreg [dreg:$0x2]  }
0x4: {  	s2 =	srdreg.scid;
	s0 =	rddreg [dreg:$0x3];
	s3 =	simm.s32 $0x0  }
0x5: {  	s11 =	simm.s32 $0x400;
	s12 =	simm.s32 $0x8000;
	s13 =	simm.s32 $0x80  }
0x6: {  	s14 =	simm.s32 $0x1000;
	s15 =	simm.s32 $0x1;
	s16 =	simm.s32 $0x2  }
0x7: {  	s17 =	simm.s32 $0x1F400;
	s18 =	simm.s32 $0x0;
	s7 =	sand.u32 $0x1, s2  }
0x8: {  	[smem:$0x7FF] =	sst s3;
	s2 =	stileid.u32;
	s4 =	sshll.u32 s7, $0x4  }
0x9: {  	_ =	strace $0x80000047;
	s7 =	ssub.s32 $0x2, s7;
	s8 =	sor.u32 s2, s4  }
0xa: {  	s4 =	sadd.s32 $0x800, s6;
	s10 =	sshrl.u32 s7, $0x1;
	s9 =	sshll.u32 s8, $0x7  }
0xb: {  	s8 =	sshll.u32 s8, $0x8;
	s31 =	ssub.s32 s7, s10;
	s10 =	simm.s32 $0x3  }
0xc: {  	s5 =	sadd.s32 s5, s9;
	s8 =	sadd.s32 s8, s6;
	s9 =	simm.s32 $0x1FC00  }
0xd: {  	v0 =	vimm.f32 $0.0e+00;
	s6 =	sadd.s32 $0x4000, s5;
	s7 =	sadd.s32 $0x32800, s8;
	s8 =	smax.u32 s31, $0x1  }
.LBB2_1:
0xe: {  	[tilespmem:$0x1FC00] =	vst v0  }
0xf: {  	[tilespmem:s9], [sflag:$0x3] =	stream.linear.gather [hbm4b:s1+s3], $0x6, $0x38;
	[tilespmem:$0x1FC10] =	vst v63  }
0x10: {  	_ =	swait.ge [sflag:s10], $0x6  }
0x11: {  	[sflag:s10] =	ssyncset.done $0x0  }
0x12: {  	[sflag:s10] =	ssyncadd.s32 $0xFFFFFFFA  }
0x13: {  	[tilespmem:s3], [sflag:$0x3] =	stream.strided.gather [hbm4b:s5+s11], $0x1000, s12, s11, $0x38;
	[tilespmem:$0x1FC10] =	vst v63  }
0x14: {  	s19 =	sand.u32 $0x3000, s3;
	_ =	swait.ge [sflag:s10], $0x1000  }
0x15: {  	s20 =	sand.u32 $0x380, s3;
	s19 =	sshrl.u32 s19, $0x2;
	[sflag:s10] =	ssyncset.done $0x0  }
0x16: {  	s19 =	sor.u32 s20, s19;
	[sflag:s10] =	ssyncadd.s32 $0xFFFFF000  }
0x17: {  	v5 =	vld [tilespmem:s19+$0x40];
	_ =	sdelay $0x2  }
0x18: {  	v9 =	vld [tilespmem:s19+$0x50]  }
0x19: {  	v3 =	vld [tilespmem:s19+$0x70]  }
0x1a: {  	v2 =	vcvt.s32.f32 v5  }
0x1b: {  	v1 =	vld [tilespmem:s19+$0x10]  }
0x1c: {  	v6 =	vadd.f32 $5.000000000e-01, v2  }
0x1d: {  	v4 =	vcvt.s32.f32 v9  }
0x1e: {  	v8 =	vcvt.s32.f32 v3;
	v6 =	vmul.f32 $7.812499830e-05, v6  }
0x1f: {  	v2 =	vld [tilespmem:s19+$0x0];
	v4 =	vadd.f32 $5.000000000e-01, v4  }
0x20: {  	v7 =	vcvt.s32.f32 v1;
	v10 =	vadd.f32 $5.000000000e-01, v8;
	v6 =	vtrunc.f32 v6  }
0x21: {  	v4 =	vmul.f32 $7.812499830e-05, v4;
	v11 =	vcvt.f32.s32 v6  }
0x22: {  	v13 =	vmul.f32 $7.812499830e-05, v10  }
0x23: {  	v4 =	vtrunc.f32 v4;
	v6 =	vadd.f32 $5.000000000e-01, v7;
	v12 =	vmul.u32 $0x1FFFCE00, v11  }
0x24: {  	v7 =	vcvt.s32.f32 v2;
	v8 =	vcvt.f32.s32 v4;
	v4 =	vld [tilespmem:s19+$0x60]  }
0x25: {  	v6 =	vmul.f32 $7.812499830e-05, v6;
	v12 =	vadd.s32 v5, v12;
	v5 =	vld [tilespmem:s19+$0x20]  }
0x26: {  	v13 =	vtrunc.f32 v13;
	v7 =	vadd.f32 $5.000000000e-01, v7  }
0x27: {  	v14 =	vmul.u32 $0x1FFFCE00, v8;
	v6 =	vtrunc.f32 v6;
	v12 =	vshll.u32 v12, $0x3  }
0x28: {  	v10 =	vmul.f32 $7.812499830e-05, v7;
	v7 =	vcvt.f32.s32 v6;
	v6 =	vld [tilespmem:s19+$0x30];
	v11 =	vor.u32 v11, v12  }
0x29: {  	s22 =	simm.s32 $0x200;
	s20 =	simm.s32 $0x0;
	v12 =	vcvt.s32.f32 v4;
	[tilespmem:s19+$0x40] =	vst v11;
	v11 =	vadd.s32 v9, v14;
	v9 =	vcvt.f32.s32 v13  }
.LBB2_2:
0x2a: {  	v10 =	vtrunc.f32 v10;
	v13 =	vcvt.s32.f32 v5;
	s21 =	smov.u32 s22  }
0x2b: {  	s23 =	sand.u32 $0x3000, s22;
	s20 =	sadd.s32 $0x80, s20;
	v11 =	vshll.u32 v11, $0x3;
	v15 =	vmul.u32 $0x1FFFCE00, v7;
	s21 =	sadd.s32 $0x200, s22;
	v12 =	vadd.f32 $5.000000000e-01, v12  }
0x2c: {  	p0 =	sne.s32 s22, $0x3000;
	s24 =	sand.u32 $0x380, s20;
	s23 =	sshrl.u32 s23, $0x2;
	v14 =	vmul.u32 $0x1FFFCE00, v9;
	v10 =	vcvt.f32.s32 v10;
	v8 =	vor.u32 v8, v11  }
0x2d: {  	s22 =	sor.u32 s24, s23;
	v13 =	vadd.f32 $5.000000000e-01, v13;
	v1 =	vadd.s32 v1, v15;
	v16 =	vcvt.s32.f32 v6  }
0x2e: {  	v3 =	vadd.s32 v3, v14;
	v1 =	vshll.u32 v1, $0x3;
	v11 =	vld [tilespmem:s22+$0x40];
	[tilespmem:s19+$0x50] =	vst v8;
	v8 =	vmul.u32 $0x1FFFCE00, v10  }
0x2f: {  	v13 =	vmul.f32 $7.812499830e-05, v13;
	v3 =	vshll.u32 v3, $0x3;
	v14 =	vld [tilespmem:s22+$0x50];
	v15 =	vadd.f32 $5.000000000e-01, v16  }
0x30: {  	v3 =	vor.u32 v9, v3;
	v2 =	vadd.s32 v2, v8;
	v8 =	vmul.f32 $7.812499830e-05, v12  }
0x31: {  	v1 =	vor.u32 v7, v1;
	v7 =	vtrunc.f32 v13;
	[tilespmem:s19+$0x70] =	vst v3;
	v9 =	vmul.f32 $7.812499830e-05, v15  }
0x32: {  	v2 =	vshll.u32 v2, $0x3;
	v7 =	vcvt.f32.s32 v7;
	v3 =	vld [tilespmem:s22+$0x70];
	v8 =	vtrunc.f32 v8  }
0x33: {  	v2 =	vor.u32 v10, v2;
	[tilespmem:s19+$0x10] =	vst v1;
	v8 =	vcvt.f32.s32 v8;
	v10 =	vcvt.s32.f32 v11  }
0x34: {  	v9 =	vtrunc.f32 v9;
	v1 =	vld [tilespmem:s22+$0x10];
	v12 =	vcvt.s32.f32 v14  }
0x35: {  	v13 =	vmul.u32 $0x1FFFCE00, v7;
	v9 =	vcvt.f32.s32 v9;
	[tilespmem:s19+$0x0] =	vst v2  }
0x36: {  	v15 =	vmul.u32 $0x1FFFCE00, v8;
	v10 =	vadd.f32 $5.000000000e-01, v10;
	v2 =	vld [tilespmem:s22+$0x0];
	v12 =	vadd.f32 $5.000000000e-01, v12  }
0x37: {  	v5 =	vadd.s32 v5, v13;
	v13 =	vmul.u32 $0x1FFFCE00, v9;
	v16 =	vcvt.s32.f32 v3  }
0x38: {  	v5 =	vshll.u32 v5, $0x3;
	v4 =	vadd.s32 v4, v15;
	v12 =	vmul.f32 $7.812499830e-05, v12  }
0x39: {  	v10 =	vmul.f32 $7.812499830e-05, v10;
	v5 =	vor.u32 v7, v5;
	v15 =	vcvt.s32.f32 v1  }
0x3a: {  	v6 =	vadd.s32 v6, v13;
	v4 =	vshll.u32 v4, $0x3;
	v12 =	vtrunc.f32 v12  }
0x3b: {  	v10 =	vtrunc.f32 v10;
	v13 =	vadd.f32 $5.000000000e-01, v16;
	v4 =	vor.u32 v8, v4  }
0x3c: {  	v16 =	vcvt.f32.s32 v10;
	v15 =	vadd.f32 $5.000000000e-01, v15;
	v7 =	vcvt.s32.f32 v2;
	[tilespmem:s19+$0x60] =	vst v4  }
0x3d: {  	v8 =	vcvt.f32.s32 v12;
	v12 =	vmul.f32 $7.812499830e-05, v13;
	[tilespmem:s19+$0x20] =	vst v5;
	v5 =	vshll.u32 v6, $0x3  }
0x3e: {  	v6 =	vmul.u32 $0x1FFFCE00, v16;
	v13 =	vmul.f32 $7.812499830e-05, v15;
	v4 =	vld [tilespmem:s22+$0x60];
	v9 =	vor.u32 v9, v5  }
.Ltmp0:
0x3f: {  	v7 =	vadd.f32 $5.000000000e-01, v7;
	v15 =	vmul.u32 $0x1FFFCE00, v8;
	v5 =	vld [tilespmem:s22+$0x20];
	[tilespmem:s19+$0x30] =	vst v9;
	(pc) =	sbr.rel @p0 .LBB2_2-.Ltmp0, $4  }
0x40: {  	v6 =	vadd.s32 v11, v6;
	s19 =	smov.u32 s22  }
0x41: {  	v10 =	vmul.f32 $7.812499830e-05, v7;
	v7 =	vtrunc.f32 v13;
	v9 =	vshll.u32 v6, $0x3  }
0x42: {  	v13 =	vtrunc.f32 v12;
	v7 =	vcvt.f32.s32 v7;
	v9 =	vor.u32 v16, v9;
	v6 =	vld [tilespmem:s19+$0x30]  }
0x43: {  	v11 =	vadd.s32 v14, v15;
	s22 =	smov.u32 s21;
	[tilespmem:s19+$0x40] =	vst v9;
	v12 =	vcvt.s32.f32 v4;
	v9 =	vcvt.f32.s32 v13  }
0x44: {  	_ = 	snop  }
0x45: {  	v13 =	vcvt.s32.f32 v5  }
0x46: {  	v10 =	vtrunc.f32 v10;
	v11 =	vshll.u32 v11, $0x3;
	v57 =	vmul.u32 $0x1FFFCE00, v7  }
0x47: {  	v12 =	vadd.f32 $5.000000000e-01, v12;
	v13 =	vadd.f32 $5.000000000e-01, v13;
	v15 =	vcvt.s32.f32 v6  }
0x48: {  	v14 =	vmul.u32 $0x1FFFCE00, v9;
	v10 =	vcvt.f32.s32 v10;
	v8 =	vor.u32 v8, v11  }
0x49: {  	v1 =	vadd.s32 v1, v57;
	v13 =	vmul.f32 $7.812499830e-05, v13;
	v15 =	vadd.f32 $5.000000000e-01, v15  }
0x4a: {  	v12 =	vmul.f32 $7.812499830e-05, v12;
	v3 =	vadd.s32 v3, v14;
	v58 =	vmul.u32 $0x1FFFCE00, v10  }
0x4b: {  	v1 =	vshll.u32 v1, $0x3;
	v59 =	vtrunc.f32 v13;
	v15 =	vmul.f32 $7.812499830e-05, v15  }
0x4c: {  	v3 =	vshll.u32 v3, $0x3;
	v12 =	vtrunc.f32 v12;
	v60 =	vcvt.f32.s32 v59  }
0x4d: {  	v1 =	vor.u32 v7, v1;
	v12 =	vcvt.f32.s32 v12;
	v61 =	vtrunc.f32 v15  }
0x4e: {  	v2 =	vadd.s32 v2, v58;
	v63 =	vmul.u32 $0x1FFFCE00, v60;
	v11 =	vcvt.f32.s32 v61  }
0x4f: {  	v3 =	vor.u32 v9, v3;
	[tilespmem:s19+$0x10] =	vst v1;
	v2 =	vshll.u32 v2, $0x3;
	v62 =	vmul.u32 $0x1FFFCE00, v12  }
0x50: {  	[tilespmem:s19+$0x70] =	vst v3;
	v1 =	vor.u32 v10, v2;
	v2 =	vadd.s32 v5, v63;
	v3 =	vmul.u32 $0x1FFFCE00, v11  }
0x51: {  	[tilespmem:s19+$0x0] =	vst v1;
	v4 =	vadd.s32 v4, v62;
	v1 =	vshll.u32 v2, $0x3  }
0x52: {  	s20 =	simm.s32 $0x0;
	[tilespmem:s19+$0x50] =	vst v8;
	v4 =	vshll.u32 v4, $0x3;
	v1 =	vor.u32 v60, v1;
	v2 =	vadd.s32 v6, v3  }
0x53: {  	s21 =	sand.u32 $0x3000, s20;
	v3 =	vor.u32 v12, v4;
	[tilespmem:s19+$0x20] =	vst v1;
	v2 =	vshll.u32 v2, $0x3  }
0x54: {  	s20 =	sand.u32 $0x380, s20;
	s21 =	sshrl.u32 s21, $0x2;
	[tilespmem:s19+$0x60] =	vst v3;
	v1 =	vor.u32 v11, v2  }
0x55: {  	s20 =	sor.u32 s20, s21;
	[tilespmem:s19+$0x30] =	vst v1;
	s19 =	simm.s32 $0x6400  }
0x56: {  	[tilespmem:s19], [sflag:$0x1] =	stream.indirect.gather [hbm4b:s4+s13], $0x10, s20, s13, $0xb8;
	[tilespmem:$0x1FC10] =	vst v63  }
0x57: {  	s21 =	simm.s32 $0x80;
	s20 =	simm.s32 $0x200  }
.LBB2_4:
0x58: {  	s22 =	sand.u32 $0x3000, s20;
	p0 =	sne.s32 s20, $0x3000;
	s20 =	sadd.s32 $0x200, s20  }
.Ltmp1:
0x59: {  	s23 =	sand.u32 $0x380, s21;
	s22 =	sshrl.u32 s22, $0x2;
	(pc) =	sbr.rel @p0 .LBB2_4-.Ltmp1, $4  }
0x5a: {  	s19 =	sadd.s32 $0x800, s19;
	s22 =	sor.u32 s23, s22  }
0x5b: {  	[tilespmem:s19], [sflag:$0x1] =	stream.indirect.gather [hbm4b:s4+s13], $0x10, s22, s13, $0xb8;
	[tilespmem:$0x1FC10] =	vst v63  }
0x5c: {  	_ = 	snop  }
0x5d: {  	s21 =	sadd.s32 $0x80, s21  }
0x5e: {  	[tilespmem:s14], [sflag:$0x3] =	stream.strided.gather [hbm4b:s6+s11], $0x5400, s12, s11, $0x38;
	[tilespmem:$0x1FC10] =	vst v63  }
0x5f: {  	_ =	swait.ge [sflag:s10], $0x5400  }
0x60: {  	[sflag:s10] =	ssyncset.done $0x0  }
0x61: {  	[sflag:s10] =	ssyncadd.s32 $0xFFFFAC00  }
0x62: {  	s19 =	simm.s32 $0x0;
	s20 =	simm.s32 $0x0;
	v1 =	vld [tilespmem:$0x1FC00]  }
.LBB2_6:
0x63: {  	p0 =	sne.s32 s20, $0x1FC0  }
.Ltmp2:
0x64: {  	_ = 	snop;
	(pc) =	sbr.rel @p0 .LBB2_6-.Ltmp2, $3  }
0x65: {  	_ =	sdelay $0x1  }
0x66: {  	s21 =	sshra.s32 s20, $0x2  }
0x67: {  	s20 =	sadd.s32 $0x40, s20;
	[tilespmem:s21+$0x1F400] =	vst v1  }
0x68: {  	s20 =	simm.s32 $0xC80  }
0x69: {  	s21 =	simm.s32 $0x3200;
	s22 =	simm.s32 $0x1900;
	s23 =	simm.s32 $0x6400  }
.LBB2_8:
0x6a: {  	s24 =	sadd.s32 $0x0, s20;
	s25 =	sand.u32 $0xFFFFF000, s21  }
0x6b: {  	s24 =	sand.u32 $0x380, s24;
	s25 =	sshra.s32 s25, $0x2  }
0x6c: {  	s25 =	sor.u32 s24, s25  }
0x6d: {  	v5 =	vld [tilespmem:s25+$0x40];
	_ =	sdelay $0x1  }
0x6e: {  	v12 =	vld [tilespmem:s25+$0x70];
	_ =	sdelay $0x1  }
0x6f: {  	v6 =	vld [tilespmem:s25+$0x50]  }
0x70: {  	v2 =	vld [tilespmem:s25+$0x30];
	v1 =	vcvt.s32.f32 v5;
	_ =	sdelay $0x1  }
0x71: {  	v3 =	vcvt.s32.f32 v12;
	v1 =	vadd.f32 $5.000000000e-01, v1;
	_ =	sdelay $0x1  }
0x72: {  	v3 =	vadd.f32 $5.000000000e-01, v3;
	v4 =	vmul.f32 $7.812499830e-05, v1  }
0x73: {  	v7 =	vcvt.s32.f32 v6;
	v9 =	vcvt.s32.f32 v2;
	v1 =	vld [tilespmem:s25+$0x60]  }
0x74: {  	v8 =	vmul.f32 $7.812499830e-05, v3;
	v3 =	vtrunc.f32 v4  }
0x75: {  	v4 =	vadd.f32 $5.000000000e-01, v7;
	v13 =	vcvt.f32.s32 v3  }
0x76: {  	v7 =	vadd.f32 $5.000000000e-01, v9;
	v8 =	vtrunc.f32 v8;
	v3 =	vld [tilespmem:s25+$0x0]  }
0x77: {  	v8 =	vcvt.f32.s32 v8;
	v10 =	vmul.f32 $7.812499830e-05, v4;
	v4 =	vld [tilespmem:s25+$0x20];
	v11 =	vmul.u32 $0x1FFFCE00, v13  }
0x78: {  	v9 =	vmul.f32 $7.812499830e-05, v7;
	v14 =	vcvt.s32.f32 v1  }
0x79: {  	v15 =	vmul.u32 $0x1FFFCE00, v8;
	v7 =	vtrunc.f32 v10;
	v5 =	vadd.s32 v5, v11  }
0x7a: {  	v10 =	vadd.f32 $5.000000000e-01, v14;
	v7 =	vcvt.f32.s32 v7;
	v5 =	vshll.u32 v5, $0x3  }
0x7b: {  	v14 =	vadd.s32 v12, v15;
	v11 =	vcvt.s32.f32 v3;
	v13 =	vor.u32 v13, v5  }
0x7c: {  	s29 =	simm.s32 $0x80;
	s26 =	sadd.s32 $0x200, s21;
	v14 =	vshll.u32 v14, $0x3;
	v5 =	vld [tilespmem:s25+$0x10];
	v12 =	vcvt.s32.f32 v4;
	[tilespmem:s25+$0x40] =	vst v13;
	v13 =	vmul.u32 $0x1FFFCE00, v7  }
.LBB2_9:
0x7d: {  	s28 =	smov.u32 s29  }
0x7e: {  	s30 =	sadd.s32 s29, s20;
	s31 =	sand.u32 $0xFFFFF000, s26;
	v9 =	vtrunc.f32 v9;
	v10 =	vmul.f32 $7.812499830e-05, v10;
	v8 =	vor.u32 v8, v14;
	s28 =	sadd.s32 $0x80, s29  }
0x7f: {  	p0 =	sne.s32 s29, $0xC00;
	v11 =	vadd.f32 $5.000000000e-01, v11;
	s30 =	sand.u32 $0x380, s30;
	s31 =	sshra.s32 s31, $0x2;
	v6 =	vadd.s32 v6, v13;
	[tilespmem:s25+$0x70] =	vst v8  }
0x80: {  	v9 =	vcvt.f32.s32 v9;
	s29 =	sor.u32 s30, s31;
	v8 =	vadd.f32 $5.000000000e-01, v12;
	v10 =	vtrunc.f32 v10  }
0x81: {  	v11 =	vmul.f32 $7.812499830e-05, v11;
	v6 =	vshll.u32 v6, $0x3;
	v10 =	vcvt.f32.s32 v10;
	v12 =	vld [tilespmem:s29+$0x40]  }
0x82: {  	v14 =	vmul.u32 $0x1FFFCE00, v9;
	v6 =	vor.u32 v7, v6;
	v8 =	vmul.f32 $7.812499830e-05, v8;
	v13 =	vld [tilespmem:s29+$0x70]  }
0x83: {  	v7 =	vtrunc.f32 v11;
	v11 =	vcvt.s32.f32 v5;
	v15 =	vmul.u32 $0x1FFFCE00, v10;
	[tilespmem:s25+$0x50] =	vst v6  }
0x84: {  	v7 =	vcvt.f32.s32 v7;
	v2 =	vadd.s32 v2, v14;
	v8 =	vtrunc.f32 v8  }
0x85: {  	v11 =	vadd.f32 $5.000000000e-01, v11;
	v2 =	vshll.u32 v2, $0x3;
	v1 =	vadd.s32 v1, v15;
	v6 =	vld [tilespmem:s29+$0x50]  }
0x86: {  	v8 =	vcvt.f32.s32 v8;
	v2 =	vor.u32 v9, v2;
	v1 =	vshll.u32 v1, $0x3  }
0x87: {  	v11 =	vmul.f32 $7.812499830e-05, v11;
	v1 =	vor.u32 v10, v1;
	v9 =	vcvt.s32.f32 v13;
	[tilespmem:s25+$0x30] =	vst v2  }
0x88: {  	v14 =	vmul.u32 $0x1FFFCE00, v7;
	v10 =	vcvt.s32.f32 v12;
	v15 =	vmul.u32 $0x1FFFCE00, v8;
	v2 =	vld [tilespmem:s29+$0x30];
	[tilespmem:s25+$0x60] =	vst v1  }
0x89: {  	v11 =	vtrunc.f32 v11;
	v1 =	vld [tilespmem:s29+$0x60];
	v9 =	vadd.f32 $5.000000000e-01, v9  }
0x8a: {  	v3 =	vadd.s32 v3, v14;
	v10 =	vadd.f32 $5.000000000e-01, v10;
	v16 =	vcvt.s32.f32 v6  }
0x8b: {  	v3 =	vshll.u32 v3, $0x3;
	v4 =	vadd.s32 v4, v15;
	v9 =	vmul.f32 $7.812499830e-05, v9  }
0x8c: {  	v11 =	vcvt.f32.s32 v11;
	v10 =	vmul.f32 $7.812499830e-05, v10;
	v14 =	vadd.f32 $5.000000000e-01, v16  }
0x8d: {  	v3 =	vor.u32 v7, v3;
	v15 =	vcvt.s32.f32 v2  }
0x8e: {  	v4 =	vshll.u32 v4, $0x3;
	v7 =	vtrunc.f32 v10;
	v10 =	vmul.f32 $7.812499830e-05, v14;
	[tilespmem:s25+$0x0] =	vst v3  }
0x8f: {  	v4 =	vor.u32 v8, v4;
	v3 =	vld [tilespmem:s29+$0x0];
	v14 =	vadd.f32 $5.000000000e-01, v15;
	v15 =	vcvt.f32.s32 v7  }
0x90: {  	v16 =	vmul.u32 $0x1FFFCE00, v11;
	v8 =	vtrunc.f32 v9;
	v7 =	vcvt.s32.f32 v1;
	[tilespmem:s25+$0x20] =	vst v4  }
0x91: {  	v8 =	vcvt.f32.s32 v8;
	v4 =	vld [tilespmem:s29+$0x20];
	v9 =	vmul.f32 $7.812499830e-05, v14;
	v14 =	vmul.u32 $0x1FFFCE00, v15  }
.Ltmp3:
0x92: {  	v5 =	vadd.s32 v5, v16;
	v17 =	vtrunc.f32 v10;
	v10 =	vadd.f32 $5.000000000e-01, v7;
	(pc) =	sbr.rel @p0 .LBB2_9-.Ltmp3, $4  }
0x93: {  	v5 =	vshll.u32 v5, $0x3;
	v7 =	vadd.s32 v12, v14;
	v12 =	vmul.u32 $0x1FFFCE00, v8  }
0x94: {  	v5 =	vor.u32 v11, v5;
	v14 =	vshll.u32 v7, $0x3;
	v7 =	vcvt.f32.s32 v17  }
0x95: {  	v11 =	vcvt.s32.f32 v3;
	v14 =	vor.u32 v15, v14;
	v15 =	vadd.s32 v13, v12;
	[tilespmem:s25+$0x10] =	vst v5;
	s25 =	smov.u32 s29  }
0x96: {  	s26 =	sadd.s32 $0x200, s26;
	s29 =	smov.u32 s28;
	v5 =	vld [tilespmem:s25+$0x10];
	v12 =	vcvt.s32.f32 v4;
	[tilespmem:s25+$0x40] =	vst v14;
	v13 =	vmul.u32 $0x1FFFCE00, v7;
	v14 =	vshll.u32 v15, $0x3  }
0x97: {  	_ =	sdelay $0x2  }
0x98: {  	v9 =	vtrunc.f32 v9;
	v10 =	vmul.f32 $7.812499830e-05, v10;
	v8 =	vor.u32 v8, v14  }
0x99: {  	v11 =	vadd.f32 $5.000000000e-01, v11;
	v6 =	vadd.s32 v6, v13;
	v56 =	vcvt.s32.f32 v5  }
0x9a: {  	v12 =	vadd.f32 $5.000000000e-01, v12;
	v9 =	vcvt.f32.s32 v9;
	v10 =	vtrunc.f32 v10  }
0x9b: {  	v11 =	vmul.f32 $7.812499830e-05, v11;
	v6 =	vshll.u32 v6, $0x3;
	v13 =	vadd.f32 $5.000000000e-01, v56  }
0x9c: {  	v10 =	vcvt.f32.s32 v10;
	v12 =	vmul.f32 $7.812499830e-05, v12;
	v57 =	vmul.u32 $0x1FFFCE00, v9  }
0x9d: {  	v6 =	vor.u32 v7, v6;
	v58 =	vtrunc.f32 v11;
	v59 =	vmul.f32 $7.812499830e-05, v13  }
0x9e: {  	v60 =	vmul.u32 $0x1FFFCE00, v10;
	v7 =	vcvt.f32.s32 v58;
	v12 =	vtrunc.f32 v12  }
0x9f: {  	v2 =	vadd.s32 v2, v57;
	v12 =	vcvt.f32.s32 v12;
	v11 =	vtrunc.f32 v59  }
0xa0: {  	v2 =	vshll.u32 v2, $0x3;
	v61 =	vmul.u32 $0x1FFFCE00, v7;
	v11 =	vcvt.f32.s32 v11  }
0xa1: {  	[tilespmem:s25+$0x70] =	vst v8;
	v1 =	vadd.s32 v1, v60;
	v2 =	vor.u32 v9, v2;
	v62 =	vmul.u32 $0x1FFFCE00, v12  }
0xa2: {  	[tilespmem:s25+$0x50] =	vst v6;
	v1 =	vshll.u32 v1, $0x3;
	v3 =	vadd.s32 v3, v61;
	v63 =	vmul.u32 $0x1FFFCE00, v11  }
0xa3: {  	[tilespmem:s25+$0x30] =	vst v2;
	v1 =	vor.u32 v10, v1;
	v2 =	vshll.u32 v3, $0x3;
	v3 =	vadd.s32 v4, v62  }
0xa4: {  	[tilespmem:s25+$0x60] =	vst v1;
	v1 =	vor.u32 v7, v2;
	v2 =	vshll.u32 v3, $0x3;
	v3 =	vadd.s32 v5, v63  }
0xa5: {  	s26 =	sand.u32 $0x7F000, s21;
	[tilespmem:s25+$0x0] =	vst v1;
	v1 =	vor.u32 v12, v2;
	v2 =	vshll.u32 v3, $0x3  }
0xa6: {  	s26 =	sshrl.u32 s26, $0x2;
	[tilespmem:s25+$0x20] =	vst v1;
	v1 =	vor.u32 v11, v2  }
0xa7: {  	s24 =	sor.u32 s24, s26;
	[tilespmem:s25+$0x10] =	vst v1;
	s25 =	simm.s32 $0x12C00  }
0xa8: {  	[tilespmem:s25], [sflag:$0x2] =	stream.indirect.gather [hbm4b:s4+s13], $0x10, s24, s13, $0xb8;
	[tilespmem:$0x1FC10] =	vst v63  }
0xa9: {  	s26 =	smov.u32 s21;
	s24 =	simm.s32 $0x80  }
.LBB2_11:
0xaa: {  	p0 =	sne.s32 s24, $0xC00  }
.Ltmp4:
0xab: {  	s28 =	sadd.s32 s24, s20;
	s26 =	sadd.s32 $0x200, s26;
	(pc) =	sbr.rel @p0 .LBB2_11-.Ltmp4, $4  }
0xac: {  	s24 =	sadd.s32 $0x80, s24;
	s29 =	sand.u32 $0x7F000, s26  }
0xad: {  	s28 =	sand.u32 $0x380, s28;
	s29 =	sshrl.u32 s29, $0x2  }
0xae: {  	s25 =	sadd.s32 $0x800, s25;
	s28 =	sor.u32 s28, s29  }
0xaf: {  	[tilespmem:s25], [sflag:$0x2] =	stream.indirect.gather [hbm4b:s4+s13], $0x10, s28, s13, $0xb8;
	[tilespmem:$0x1FC10] =	vst v63  }
0xb0: {  	_ =	swait.ge [sflag:s15], $0x800  }
0xb1: {  	[sflag:s15] =	ssyncset.done $0x0  }
0xb2: {  	[sflag:s15] =	ssyncadd.s32 $0xFFFFF800  }
0xb3: {  	_ =	swait.ge [sflag:s15], $0x800  }
0xb4: {  	[sflag:s15] =	ssyncset.done $0x0  }
0xb5: {  	[sflag:s15] =	ssyncadd.s32 $0xFFFFF800  }
0xb6: {  	_ =	swait.ge [sflag:s15], $0x800  }
0xb7: {  	[sflag:s15] =	ssyncset.done $0x0  }
0xb8: {  	[sflag:s15] =	ssyncadd.s32 $0xFFFFF800  }
0xb9: {  	_ =	swait.ge [sflag:s15], $0x800  }
0xba: {  	[sflag:s15] =	ssyncset.done $0x0  }
0xbb: {  	[sflag:s15] =	ssyncadd.s32 $0xFFFFF800  }
0xbc: {  	_ =	swait.ge [sflag:s15], $0x800  }
0xbd: {  	[sflag:s15] =	ssyncset.done $0x0  }
0xbe: {  	[sflag:s15] =	ssyncadd.s32 $0xFFFFF800  }
0xbf: {  	_ =	swait.ge [sflag:s15], $0x800  }
0xc0: {  	[sflag:s15] =	ssyncset.done $0x0  }
0xc1: {  	[sflag:s15] =	ssyncadd.s32 $0xFFFFF800  }
0xc2: {  	_ =	swait.ge [sflag:s15], $0x800  }
0xc3: {  	[sflag:s15] =	ssyncset.done $0x0  }
0xc4: {  	[sflag:s15] =	ssyncadd.s32 $0xFFFFF800  }
0xc5: {  	_ =	swait.ge [sflag:s15], $0x800  }
0xc6: {  	[sflag:s15] =	ssyncset.done $0x0  }
0xc7: {  	[sflag:s15] =	ssyncadd.s32 $0xFFFFF800  }
0xc8: {  	_ =	swait.ge [sflag:s15], $0x800  }
0xc9: {  	[sflag:s15] =	ssyncset.done $0x0  }
0xca: {  	[sflag:s15] =	ssyncadd.s32 $0xFFFFF800  }
0xcb: {  	_ =	swait.ge [sflag:s15], $0x800  }
0xcc: {  	[sflag:s15] =	ssyncset.done $0x0  }
0xcd: {  	[sflag:s15] =	ssyncadd.s32 $0xFFFFF800  }
0xce: {  	_ =	swait.ge [sflag:s15], $0x800  }
0xcf: {  	[sflag:s15] =	ssyncset.done $0x0  }
0xd0: {  	[sflag:s15] =	ssyncadd.s32 $0xFFFFF800  }
0xd1: {  	_ =	swait.ge [sflag:s15], $0x800  }
0xd2: {  	[sflag:s15] =	ssyncset.done $0x0  }
0xd3: {  	[sflag:s15] =	ssyncadd.s32 $0xFFFFF800  }
0xd4: {  	_ =	swait.ge [sflag:s15], $0x800  }
0xd5: {  	[sflag:s15] =	ssyncset.done $0x0  }
0xd6: {  	[sflag:s15] =	ssyncadd.s32 $0xFFFFF800  }
0xd7: {  	_ =	swait.ge [sflag:s15], $0x800  }
0xd8: {  	[sflag:s15] =	ssyncset.done $0x0  }
0xd9: {  	[sflag:s15] =	ssyncadd.s32 $0xFFFFF800  }
0xda: {  	_ =	swait.ge [sflag:s15], $0x800  }
0xdb: {  	[sflag:s15] =	ssyncset.done $0x0  }
0xdc: {  	[sflag:s15] =	ssyncadd.s32 $0xFFFFF800  }
0xdd: {  	_ =	swait.ge [sflag:s15], $0x800  }
0xde: {  	[sflag:s15] =	ssyncset.done $0x0  }
0xdf: {  	[sflag:s15] =	ssyncadd.s32 $0xFFFFF800  }
0xe0: {  	_ =	swait.ge [sflag:s15], $0x800  }
0xe1: {  	[sflag:s15] =	ssyncset.done $0x0  }
0xe2: {  	[sflag:s15] =	ssyncadd.s32 $0xFFFFF800  }
0xe3: {  	_ =	swait.ge [sflag:s15], $0x800  }
0xe4: {  	[sflag:s15] =	ssyncset.done $0x0  }
0xe5: {  	[sflag:s15] =	ssyncadd.s32 $0xFFFFF800  }
0xe6: {  	_ =	swait.ge [sflag:s15], $0x800  }
0xe7: {  	[sflag:s15] =	ssyncset.done $0x0  }
0xe8: {  	[sflag:s15] =	ssyncadd.s32 $0xFFFFF800  }
0xe9: {  	_ =	swait.ge [sflag:s15], $0x800  }
0xea: {  	[sflag:s15] =	ssyncset.done $0x0  }
0xeb: {  	[sflag:s15] =	ssyncadd.s32 $0xFFFFF800  }
0xec: {  	_ =	swait.ge [sflag:s15], $0x800  }
0xed: {  	[sflag:s15] =	ssyncset.done $0x0  }
0xee: {  	[sflag:s15] =	ssyncadd.s32 $0xFFFFF800  }
0xef: {  	_ =	swait.ge [sflag:s15], $0x800  }
0xf0: {  	[sflag:s15] =	ssyncset.done $0x0  }
0xf1: {  	[sflag:s15] =	ssyncadd.s32 $0xFFFFF800  }
0xf2: {  	_ =	swait.ge [sflag:s15], $0x800  }
0xf3: {  	[sflag:s15] =	ssyncset.done $0x0  }
0xf4: {  	[sflag:s15] =	ssyncadd.s32 $0xFFFFF800  }
0xf5: {  	_ =	swait.ge [sflag:s15], $0x800  }
0xf6: {  	[sflag:s15] =	ssyncset.done $0x0  }
0xf7: {  	[sflag:s15] =	ssyncadd.s32 $0xFFFFF800  }
0xf8: {  	_ =	swait.ge [sflag:s15], $0x800  }
0xf9: {  	[sflag:s15] =	ssyncset.done $0x0  }
0xfa: {  	s24 =	simm.s32 $0x0;
	[sflag:s15] =	ssyncadd.s32 $0xFFFFF800  }
0xfb: {  	v4 =	vld [tilespmem:s24+$0xD400]  }
0xfc: {  	v1 =	vld [tilespmem:s24+$0x10400]  }
0xfd: {  	v2 =	vld [tilespmem:s24+$0x10C00]  }
0xfe: {  	v6 =	vld [tilespmem:s24+$0xAC00]  }
0xff: {  	v3 =	vld [tilespmem:s24+$0xDC00]  }
0x100: {  	v5 =	vld [tilespmem:s24+$0xE400]  }
0x101: {  	v10 =	vld [tilespmem:s24+$0x8400]  }
0x102: {  	v7 =	vld [tilespmem:s24+$0xB400]  }
0x103: {  	v8 =	vld [tilespmem:s24+$0xBC00]  }
0x104: {  	v9 =	vld [tilespmem:s24+$0x8C00]  }
0x105: {  	v11 =	vld [tilespmem:s24+$0x6400]  }
0x106: {  	v12 =	vld [tilespmem:s24+$0x6C00]  }
0x107: {  	v13 =	vld [tilespmem:s24+$0x7400]  }
0x108: {  	s25 =	simm.s32 $0x40;
	v14 =	vld [tilespmem:s24+$0x7C00]  }
.LBB2_13:
0x109: {  	p0 =	sne.s32 s25, $0x1FC0;
	v15 =	vld [tilespmem:s24+$0x9400]  }
0x10a: {  	v16 =	vld [tilespmem:s24+$0x9C00]  }
0x10b: {  	v10 =	vadd.f32 $0.0e+00, v10;
	v17 =	vld [tilespmem:s24+$0xA400]  }
0x10c: {  	v11 =	vadd.f32 $0.0e+00, v11;
	v12 =	vadd.f32 $0.0e+00, v12;
	v18 =	vld [tilespmem:s24+$0xC400]  }
0x10d: {  	v13 =	vadd.f32 $0.0e+00, v13;
	v14 =	vadd.f32 $0.0e+00, v14;
	v19 =	vld [tilespmem:s24+$0xCC00]  }
0x10e: {  	v6 =	vadd.f32 v6, v10;
	v9 =	vadd.f32 v9, v11;
	v10 =	vld [tilespmem:s24+$0xEC00]  }
0x10f: {  	v11 =	vadd.f32 v15, v12;
	v12 =	vadd.f32 v16, v13;
	v13 =	vld [tilespmem:s24+$0xF400]  }
0x110: {  	v15 =	vadd.f32 v4, v6;
	v14 =	vadd.f32 v17, v14;
	v6 =	vld [tilespmem:s24+$0x11400]  }
0x111: {  	v4 =	vadd.f32 v7, v9;
	v7 =	vadd.f32 v8, v11;
	v8 =	vld [tilespmem:s24+$0x11C00]  }
0x112: {  	v9 =	vadd.f32 v18, v12;
	v11 =	vadd.f32 v19, v14;
	v12 =	vld [tilespmem:s24+$0xFC00]  }
0x113: {  	s26 =	sshra.s32 s25, $0x2;
	v3 =	vadd.f32 v3, v4;
	v5 =	vadd.f32 v5, v7;
	v7 =	vld [tilespmem:s24+$0x12400]  }
0x114: {  	v9 =	vadd.f32 v10, v9;
	v4 =	vld [tilespmem:s26+$0xD400];
	v10 =	vadd.f32 v13, v11  }
0x115: {  	v11 =	vadd.f32 v1, v3;
	v5 =	vadd.f32 v2, v5;
	v1 =	vld [tilespmem:s26+$0x10400]  }
0x116: {  	v9 =	vadd.f32 v6, v9;
	v2 =	vld [tilespmem:s26+$0x10C00];
	v8 =	vadd.f32 v8, v10  }
0x117: {  	v6 =	vld [tilespmem:s26+$0xAC00];
	v10 =	vadd.f32 v12, v15  }
0x118: {  	v11 =	vadd.f32 v5, v11;
	v3 =	vld [tilespmem:s26+$0xDC00];
	v8 =	vadd.f32 v8, v9  }
0x119: {  	v12 =	vld [tilespmem:s24+$0x1F400]  }
0x11a: {  	v9 =	vadd.f32 v7, v10;
	v5 =	vld [tilespmem:s26+$0xE400];
	v8 =	vadd.f32 v8, v11  }
0x11b: {  	v10 =	vld [tilespmem:s26+$0x8400]  }
0x11c: {  	v7 =	vld [tilespmem:s26+$0xB400];
	v11 =	vadd.f32 v8, v9  }
0x11d: {  	v8 =	vld [tilespmem:s26+$0xBC00]  }
.Ltmp5:
0x11e: {  	v9 =	vld [tilespmem:s26+$0x8C00];
	v13 =	vadd.f32 v11, v12;
	(pc) =	sbr.rel @p0 .LBB2_13-.Ltmp5, $4  }
0x11f: {  	v11 =	vld [tilespmem:s26+$0x6400]  }
0x120: {  	v12 =	vld [tilespmem:s26+$0x6C00];
	[tilespmem:s24+$0x1F400] =	vst v13;
	s24 =	smov.u32 s26  }
0x121: {  	v13 =	vld [tilespmem:s24+$0x7400]  }
0x122: {  	s25 =	sadd.s32 $0x40, s25;
	v14 =	vld [tilespmem:s24+$0x7C00]  }
0x123: {  	v15 =	vld [tilespmem:s24+$0x9400]  }
0x124: {  	v16 =	vld [tilespmem:s24+$0x9C00]  }
0x125: {  	v10 =	vadd.f32 $0.0e+00, v10;
	v17 =	vld [tilespmem:s24+$0xA400]  }
0x126: {  	v18 =	vld [tilespmem:s24+$0xC400];
	v11 =	vadd.f32 $0.0e+00, v11;
	v12 =	vadd.f32 $0.0e+00, v12  }
0x127: {  	v19 =	vld [tilespmem:s24+$0xCC00];
	v6 =	vadd.f32 v6, v10;
	v13 =	vadd.f32 $0.0e+00, v13  }
0x128: {  	v51 =	vld [tilespmem:s24+$0xEC00];
	v9 =	vadd.f32 v9, v11;
	v14 =	vadd.f32 $0.0e+00, v14  }
0x129: {  	v54 =	vld [tilespmem:s24+$0xF400];
	v4 =	vadd.f32 v4, v6;
	v52 =	vadd.f32 v15, v12  }
0x12a: {  	v55 =	vld [tilespmem:s24+$0x11400];
	v53 =	vadd.f32 v16, v13;
	v14 =	vadd.f32 v17, v14  }
0x12b: {  	v56 =	vld [tilespmem:s24+$0x11C00];
	v7 =	vadd.f32 v7, v9;
	v8 =	vadd.f32 v8, v52  }
0x12c: {  	v59 =	vld [tilespmem:s24+$0xFC00];
	v57 =	vadd.f32 v18, v53;
	v58 =	vadd.f32 v19, v14  }
0x12d: {  	v3 =	vadd.f32 v3, v7;
	v5 =	vadd.f32 v5, v8  }
0x12e: {  	v60 =	vadd.f32 v51, v57;
	v61 =	vadd.f32 v54, v58  }
0x12f: {  	v62 =	vld [tilespmem:s24+$0x12400];
	v1 =	vadd.f32 v1, v3;
	v2 =	vadd.f32 v2, v5  }
0x130: {  	v3 =	vadd.f32 v55, v60;
	v63 =	vadd.f32 v56, v61  }
0x131: {  	v4 =	vadd.f32 v59, v4  }
0x132: {  	v1 =	vadd.f32 v2, v1;
	v2 =	vadd.f32 v63, v3  }
0x133: {  	v3 =	vld [tilespmem:s24+$0x1F400]  }
0x134: {  	v4 =	vadd.f32 v62, v4;
	v1 =	vadd.f32 v2, v1  }
0x135: {  	p0 =	seq.s32 s19, $0x3  }
.Ltmp6:
0x136: {  	v1 =	vadd.f32 v1, v4;
	(pc) =	sbr.rel @p0 .LBB2_19-.Ltmp6, $3  }
0x137: {  	_ = 	snop  }
0x138: {  	v1 =	vadd.f32 v1, v3;
	_ =	sdelay $0x1  }
0x139: {  	[tilespmem:s24+$0x1F400] =	vst v1  }
0x13a: {  	s24 =	sadd.s32 $0x0, s22;
	s25 =	sand.u32 $0xFFFFF000, s23  }
0x13b: {  	s24 =	sand.u32 $0x380, s24;
	s25 =	sshra.s32 s25, $0x2  }
0x13c: {  	s25 =	sor.u32 s24, s25  }
0x13d: {  	v5 =	vld [tilespmem:s25+$0x40];
	_ =	sdelay $0x1  }
0x13e: {  	v12 =	vld [tilespmem:s25+$0x70];
	_ =	sdelay $0x1  }
0x13f: {  	v6 =	vld [tilespmem:s25+$0x50]  }
0x140: {  	v2 =	vld [tilespmem:s25+$0x30];
	v1 =	vcvt.s32.f32 v5;
	_ =	sdelay $0x1  }
0x141: {  	v3 =	vcvt.s32.f32 v12;
	v1 =	vadd.f32 $5.000000000e-01, v1;
	_ =	sdelay $0x1  }
0x142: {  	v3 =	vadd.f32 $5.000000000e-01, v3;
	v4 =	vmul.f32 $7.812499830e-05, v1  }
0x143: {  	v7 =	vcvt.s32.f32 v6;
	v9 =	vcvt.s32.f32 v2;
	v1 =	vld [tilespmem:s25+$0x60]  }
0x144: {  	v8 =	vmul.f32 $7.812499830e-05, v3;
	v3 =	vtrunc.f32 v4  }
0x145: {  	v4 =	vadd.f32 $5.000000000e-01, v7;
	v13 =	vcvt.f32.s32 v3  }
0x146: {  	v7 =	vadd.f32 $5.000000000e-01, v9;
	v8 =	vtrunc.f32 v8;
	v3 =	vld [tilespmem:s25+$0x0]  }
0x147: {  	v8 =	vcvt.f32.s32 v8;
	v10 =	vmul.f32 $7.812499830e-05, v4;
	v4 =	vld [tilespmem:s25+$0x20];
	v11 =	vmul.u32 $0x1FFFCE00, v13  }
0x148: {  	v9 =	vmul.f32 $7.812499830e-05, v7;
	v14 =	vcvt.s32.f32 v1  }
0x149: {  	v15 =	vmul.u32 $0x1FFFCE00, v8;
	v7 =	vtrunc.f32 v10;
	v5 =	vadd.s32 v5, v11  }
0x14a: {  	v10 =	vadd.f32 $5.000000000e-01, v14;
	v7 =	vcvt.f32.s32 v7;
	v5 =	vshll.u32 v5, $0x3  }
0x14b: {  	v14 =	vadd.s32 v12, v15;
	v11 =	vcvt.s32.f32 v3;
	v13 =	vor.u32 v13, v5  }
0x14c: {  	s29 =	simm.s32 $0x80;
	s26 =	sadd.s32 $0x200, s23;
	v14 =	vshll.u32 v14, $0x3;
	v5 =	vld [tilespmem:s25+$0x10];
	v12 =	vcvt.s32.f32 v4;
	[tilespmem:s25+$0x40] =	vst v13;
	v13 =	vmul.u32 $0x1FFFCE00, v7  }
.LBB2_16:
0x14d: {  	s28 =	smov.u32 s29  }
0x14e: {  	s30 =	sadd.s32 s29, s22;
	s31 =	sand.u32 $0xFFFFF000, s26;
	v9 =	vtrunc.f32 v9;
	v10 =	vmul.f32 $7.812499830e-05, v10;
	v8 =	vor.u32 v8, v14;
	s28 =	sadd.s32 $0x80, s29  }
0x14f: {  	p0 =	sne.s32 s29, $0xC00;
	v11 =	vadd.f32 $5.000000000e-01, v11;
	s30 =	sand.u32 $0x380, s30;
	s31 =	sshra.s32 s31, $0x2;
	v6 =	vadd.s32 v6, v13;
	[tilespmem:s25+$0x70] =	vst v8  }
0x150: {  	v9 =	vcvt.f32.s32 v9;
	s29 =	sor.u32 s30, s31;
	v8 =	vadd.f32 $5.000000000e-01, v12;
	v10 =	vtrunc.f32 v10  }
0x151: {  	v11 =	vmul.f32 $7.812499830e-05, v11;
	v6 =	vshll.u32 v6, $0x3;
	v10 =	vcvt.f32.s32 v10;
	v12 =	vld [tilespmem:s29+$0x40]  }
0x152: {  	v14 =	vmul.u32 $0x1FFFCE00, v9;
	v6 =	vor.u32 v7, v6;
	v8 =	vmul.f32 $7.812499830e-05, v8;
	v13 =	vld [tilespmem:s29+$0x70]  }
0x153: {  	v7 =	vtrunc.f32 v11;
	v11 =	vcvt.s32.f32 v5;
	v15 =	vmul.u32 $0x1FFFCE00, v10;
	[tilespmem:s25+$0x50] =	vst v6  }
0x154: {  	v7 =	vcvt.f32.s32 v7;
	v2 =	vadd.s32 v2, v14;
	v8 =	vtrunc.f32 v8  }
0x155: {  	v11 =	vadd.f32 $5.000000000e-01, v11;
	v2 =	vshll.u32 v2, $0x3;
	v1 =	vadd.s32 v1, v15;
	v6 =	vld [tilespmem:s29+$0x50]  }
0x156: {  	v8 =	vcvt.f32.s32 v8;
	v2 =	vor.u32 v9, v2;
	v1 =	vshll.u32 v1, $0x3  }
0x157: {  	v11 =	vmul.f32 $7.812499830e-05, v11;
	v1 =	vor.u32 v10, v1;
	v9 =	vcvt.s32.f32 v13;
	[tilespmem:s25+$0x30] =	vst v2  }
0x158: {  	v14 =	vmul.u32 $0x1FFFCE00, v7;
	v10 =	vcvt.s32.f32 v12;
	v15 =	vmul.u32 $0x1FFFCE00, v8;
	v2 =	vld [tilespmem:s29+$0x30];
	[tilespmem:s25+$0x60] =	vst v1  }
0x159: {  	v11 =	vtrunc.f32 v11;
	v1 =	vld [tilespmem:s29+$0x60];
	v9 =	vadd.f32 $5.000000000e-01, v9  }
0x15a: {  	v3 =	vadd.s32 v3, v14;
	v10 =	vadd.f32 $5.000000000e-01, v10;
	v16 =	vcvt.s32.f32 v6  }
0x15b: {  	v3 =	vshll.u32 v3, $0x3;
	v4 =	vadd.s32 v4, v15;
	v9 =	vmul.f32 $7.812499830e-05, v9  }
0x15c: {  	v11 =	vcvt.f32.s32 v11;
	v10 =	vmul.f32 $7.812499830e-05, v10;
	v14 =	vadd.f32 $5.000000000e-01, v16  }
0x15d: {  	v3 =	vor.u32 v7, v3;
	v15 =	vcvt.s32.f32 v2  }
0x15e: {  	v4 =	vshll.u32 v4, $0x3;
	v7 =	vtrunc.f32 v10;
	v10 =	vmul.f32 $7.812499830e-05, v14;
	[tilespmem:s25+$0x0] =	vst v3  }
0x15f: {  	v4 =	vor.u32 v8, v4;
	v3 =	vld [tilespmem:s29+$0x0];
	v14 =	vadd.f32 $5.000000000e-01, v15;
	v15 =	vcvt.f32.s32 v7  }
0x160: {  	v16 =	vmul.u32 $0x1FFFCE00, v11;
	v8 =	vtrunc.f32 v9;
	v7 =	vcvt.s32.f32 v1;
	[tilespmem:s25+$0x20] =	vst v4  }
0x161: {  	v8 =	vcvt.f32.s32 v8;
	v4 =	vld [tilespmem:s29+$0x20];
	v9 =	vmul.f32 $7.812499830e-05, v14;
	v14 =	vmul.u32 $0x1FFFCE00, v15  }
.Ltmp7:
0x162: {  	v5 =	vadd.s32 v5, v16;
	v17 =	vtrunc.f32 v10;
	v10 =	vadd.f32 $5.000000000e-01, v7;
	(pc) =	sbr.rel @p0 .LBB2_16-.Ltmp7, $4  }
0x163: {  	v5 =	vshll.u32 v5, $0x3;
	v7 =	vadd.s32 v12, v14;
	v12 =	vmul.u32 $0x1FFFCE00, v8  }
0x164: {  	v5 =	vor.u32 v11, v5;
	v14 =	vshll.u32 v7, $0x3;
	v7 =	vcvt.f32.s32 v17  }
0x165: {  	v11 =	vcvt.s32.f32 v3;
	v14 =	vor.u32 v15, v14;
	v15 =	vadd.s32 v13, v12;
	[tilespmem:s25+$0x10] =	vst v5;
	s25 =	smov.u32 s29  }
0x166: {  	s26 =	sadd.s32 $0x200, s26;
	s29 =	smov.u32 s28;
	v5 =	vld [tilespmem:s25+$0x10];
	v12 =	vcvt.s32.f32 v4;
	[tilespmem:s25+$0x40] =	vst v14;
	v13 =	vmul.u32 $0x1FFFCE00, v7;
	v14 =	vshll.u32 v15, $0x3  }
0x167: {  	_ =	sdelay $0x2  }
0x168: {  	v9 =	vtrunc.f32 v9;
	v10 =	vmul.f32 $7.812499830e-05, v10;
	v8 =	vor.u32 v8, v14  }
0x169: {  	v11 =	vadd.f32 $5.000000000e-01, v11;
	v6 =	vadd.s32 v6, v13;
	v56 =	vcvt.s32.f32 v5  }
0x16a: {  	v12 =	vadd.f32 $5.000000000e-01, v12;
	v9 =	vcvt.f32.s32 v9;
	v10 =	vtrunc.f32 v10  }
0x16b: {  	v11 =	vmul.f32 $7.812499830e-05, v11;
	v6 =	vshll.u32 v6, $0x3;
	v13 =	vadd.f32 $5.000000000e-01, v56  }
0x16c: {  	v10 =	vcvt.f32.s32 v10;
	v12 =	vmul.f32 $7.812499830e-05, v12;
	v57 =	vmul.u32 $0x1FFFCE00, v9  }
0x16d: {  	v6 =	vor.u32 v7, v6;
	v58 =	vtrunc.f32 v11;
	v59 =	vmul.f32 $7.812499830e-05, v13  }
0x16e: {  	v60 =	vmul.u32 $0x1FFFCE00, v10;
	v7 =	vcvt.f32.s32 v58;
	v12 =	vtrunc.f32 v12  }
0x16f: {  	v2 =	vadd.s32 v2, v57;
	v12 =	vcvt.f32.s32 v12;
	v11 =	vtrunc.f32 v59  }
0x170: {  	v2 =	vshll.u32 v2, $0x3;
	v61 =	vmul.u32 $0x1FFFCE00, v7;
	v11 =	vcvt.f32.s32 v11  }
0x171: {  	[tilespmem:s25+$0x70] =	vst v8;
	v1 =	vadd.s32 v1, v60;
	v2 =	vor.u32 v9, v2;
	v62 =	vmul.u32 $0x1FFFCE00, v12  }
0x172: {  	[tilespmem:s25+$0x50] =	vst v6;
	v1 =	vshll.u32 v1, $0x3;
	v3 =	vadd.s32 v3, v61;
	v63 =	vmul.u32 $0x1FFFCE00, v11  }
0x173: {  	[tilespmem:s25+$0x30] =	vst v2;
	v1 =	vor.u32 v10, v1;
	v2 =	vshll.u32 v3, $0x3;
	v3 =	vadd.s32 v4, v62  }
0x174: {  	[tilespmem:s25+$0x60] =	vst v1;
	v1 =	vor.u32 v7, v2;
	v2 =	vshll.u32 v3, $0x3;
	v3 =	vadd.s32 v5, v63  }
0x175: {  	s26 =	sand.u32 $0x7F000, s23;
	[tilespmem:s25+$0x0] =	vst v1;
	v1 =	vor.u32 v12, v2;
	v2 =	vshll.u32 v3, $0x3  }
0x176: {  	s26 =	sshrl.u32 s26, $0x2;
	[tilespmem:s25+$0x20] =	vst v1;
	v1 =	vor.u32 v11, v2  }
0x177: {  	s24 =	sor.u32 s24, s26;
	[tilespmem:s25+$0x10] =	vst v1;
	s25 =	simm.s32 $0x6400  }
0x178: {  	[tilespmem:s25], [sflag:$0x1] =	stream.indirect.gather [hbm4b:s4+s13], $0x10, s24, s13, $0xb8;
	[tilespmem:$0x1FC10] =	vst v63  }
0x179: {  	s26 =	smov.u32 s23;
	s24 =	simm.s32 $0x80  }
.LBB2_18:
0x17a: {  	p0 =	sne.s32 s24, $0xC00  }
.Ltmp8:
0x17b: {  	s28 =	sadd.s32 s24, s22;
	s26 =	sadd.s32 $0x200, s26;
	(pc) =	sbr.rel @p0 .LBB2_18-.Ltmp8, $4  }
0x17c: {  	s24 =	sadd.s32 $0x80, s24;
	s29 =	sand.u32 $0x7F000, s26  }
0x17d: {  	s28 =	sand.u32 $0x380, s28;
	s29 =	sshrl.u32 s29, $0x2  }
0x17e: {  	s25 =	sadd.s32 $0x800, s25;
	s28 =	sor.u32 s28, s29  }
0x17f: {  	[tilespmem:s25], [sflag:$0x1] =	stream.indirect.gather [hbm4b:s4+s13], $0x10, s28, s13, $0xb8;
	[tilespmem:$0x1FC10] =	vst v63  }
.LBB2_19:
0x180: {  	_ =	swait.ge [sflag:s16], $0x800  }
0x181: {  	[sflag:s16] =	ssyncset.done $0x0  }
0x182: {  	[sflag:s16] =	ssyncadd.s32 $0xFFFFF800  }
0x183: {  	_ =	swait.ge [sflag:s16], $0x800  }
0x184: {  	[sflag:s16] =	ssyncset.done $0x0  }
0x185: {  	[sflag:s16] =	ssyncadd.s32 $0xFFFFF800  }
0x186: {  	_ =	swait.ge [sflag:s16], $0x800  }
0x187: {  	[sflag:s16] =	ssyncset.done $0x0  }
0x188: {  	[sflag:s16] =	ssyncadd.s32 $0xFFFFF800  }
0x189: {  	_ =	swait.ge [sflag:s16], $0x800  }
0x18a: {  	[sflag:s16] =	ssyncset.done $0x0  }
0x18b: {  	[sflag:s16] =	ssyncadd.s32 $0xFFFFF800  }
0x18c: {  	_ =	swait.ge [sflag:s16], $0x800  }
0x18d: {  	[sflag:s16] =	ssyncset.done $0x0  }
0x18e: {  	[sflag:s16] =	ssyncadd.s32 $0xFFFFF800  }
0x18f: {  	_ =	swait.ge [sflag:s16], $0x800  }
0x190: {  	[sflag:s16] =	ssyncset.done $0x0  }
0x191: {  	[sflag:s16] =	ssyncadd.s32 $0xFFFFF800  }
0x192: {  	_ =	swait.ge [sflag:s16], $0x800  }
0x193: {  	[sflag:s16] =	ssyncset.done $0x0  }
0x194: {  	[sflag:s16] =	ssyncadd.s32 $0xFFFFF800  }
0x195: {  	_ =	swait.ge [sflag:s16], $0x800  }
0x196: {  	[sflag:s16] =	ssyncset.done $0x0  }
0x197: {  	[sflag:s16] =	ssyncadd.s32 $0xFFFFF800  }
0x198: {  	_ =	swait.ge [sflag:s16], $0x800  }
0x199: {  	[sflag:s16] =	ssyncset.done $0x0  }
0x19a: {  	[sflag:s16] =	ssyncadd.s32 $0xFFFFF800  }
0x19b: {  	_ =	swait.ge [sflag:s16], $0x800  }
0x19c: {  	[sflag:s16] =	ssyncset.done $0x0  }
0x19d: {  	[sflag:s16] =	ssyncadd.s32 $0xFFFFF800  }
0x19e: {  	_ =	swait.ge [sflag:s16], $0x800  }
0x19f: {  	[sflag:s16] =	ssyncset.done $0x0  }
0x1a0: {  	[sflag:s16] =	ssyncadd.s32 $0xFFFFF800  }
0x1a1: {  	_ =	swait.ge [sflag:s16], $0x800  }
0x1a2: {  	[sflag:s16] =	ssyncset.done $0x0  }
0x1a3: {  	[sflag:s16] =	ssyncadd.s32 $0xFFFFF800  }
0x1a4: {  	_ =	swait.ge [sflag:s16], $0x800  }
0x1a5: {  	[sflag:s16] =	ssyncset.done $0x0  }
0x1a6: {  	[sflag:s16] =	ssyncadd.s32 $0xFFFFF800  }
0x1a7: {  	_ =	swait.ge [sflag:s16], $0x800  }
0x1a8: {  	[sflag:s16] =	ssyncset.done $0x0  }
0x1a9: {  	[sflag:s16] =	ssyncadd.s32 $0xFFFFF800  }
0x1aa: {  	_ =	swait.ge [sflag:s16], $0x800  }
0x1ab: {  	[sflag:s16] =	ssyncset.done $0x0  }
0x1ac: {  	[sflag:s16] =	ssyncadd.s32 $0xFFFFF800  }
0x1ad: {  	_ =	swait.ge [sflag:s16], $0x800  }
0x1ae: {  	[sflag:s16] =	ssyncset.done $0x0  }
0x1af: {  	[sflag:s16] =	ssyncadd.s32 $0xFFFFF800  }
0x1b0: {  	_ =	swait.ge [sflag:s16], $0x800  }
0x1b1: {  	[sflag:s16] =	ssyncset.done $0x0  }
0x1b2: {  	[sflag:s16] =	ssyncadd.s32 $0xFFFFF800  }
0x1b3: {  	_ =	swait.ge [sflag:s16], $0x800  }
0x1b4: {  	[sflag:s16] =	ssyncset.done $0x0  }
0x1b5: {  	[sflag:s16] =	ssyncadd.s32 $0xFFFFF800  }
0x1b6: {  	_ =	swait.ge [sflag:s16], $0x800  }
0x1b7: {  	[sflag:s16] =	ssyncset.done $0x0  }
0x1b8: {  	[sflag:s16] =	ssyncadd.s32 $0xFFFFF800  }
0x1b9: {  	_ =	swait.ge [sflag:s16], $0x800  }
0x1ba: {  	[sflag:s16] =	ssyncset.done $0x0  }
0x1bb: {  	[sflag:s16] =	ssyncadd.s32 $0xFFFFF800  }
0x1bc: {  	_ =	swait.ge [sflag:s16], $0x800  }
0x1bd: {  	[sflag:s16] =	ssyncset.done $0x0  }
0x1be: {  	[sflag:s16] =	ssyncadd.s32 $0xFFFFF800  }
0x1bf: {  	_ =	swait.ge [sflag:s16], $0x800  }
0x1c0: {  	[sflag:s16] =	ssyncset.done $0x0  }
0x1c1: {  	[sflag:s16] =	ssyncadd.s32 $0xFFFFF800  }
0x1c2: {  	_ =	swait.ge [sflag:s16], $0x800  }
0x1c3: {  	[sflag:s16] =	ssyncset.done $0x0  }
0x1c4: {  	[sflag:s16] =	ssyncadd.s32 $0xFFFFF800  }
0x1c5: {  	_ =	swait.ge [sflag:s16], $0x800  }
0x1c6: {  	[sflag:s16] =	ssyncset.done $0x0  }
0x1c7: {  	[sflag:s16] =	ssyncadd.s32 $0xFFFFF800  }
0x1c8: {  	_ =	swait.ge [sflag:s16], $0x800  }
0x1c9: {  	[sflag:s16] =	ssyncset.done $0x0  }
0x1ca: {  	s24 =	simm.s32 $0x0;
	[sflag:s16] =	ssyncadd.s32 $0xFFFFF800  }
0x1cb: {  	v4 =	vld [tilespmem:s24+$0x19C00]  }
0x1cc: {  	v1 =	vld [tilespmem:s24+$0x1CC00]  }
0x1cd: {  	v2 =	vld [tilespmem:s24+$0x1D400]  }
0x1ce: {  	v6 =	vld [tilespmem:s24+$0x17400]  }
0x1cf: {  	v3 =	vld [tilespmem:s24+$0x1A400]  }
0x1d0: {  	v5 =	vld [tilespmem:s24+$0x1AC00]  }
0x1d1: {  	v10 =	vld [tilespmem:s24+$0x14C00]  }
0x1d2: {  	v7 =	vld [tilespmem:s24+$0x17C00]  }
0x1d3: {  	v8 =	vld [tilespmem:s24+$0x18400]  }
0x1d4: {  	v9 =	vld [tilespmem:s24+$0x15400]  }
0x1d5: {  	v11 =	vld [tilespmem:s24+$0x12C00]  }
0x1d6: {  	v12 =	vld [tilespmem:s24+$0x13400]  }
0x1d7: {  	v13 =	vld [tilespmem:s24+$0x13C00]  }
0x1d8: {  	s25 =	simm.s32 $0x40;
	v14 =	vld [tilespmem:s24+$0x14400]  }
.LBB2_20:
0x1d9: {  	p0 =	sne.s32 s25, $0x1FC0;
	v15 =	vld [tilespmem:s24+$0x15C00]  }
0x1da: {  	v16 =	vld [tilespmem:s24+$0x16400]  }
0x1db: {  	v10 =	vadd.f32 $0.0e+00, v10;
	v17 =	vld [tilespmem:s24+$0x16C00]  }
0x1dc: {  	v11 =	vadd.f32 $0.0e+00, v11;
	v12 =	vadd.f32 $0.0e+00, v12;
	v18 =	vld [tilespmem:s24+$0x18C00]  }
0x1dd: {  	v13 =	vadd.f32 $0.0e+00, v13;
	v14 =	vadd.f32 $0.0e+00, v14;
	v19 =	vld [tilespmem:s24+$0x19400]  }
0x1de: {  	v6 =	vadd.f32 v6, v10;
	v9 =	vadd.f32 v9, v11;
	v10 =	vld [tilespmem:s24+$0x1B400]  }
0x1df: {  	v11 =	vadd.f32 v15, v12;
	v12 =	vadd.f32 v16, v13;
	v13 =	vld [tilespmem:s24+$0x1BC00]  }
0x1e0: {  	v15 =	vadd.f32 v4, v6;
	v14 =	vadd.f32 v17, v14;
	v6 =	vld [tilespmem:s24+$0x1DC00]  }
0x1e1: {  	v4 =	vadd.f32 v7, v9;
	v7 =	vadd.f32 v8, v11;
	v8 =	vld [tilespmem:s24+$0x1E400]  }
0x1e2: {  	v9 =	vadd.f32 v18, v12;
	v11 =	vadd.f32 v19, v14;
	v12 =	vld [tilespmem:s24+$0x1C400]  }
0x1e3: {  	s26 =	sshra.s32 s25, $0x2;
	v3 =	vadd.f32 v3, v4;
	v5 =	vadd.f32 v5, v7;
	v7 =	vld [tilespmem:s24+$0x1EC00]  }
0x1e4: {  	v9 =	vadd.f32 v10, v9;
	v4 =	vld [tilespmem:s26+$0x19C00];
	v10 =	vadd.f32 v13, v11  }
0x1e5: {  	v11 =	vadd.f32 v1, v3;
	v5 =	vadd.f32 v2, v5;
	v1 =	vld [tilespmem:s26+$0x1CC00]  }
0x1e6: {  	v9 =	vadd.f32 v6, v9;
	v2 =	vld [tilespmem:s26+$0x1D400];
	v8 =	vadd.f32 v8, v10  }
0x1e7: {  	v6 =	vld [tilespmem:s26+$0x17400];
	v10 =	vadd.f32 v12, v15  }
0x1e8: {  	v11 =	vadd.f32 v5, v11;
	v3 =	vld [tilespmem:s26+$0x1A400];
	v8 =	vadd.f32 v8, v9  }
0x1e9: {  	v12 =	vld [tilespmem:s24+$0x1F400]  }
0x1ea: {  	v9 =	vadd.f32 v7, v10;
	v5 =	vld [tilespmem:s26+$0x1AC00];
	v8 =	vadd.f32 v8, v11  }
0x1eb: {  	v10 =	vld [tilespmem:s26+$0x14C00]  }
0x1ec: {  	v7 =	vld [tilespmem:s26+$0x17C00];
	v11 =	vadd.f32 v8, v9  }
0x1ed: {  	v8 =	vld [tilespmem:s26+$0x18400]  }
.Ltmp9:
0x1ee: {  	v9 =	vld [tilespmem:s26+$0x15400];
	v13 =	vadd.f32 v11, v12;
	(pc) =	sbr.rel @p0 .LBB2_20-.Ltmp9, $4  }
0x1ef: {  	v11 =	vld [tilespmem:s26+$0x12C00]  }
0x1f0: {  	v12 =	vld [tilespmem:s26+$0x13400];
	[tilespmem:s24+$0x1F400] =	vst v13;
	s24 =	smov.u32 s26  }
0x1f1: {  	v13 =	vld [tilespmem:s24+$0x13C00]  }
0x1f2: {  	s25 =	sadd.s32 $0x40, s25;
	v14 =	vld [tilespmem:s24+$0x14400]  }
0x1f3: {  	v15 =	vld [tilespmem:s24+$0x15C00]  }
0x1f4: {  	v16 =	vld [tilespmem:s24+$0x16400]  }
0x1f5: {  	v10 =	vadd.f32 $0.0e+00, v10;
	v17 =	vld [tilespmem:s24+$0x16C00]  }
0x1f6: {  	v18 =	vld [tilespmem:s24+$0x18C00];
	v11 =	vadd.f32 $0.0e+00, v11;
	v12 =	vadd.f32 $0.0e+00, v12  }
0x1f7: {  	v19 =	vld [tilespmem:s24+$0x19400];
	v6 =	vadd.f32 v6, v10;
	v13 =	vadd.f32 $0.0e+00, v13  }
0x1f8: {  	v51 =	vld [tilespmem:s24+$0x1B400];
	v9 =	vadd.f32 v9, v11;
	v14 =	vadd.f32 $0.0e+00, v14  }
0x1f9: {  	v54 =	vld [tilespmem:s24+$0x1BC00];
	v4 =	vadd.f32 v4, v6;
	v52 =	vadd.f32 v15, v12  }
0x1fa: {  	v55 =	vld [tilespmem:s24+$0x1DC00];
	v53 =	vadd.f32 v16, v13;
	v14 =	vadd.f32 v17, v14  }
0x1fb: {  	v56 =	vld [tilespmem:s24+$0x1E400];
	v7 =	vadd.f32 v7, v9;
	v8 =	vadd.f32 v8, v52  }
0x1fc: {  	v59 =	vld [tilespmem:s24+$0x1C400];
	v57 =	vadd.f32 v18, v53;
	v58 =	vadd.f32 v19, v14  }
0x1fd: {  	v3 =	vadd.f32 v3, v7;
	v5 =	vadd.f32 v5, v8  }
0x1fe: {  	v60 =	vadd.f32 v51, v57;
	v61 =	vadd.f32 v54, v58  }
0x1ff: {  	v62 =	vld [tilespmem:s24+$0x1EC00];
	v1 =	vadd.f32 v1, v3;
	v2 =	vadd.f32 v2, v5  }
0x200: {  	v3 =	vadd.f32 v55, v60;
	v63 =	vadd.f32 v56, v61  }
0x201: {  	v4 =	vadd.f32 v59, v4  }
0x202: {  	v1 =	vadd.f32 v2, v1;
	v2 =	vadd.f32 v63, v3  }
0x203: {  	v3 =	vld [tilespmem:s24+$0x1F400]  }
0x204: {  	s19 =	sadd.s32 $0x1, s19;
	v4 =	vadd.f32 v62, v4;
	v1 =	vadd.f32 v2, v1  }
0x205: {  	p0 =	sne.s32 s19, $0x4  }
.Ltmp10:
0x206: {  	v1 =	vadd.f32 v1, v4;
	(pc) =	sbr.rel @p0 .LBB2_8-.Ltmp10, $4  }
0x207: {  	_ = 	snop  }
0x208: {  	v1 =	vadd.f32 v1, v3  }
0x209: {  	s20 =	sadd.s32 $0x1900, s20  }
0x20a: {  	s21 =	sadd.s32 $0x6400, s21;
	s22 =	sadd.s32 $0x1900, s22;
	s23 =	sadd.s32 $0x6400, s23;
	[tilespmem:s24+$0x1F400] =	vst v1  }
0x20b: {  	s18 =	sadd.s32 $0x1, s18  }
0x20c: {  	p0 =	sne.s32 s18, s8  }
.Ltmp11:
0x20d: {  	_ = 	snop;
	(pc) =	sbr.rel @p0 .LBB2_1-.Ltmp11, $4  }
0x20e: {  	[hbm4b:s7+s3] =	stream.linear.scatter [tilespmem:s17], [sflag:$0x3], $0x800, $0x38;
	[tilespmem:$0x1FC10] =	vst v63  }
0x20f: {  	_ =	swait.ge [sflag:s10], $0x800  }
0x210: {  	[sflag:s10] =	ssyncset.done $0x0  }
0x211: {  	[sflag:s10] =	ssyncadd.s32 $0xFFFFF800  }
0x212: {  	_ =	sfence.sel $0x180000  }
0x213: {  	[bflag:$0x0] =	sbarrier.arrive $0xFFFF  }
0x214: {  	p0 =	sne.s32 s2, $0x0;
	_ =	strace $0x90000047  }
0x215: {  	s0 =	sadd.s32 @!p0 $0x100000, s0;
	[bflag:$0x2] =	sbarrier.arrive $0xFFFF  }
0x216: {  	[sflag:s0] =	ssyncadd.tile.s32 @!p0 $0x1;
	_ =	shalt  }
.Lfunc_end2:
_tile_overlayer_lowered:
.L_overlay_start_2:
0x217: {  	(tag) =	ssettag $0x2  }
0x218: {  	s0 =	rddreg [dreg:$0x0];
	s2 =	stileid.u32  }
0x219: {  	s1 =	rddreg [dreg:$0x1];
	p0 =	sne.s32 s2, $0x0  }
0x21a: {  	s3 =	rddreg [dreg:$0x2];
	[bflag:$0x3] =	sbarrier.arrive $0xFFFF;
	s2 =	simm.s32 @!p0 $0x1C03  }
0x21b: {  	[timem:s3], [sflag:s2] =	dma.local @!p0 [hbm:s0], s1  }
0x21c: {  	s0 =	simm.s32 @!p0 $0x3  }
0x21d: {  	_ =	swait.ge @!p0 [sflag:s0], s1  }
0x21e: {  	s1 =	ssub.s32 @!p0 $0x0, s1;
	[sflag:s0] =	ssyncset.done @!p0 $0x0  }
0x21f: {  	[sflag:s0] =	ssyncadd.s32 @!p0 s1  }
0x220: {  	[bflag:$0x3] =	sbarrier.arrive $0xFFFF  }
0x221: {  	_ =	shalt  }

</sc_bundles>
